<compile_context>
chip_gen: v7x
topology: tpu7x:2x2x1
jax: 0.10.2.dev20260603
libtpu: 0.0.44.dev20260713+nightly
codegen_flags: <defaults>
</compile_context>

<pallas_src>
import functools

import jax
import jax.numpy as jnp
from jax import lax
from jax.experimental import pallas as pl
from jax.experimental.pallas import tpu as pltpu
from jax.experimental.pallas import tpu_sc as plsc

N = 10000
E = 320000
D = 128
DE = 16
Z2 = 2 * D

NC = 2
NS = 16
NW = NC * NS
EPW = E // NW
CHUNK = 80
ROWS_PER_TILE = N // NS

_mesh = plsc.VectorSubcoreMesh(core_axis_name="c", subcore_axis_name="s")


GCH = 96
GNCH = EPW // GCH
GTAIL = EPW - GNCH * GCH


def _accum_rows(dst_buf, src_buf, nrows):
    def row(i, c):
        for j in range(Z2 // 16):
            plsc.addupdate(dst_buf.at[i, pl.ds(j * 16, 16)],
                           src_buf[i, pl.ds(j * 16, 16)])
        return c
    lax.fori_loop(0, nrows, row, 0)


@functools.partial(
    pl.kernel,
    out_type=jax.ShapeDtypeStruct((E, Z2), jnp.float32),
    mesh=_mesh,
    scratch_types=[
        pltpu.VMEM((EPW,), jnp.int32),
        pltpu.VMEM((EPW,), jnp.int32),
        pltpu.VMEM((GCH, Z2), jnp.float32),
        pltpu.VMEM((GCH, Z2), jnp.float32),
        pltpu.VMEM((GCH, Z2), jnp.float32),
        pltpu.VMEM((GCH, Z2), jnp.float32),
        pltpu.SemaphoreType.DMA,
        pltpu.SemaphoreType.DMA,
        pltpu.SemaphoreType.DMA,
        pltpu.SemaphoreType.DMA,
        pltpu.SemaphoreType.DMA,
        pltpu.SemaphoreType.DMA,
    ],
)
def _gather_call(td_hbm, ts_hbm, di_hbm, si_hbm, g_hbm,
                 idxd, idxs, d0, s0, d1, s1,
                 gd0, gs0, gd1, gs1, w0, w1):
    wid = lax.axis_index("s") * NC + lax.axis_index("c")
    base = wid * EPW

    dbuf = (d0, d1)
    sbuf = (s0, s1)
    gdsem = (gd0, gd1)
    gssem = (gs0, gs1)
    wsem = (w0, w1)

    def start_gather(b, off_local, n):
        pltpu.async_copy(td_hbm.at[idxd.at[pl.ds(off_local, n)]],
                         dbuf[b].at[pl.ds(0, n)], gdsem[b])
        pltpu.async_copy(ts_hbm.at[idxs.at[pl.ds(off_local, n)]],
                         sbuf[b].at[pl.ds(0, n)], gssem[b])

    def wait_gather(b, off_local, n):
        pltpu.make_async_copy(td_hbm.at[idxd.at[pl.ds(off_local, n)]],
                              dbuf[b].at[pl.ds(0, n)], gdsem[b]).wait()
        pltpu.make_async_copy(ts_hbm.at[idxs.at[pl.ds(off_local, n)]],
                              sbuf[b].at[pl.ds(0, n)], gssem[b]).wait()

    def start_wb(b, off_local, n):
        pltpu.async_copy(dbuf[b].at[pl.ds(0, n)],
                         g_hbm.at[pl.ds(base + off_local, n)], wsem[b])

    def wait_wb(b, off_local, n):
        pltpu.make_async_copy(dbuf[b].at[pl.ds(0, n)],
                              g_hbm.at[pl.ds(base + off_local, n)],
                              wsem[b]).wait()

    pltpu.sync_copy(di_hbm.at[pl.ds(base, EPW)], idxd)
    pltpu.sync_copy(si_hbm.at[pl.ds(base, EPW)], idxs)

    start_gather(0, 0, GCH)
    start_gather(1, GCH, GCH)

    def pair(k, carry):
        ce = 2 * k * GCH
        wait_gather(0, ce - 2 * GCH, GCH)
        _accum_rows(dbuf[0], sbuf[0], GCH)
        start_wb(0, ce - 2 * GCH, GCH)
        wait_gather(1, ce - GCH, GCH)
        _accum_rows(dbuf[1], sbuf[1], GCH)
        start_wb(1, ce - GCH, GCH)
        wait_wb(0, ce - 2 * GCH, GCH)
        start_gather(0, ce, GCH)
        wait_wb(1, ce - GCH, GCH)
        start_gather(1, ce + GCH, GCH)
        return carry

    lax.fori_loop(1, GNCH // 2, pair, 0)

    off0 = (GNCH - 2) * GCH
    off1 = (GNCH - 1) * GCH
    wait_gather(0, off0, GCH)
    _accum_rows(dbuf[0], sbuf[0], GCH)
    start_wb(0, off0, GCH)
    wait_gather(1, off1, GCH)
    _accum_rows(dbuf[1], sbuf[1], GCH)
    start_wb(1, off1, GCH)
    wait_wb(0, off0, GCH)
    toff = GNCH * GCH
    start_gather(0, toff, GTAIL)
    wait_gather(0, toff, GTAIL)
    _accum_rows(dbuf[0], sbuf[0], GTAIL)
    start_wb(0, toff, GTAIL)
    wait_wb(0, toff, GTAIL)
    wait_wb(1, off1, GCH)


@functools.partial(
    pl.kernel,
    out_type=jax.ShapeDtypeStruct((NC, N, D), jnp.float32),
    mesh=_mesh,
    scratch_types=[
        pltpu.VMEM((GCH,), jnp.int32),
        pltpu.VMEM((GCH,), jnp.int32),
        pltpu.VMEM((GTAIL,), jnp.int32),
        pltpu.VMEM((GCH, D), jnp.float32),
        pltpu.VMEM((GCH, D), jnp.float32),
        pltpu.VMEM_SHARED((N, D), jnp.float32),
        pltpu.SemaphoreType.DMA,
        pltpu.SemaphoreType.DMA,
    ],
)
def _scatter_call(msg_hbm, di_hbm, zeros_hbm, out_hbm,
                  i0, i1, i_t, m0, m1, agg_sh, r0sem, r1sem):
    cid = lax.axis_index("c")
    sid = lax.axis_index("s")
    wid = sid * NC + cid
    base = wid * EPW

    ibuf = (i0, i1)
    mbuf = (m0, m1)
    rsem = (r0sem, r1sem)

    @pl.when(sid < NS - 1)
    def _():
        pltpu.sync_copy(zeros_hbm.at[pl.ds(sid * 640, 640)],
                        agg_sh.at[pl.ds(sid * 640, 640)])

    @pl.when(sid == NS - 1)
    def _():
        pltpu.sync_copy(zeros_hbm.at[pl.ds((NS - 1) * 640, N - 640 * (NS - 1))],
                        agg_sh.at[pl.ds((NS - 1) * 640, N - 640 * (NS - 1))])

    plsc.subcore_barrier()

    def start_read(b, off_local, n):
        pltpu.async_copy(di_hbm.at[pl.ds(base + off_local, n)],
                         ibuf[b].at[pl.ds(0, n)], rsem[b])
        pltpu.async_copy(msg_hbm.at[pl.ds(base + off_local, n)],
                         mbuf[b].at[pl.ds(0, n)], rsem[b])

    def wait_read(b, off_local, n):
        pltpu.make_async_copy(di_hbm.at[pl.ds(base + off_local, n)],
                              ibuf[b].at[pl.ds(0, n)], rsem[b]).wait()
        pltpu.make_async_copy(msg_hbm.at[pl.ds(base + off_local, n)],
                              mbuf[b].at[pl.ds(0, n)], rsem[b]).wait()

    start_read(0, 0, GCH)
    start_read(1, GCH, GCH)

    def pair(k, carry):
        ce = 2 * k * GCH
        wait_read(0, ce - 2 * GCH, GCH)
        pltpu.sync_copy(m0, agg_sh.at[i0], add=True)
        start_read(0, ce, GCH)
        wait_read(1, ce - GCH, GCH)
        pltpu.sync_copy(m1, agg_sh.at[i1], add=True)
        start_read(1, ce + GCH, GCH)
        return carry

    lax.fori_loop(1, GNCH // 2, pair, 0)

    off0 = (GNCH - 2) * GCH
    off1 = (GNCH - 1) * GCH
    wait_read(0, off0, GCH)
    pltpu.sync_copy(m0, agg_sh.at[i0], add=True)
    wait_read(1, off1, GCH)
    pltpu.sync_copy(m1, agg_sh.at[i1], add=True)
    toff = GNCH * GCH
    pltpu.sync_copy(di_hbm.at[pl.ds(base + toff, GTAIL)], i_t)
    pltpu.sync_copy(msg_hbm.at[pl.ds(base + toff, GTAIL)], m0.at[pl.ds(0, GTAIL)])
    pltpu.sync_copy(m0.at[pl.ds(0, GTAIL)], agg_sh.at[i_t], add=True)

    plsc.subcore_barrier()

    def out_body(j, carry):
        r0 = sid * 640 + j * 80
        pltpu.sync_copy(agg_sh.at[pl.ds(r0, 80)], m0.at[pl.ds(0, 80)])
        pltpu.sync_copy(m0.at[pl.ds(0, 80)], out_hbm.at[cid, pl.ds(r0, 80)])
        return carry

    nchunks = jnp.where(sid == NS - 1, (N - 640 * (NS - 1)) // 80, 640 // 80)
    lax.fori_loop(0, nchunks, out_body, 0)


def _tables_body(x_ref, w1_ref, w2_ref, td_ref, ts_ref):
    xb = x_ref[...]
    td_ref[...] = jnp.dot(xb, w1_ref[...], preferred_element_type=jnp.float32)
    ts_ref[...] = jnp.dot(xb, w2_ref[...], preferred_element_type=jnp.float32)


BN_TAB = 2000
_tables_call = pl.pallas_call(
    _tables_body,
    grid=(N // BN_TAB,),
    in_specs=[
        pl.BlockSpec((BN_TAB, D), lambda i: (i, 0)),
        pl.BlockSpec((D, Z2), lambda i: (0, 0)),
        pl.BlockSpec((D, Z2), lambda i: (0, 0)),
    ],
    out_specs=[
        pl.BlockSpec((BN_TAB, Z2), lambda i: (i, 0)),
        pl.BlockSpec((BN_TAB, Z2), lambda i: (i, 0)),
    ],
    out_shape=[jax.ShapeDtypeStruct((N, Z2), jnp.float32)] * 2,
)


def _act_body(g_ref, ea_ref, wet_ref, bcat_ref, msg_ref):
    u = (g_ref[...]
         + jnp.dot(ea_ref[...], wet_ref[...], preferred_element_type=jnp.float32)
         + bcat_ref[...])
    gate = jax.nn.sigmoid(u[:, :D])
    filt = jax.nn.softplus(u[:, D:])
    msg_ref[...] = gate * filt


BE_ACT = 4000
_act_call = pl.pallas_call(
    _act_body,
    grid=(E // BE_ACT,),
    in_specs=[
        pl.BlockSpec((BE_ACT, Z2), lambda i: (i, 0)),
        pl.BlockSpec((BE_ACT, DE), lambda i: (i, 0)),
        pl.BlockSpec((DE, Z2), lambda i: (0, 0)),
        pl.BlockSpec((1, Z2), lambda i: (0, 0)),
    ],
    out_specs=pl.BlockSpec((BE_ACT, D), lambda i: (i, 0)),
    out_shape=jax.ShapeDtypeStruct((E, D), jnp.float32),
)


def _final_body(x_ref, p_ref, wd_ref, bd_ref, out_ref, acc_ref):
    i = pl.program_id(0)

    @pl.when(i == 0)
    def _():
        acc_ref[...] = jnp.zeros_like(acc_ref)

    s = jnp.maximum(x_ref[...] + p_ref[0] + p_ref[1], 0.0)
    acc_ref[...] += jnp.sum(s, axis=0, keepdims=True)

    @pl.when(i == pl.num_programs(0) - 1)
    def _():
        out_ref[...] = jnp.sum(acc_ref[...] * wd_ref[...]) + bd_ref[...]


BN_FIN = 1000
_final_call = pl.pallas_call(
    _final_body,
    grid=(N // BN_FIN,),
    in_specs=[
        pl.BlockSpec((BN_FIN, D), lambda i: (i, 0)),
        pl.BlockSpec((NC, BN_FIN, D), lambda i: (0, i, 0)),
        pl.BlockSpec((1, D), lambda i: (0, 0)),
        pl.BlockSpec((1, D), lambda i: (0, 0)),
    ],
    out_specs=pl.BlockSpec((1, D), lambda i: (0, 0)),
    out_shape=jax.ShapeDtypeStruct((1, D), jnp.float32),
    scratch_shapes=[pltpu.VMEM((1, D), jnp.float32)],
)


def kernel(x, edge_index, edge_attr, Wf, bf, Ws, bs, Wd, bd):
    ei = edge_index.astype(jnp.int32)
    src = ei[0]
    dst = ei[1]
    w1 = jnp.concatenate([Wf[:, :D], Ws[:, :D]], axis=0).T
    w2 = jnp.concatenate([Wf[:, D:2 * D], Ws[:, D:2 * D]], axis=0).T
    wet = jnp.concatenate([Wf[:, 2 * D:], Ws[:, 2 * D:]], axis=0).T
    bcat = jnp.concatenate([bf, bs]).reshape(1, Z2)

    td, ts = _tables_call(x, w1, w2)
    g = _gather_call(td, ts, dst, src)
    msg = _act_call(g, edge_attr, wet, bcat)
    partials = _scatter_call(msg, dst, jnp.zeros((N, D), jnp.float32))
    outv = _final_call(x, partials, Wd, jnp.broadcast_to(bd, (1, D)))
    return outv[0, :1]

# --- scband reference (transcript-rebuilt; emitter-appended) ---
"""Pipeline reference for scband-cgcnnet-l1-sum-74955769249870 (READ-ONLY COPY).

The authoritative reference and input builder live on the scoring server;
editing this copy changes nothing except your own understanding.
"""

import jax, jax.numpy as jnp
import numpy as np

N = 10000
E = 320000
D = 128
DE = 16

def setup_inputs(seed: int = 0) -> dict:
    key = jax.random.key(seed)
    ks = jax.random.split(key, 10)
    x = jax.random.normal(ks[0], (N, D), dtype=jnp.float32)
    edge_index = jax.random.randint(ks[1], (2, E), 0, N, dtype=jnp.int64)
    edge_attr = jax.random.normal(ks[2], (E, DE), dtype=jnp.float32)
    zdim = 2 * D + DE
    # CGConv gating/filter linear layers: Linear(2*channels + dim, channels)
    Wf = jax.random.normal(ks[3], (D, zdim), dtype=jnp.float32) * 0.05
    bf = jax.random.normal(ks[4], (D,), dtype=jnp.float32) * 0.05
    Ws = jax.random.normal(ks[5], (D, zdim), dtype=jnp.float32) * 0.05
    bs = jax.random.normal(ks[6], (D,), dtype=jnp.float32) * 0.05
    # final dense Linear(channels, 1)
    Wd = jax.random.normal(ks[7], (1, D), dtype=jnp.float32) * 0.05
    bd = jax.random.normal(ks[8], (1,), dtype=jnp.float32) * 0.05
    return {"x": x, "edge_index": edge_index, "edge_attr": edge_attr,
            "Wf": Wf, "bf": bf, "Ws": Ws, "bs": bs, "Wd": Wd, "bd": bd}

def reference(x, edge_index, edge_attr, Wf, bf, Ws, bs, Wd, bd):
    # CGConv (PyG): edge_index[0] = source j, edge_index[1] = target i
    src = edge_index[0]
    dst = edge_index[1]
    x_i = jnp.take(x, dst, axis=0)
    x_j = jnp.take(x, src, axis=0)
    z = jnp.concatenate([x_i, x_j, edge_attr], axis=1)
    gate = jax.nn.sigmoid(z @ Wf.T + bf)
    filt = jax.nn.softplus(z @ Ws.T + bs)
    msg = gate * filt
    agg = jnp.zeros_like(x).at[dst].add(msg)
    out = x + agg  # residual in CGConv
    out = jax.nn.relu(out)
    # dropout is identity at inference
    pooled = jnp.sum(out, axis=0)
    return pooled @ Wd.T + bd  # shape (1,)

if __name__ == "__main__":
    import jax
    _d = setup_inputs()
    print(jax.jit(kernel)(*tuple(_d.values())))

</pallas_src>

<mosaic_0001>
#map = affine_map<(d0, d1) -> (0, 0)>
#map1 = affine_map<(d0, d1) -> (0)>
module attributes {stable_mosaic.version = 14 : i64} {
  func.func @_gather_call(%arg0: i32, %arg1: i32, %arg2: memref<10000x256xf32, #tpu.memory_space<hbm>>, %arg3: memref<10000x256xf32, #tpu.memory_space<hbm>>, %arg4: memref<320000xi32, #tpu.memory_space<hbm>>, %arg5: memref<320000xi32, #tpu.memory_space<hbm>>, %arg6: memref<320000x256xf32, #tpu.memory_space<hbm>>, %arg7: memref<10000xi32, #tpu.memory_space<vmem>>, %arg8: memref<10000xi32, #tpu.memory_space<vmem>>, %arg9: memref<96x256xf32, #tpu.memory_space<vmem>>, %arg10: memref<96x256xf32, #tpu.memory_space<vmem>>, %arg11: memref<96x256xf32, #tpu.memory_space<vmem>>, %arg12: memref<96x256xf32, #tpu.memory_space<vmem>>, %arg13: memref<!tpu.dma_semaphore, #tpu.memory_space<semaphore_mem>>, %arg14: memref<!tpu.dma_semaphore, #tpu.memory_space<semaphore_mem>>, %arg15: memref<!tpu.dma_semaphore, #tpu.memory_space<semaphore_mem>>, %arg16: memref<!tpu.dma_semaphore, #tpu.memory_space<semaphore_mem>>, %arg17: memref<!tpu.dma_semaphore, #tpu.memory_space<semaphore_mem>>, %arg18: memref<!tpu.dma_semaphore, #tpu.memory_space<semaphore_mem>>) attributes {dimension_semantics = [#tpu.dimension_semantics<core_parallel>, #tpu.dimension_semantics<subcore_parallel>], iteration_bounds = array<i64: 2, 16>, scalar_prefetch = 0 : i64, scratch_operands = 12 : i64, tpu.core_type = #tpu.core_type<sc_vector_subcore>, window_params = [{transform_indices = #map}, {transform_indices = #map}, {transform_indices = #map1}, {transform_indices = #map1}, {transform_indices = #map}]} {
    %mul3A = arith.constant 2 : i32
    %mul3A_0 = arith.muli %arg1, %mul3A : i32
    %add3A = arith.addi %mul3A_0, %arg0 : i32
    %mul3A_1 = arith.constant 10000 : i32
    %mul3A_2 = arith.muli %add3A, %mul3A_1 : i32
    "tpu.region"() ({
      %run_scoped3A = tpu.sem_alloc : memref<!tpu.dma_semaphore, #tpu.memory_space<semaphore_mem>>
      %dma_start3A_192 = tpu.memref_slice %arg4[%mul3A_2] : memref<320000xi32, #tpu.memory_space<hbm>> -> memref<10000xi32, #tpu.memory_space<hbm>>
      %dma_start3A_193 = tpu.memref_slice %arg4[%mul3A_2] : memref<320000xi32, #tpu.memory_space<hbm>> -> memref<10000xi32, #tpu.memory_space<hbm>>
      tpu.enqueue_dma source(%dma_start3A_193 : memref<10000xi32, #tpu.memory_space<hbm>>) target(%arg7 : memref<10000xi32, #tpu.memory_space<vmem>>) target_semaphore(%run_scoped3A : memref<!tpu.dma_semaphore, #tpu.memory_space<semaphore_mem>>)
      %dma_wait3A_194 = tpu.memref_slice %arg4[%mul3A_2] : memref<320000xi32, #tpu.memory_space<hbm>> -> memref<10000xi32, #tpu.memory_space<hbm>>
      %dma_wait3A_195 = tpu.memref_slice %arg4[%mul3A_2] : memref<320000xi32, #tpu.memory_space<hbm>> -> memref<10000xi32, #tpu.memory_space<hbm>>
      tpu.wait_dma2 semaphore(%run_scoped3A : memref<!tpu.dma_semaphore, #tpu.memory_space<semaphore_mem>>) src(%dma_wait3A_195 : memref<10000xi32, #tpu.memory_space<hbm>>) dst(%arg7 : memref<10000xi32, #tpu.memory_space<vmem>>)
      tpu.yield
    }) : () -> ()
    "tpu.region"() ({
      %run_scoped3A = tpu.sem_alloc : memref<!tpu.dma_semaphore, #tpu.memory_space<semaphore_mem>>
      %dma_start3A_192 = tpu.memref_slice %arg5[%mul3A_2] : memref<320000xi32, #tpu.memory_space<hbm>> -> memref<10000xi32, #tpu.memory_space<hbm>>
      %dma_start3A_193 = tpu.memref_slice %arg5[%mul3A_2] : memref<320000xi32, #tpu.memory_space<hbm>> -> memref<10000xi32, #tpu.memory_space<hbm>>
      tpu.enqueue_dma source(%dma_start3A_193 : memref<10000xi32, #tpu.memory_space<hbm>>) target(%arg8 : memref<10000xi32, #tpu.memory_space<vmem>>) target_semaphore(%run_scoped3A : memref<!tpu.dma_semaphore, #tpu.memory_space<semaphore_mem>>)
      %dma_wait3A_194 = tpu.memref_slice %arg5[%mul3A_2] : memref<320000xi32, #tpu.memory_space<hbm>> -> memref<10000xi32, #tpu.memory_space<hbm>>
      %dma_wait3A_195 = tpu.memref_slice %arg5[%mul3A_2] : memref<320000xi32, #tpu.memory_space<hbm>> -> memref<10000xi32, #tpu.memory_space<hbm>>
      tpu.wait_dma2 semaphore(%run_scoped3A : memref<!tpu.dma_semaphore, #tpu.memory_space<semaphore_mem>>) src(%dma_wait3A_195 : memref<10000xi32, #tpu.memory_space<hbm>>) dst(%arg8 : memref<10000xi32, #tpu.memory_space<vmem>>)
      tpu.yield
    }) : () -> ()
    %dma_start3A = arith.constant 0 : i32
    %dma_start3A_3 = arith.constant 0 : i32
    %dma_start3A_4 = tpu.memref_slice %arg9[%dma_start3A, %dma_start3A_3] : memref<96x256xf32, #tpu.memory_space<vmem>> -> memref<96x256xf32, #tpu.memory_space<vmem>>
    %dma_start3A_5 = arith.constant 0 : i32
    %dma_start3A_6 = tpu.memref_slice %arg7[%dma_start3A_5] : memref<10000xi32, #tpu.memory_space<vmem>> -> memref<96xi32, #tpu.memory_space<vmem>>
    %dma_start3A_7 = arith.constant 0 : i32
    %dma_start3A_8 = arith.constant 0 : i32
    %dma_start3A_9 = tpu.memref_slice %arg2[%dma_start3A_7, %dma_start3A_8] : memref<10000x256xf32, #tpu.memory_space<hbm>> -> memref<10000x256xf32, #tpu.memory_space<hbm>>
    tpu.enqueue_indirect_dma source(%dma_start3A_9 : memref<10000x256xf32, #tpu.memory_space<hbm>>) target(%dma_start3A_4 : memref<96x256xf32, #tpu.memory_space<vmem>>) offsets(%dma_start3A_6 : memref<96xi32, #tpu.memory_space<vmem>>) semaphore(%arg13 : memref<!tpu.dma_semaphore, #tpu.memory_space<semaphore_mem>>)
    %dma_start3A_10 = arith.constant 0 : i32
    %dma_start3A_11 = arith.constant 0 : i32
    %dma_start3A_12 = tpu.memref_slice %arg10[%dma_start3A_10, %dma_start3A_11] : memref<96x256xf32, #tpu.memory_space<vmem>> -> memref<96x256xf32, #tpu.memory_space<vmem>>
    %dma_start3A_13 = arith.constant 0 : i32
    %dma_start3A_14 = tpu.memref_slice %arg8[%dma_start3A_13] : memref<10000xi32, #tpu.memory_space<vmem>> -> memref<96xi32, #tpu.memory_space<vmem>>
    %dma_start3A_15 = arith.constant 0 : i32
    %dma_start3A_16 = arith.constant 0 : i32
    %dma_start3A_17 = tpu.memref_slice %arg3[%dma_start3A_15, %dma_start3A_16] : memref<10000x256xf32, #tpu.memory_space<hbm>> -> memref<10000x256xf32, #tpu.memory_space<hbm>>
    tpu.enqueue_indirect_dma source(%dma_start3A_17 : memref<10000x256xf32, #tpu.memory_space<hbm>>) target(%dma_start3A_12 : memref<96x256xf32, #tpu.memory_space<vmem>>) offsets(%dma_start3A_14 : memref<96xi32, #tpu.memory_space<vmem>>) semaphore(%arg14 : memref<!tpu.dma_semaphore, #tpu.memory_space<semaphore_mem>>)
    %dma_start3A_18 = arith.constant 0 : i32
    %dma_start3A_19 = arith.constant 0 : i32
    %dma_start3A_20 = tpu.memref_slice %arg11[%dma_start3A_18, %dma_start3A_19] : memref<96x256xf32, #tpu.memory_space<vmem>> -> memref<96x256xf32, #tpu.memory_space<vmem>>
    %dma_start3A_21 = arith.constant 96 : i32
    %dma_start3A_22 = tpu.memref_slice %arg7[%dma_start3A_21] : memref<10000xi32, #tpu.memory_space<vmem>> -> memref<96xi32, #tpu.memory_space<vmem>>
    %dma_start3A_23 = arith.constant 0 : i32
    %dma_start3A_24 = arith.constant 0 : i32
    %dma_start3A_25 = tpu.memref_slice %arg2[%dma_start3A_23, %dma_start3A_24] : memref<10000x256xf32, #tpu.memory_space<hbm>> -> memref<10000x256xf32, #tpu.memory_space<hbm>>
    tpu.enqueue_indirect_dma source(%dma_start3A_25 : memref<10000x256xf32, #tpu.memory_space<hbm>>) target(%dma_start3A_20 : memref<96x256xf32, #tpu.memory_space<vmem>>) offsets(%dma_start3A_22 : memref<96xi32, #tpu.memory_space<vmem>>) semaphore(%arg15 : memref<!tpu.dma_semaphore, #tpu.memory_space<semaphore_mem>>)
    %dma_start3A_26 = arith.constant 0 : i32
    %dma_start3A_27 = arith.constant 0 : i32
    %dma_start3A_28 = tpu.memref_slice %arg12[%dma_start3A_26, %dma_start3A_27] : memref<96x256xf32, #tpu.memory_space<vmem>> -> memref<96x256xf32, #tpu.memory_space<vmem>>
    %dma_start3A_29 = arith.constant 96 : i32
    %dma_start3A_30 = tpu.memref_slice %arg8[%dma_start3A_29] : memref<10000xi32, #tpu.memory_space<vmem>> -> memref<96xi32, #tpu.memory_space<vmem>>
    %dma_start3A_31 = arith.constant 0 : i32
    %dma_start3A_32 = arith.constant 0 : i32
    %dma_start3A_33 = tpu.memref_slice %arg3[%dma_start3A_31, %dma_start3A_32] : memref<10000x256xf32, #tpu.memory_space<hbm>> -> memref<10000x256xf32, #tpu.memory_space<hbm>>
    tpu.enqueue_indirect_dma source(%dma_start3A_33 : memref<10000x256xf32, #tpu.memory_space<hbm>>) target(%dma_start3A_28 : memref<96x256xf32, #tpu.memory_space<vmem>>) offsets(%dma_start3A_30 : memref<96xi32, #tpu.memory_space<vmem>>) semaphore(%arg16 : memref<!tpu.dma_semaphore, #tpu.memory_space<semaphore_mem>>)
    %scan3A = arith.constant 0 : i32
    %scan3A_34 = arith.constant 1 : i32
    %scan3A_35 = arith.constant 51 : i32
    %scan3A_36 = arith.addi %scan3A_34, %scan3A_35 : i32
    %scan3A_37 = arith.constant 1 : i32
    scf.for %scan3A_192 = %scan3A_34 to %scan3A_36 step %scan3A_37  : i32 {
      %mul3A_193 = arith.constant 2 : i32
      %mul3A_194 = arith.muli %mul3A_193, %scan3A_192 : i32
      %mul3A_195 = arith.constant 96 : i32
      %mul3A_196 = arith.muli %mul3A_194, %mul3A_195 : i32
      %sub3A = arith.constant 192 : i32
      %sub3A_197 = arith.subi %mul3A_196, %sub3A : i32
      %dma_wait3A_198 = arith.constant 0 : i32
      %dma_wait3A_199 = arith.constant 0 : i32
      %dma_wait3A_200 = tpu.memref_slice %arg9[%dma_wait3A_198, %dma_wait3A_199] : memref<96x256xf32, #tpu.memory_space<vmem>> -> memref<96x256xf32, #tpu.memory_space<vmem>>
      %dma_wait3A_201 = tpu.memref_slice %arg7[%sub3A_197] : memref<10000xi32, #tpu.memory_space<vmem>> -> memref<96xi32, #tpu.memory_space<vmem>>
      %dma_wait3A_202 = arith.constant 0 : i32
      %dma_wait3A_203 = arith.constant 0 : i32
      %dma_wait3A_204 = tpu.memref_slice %arg2[%dma_wait3A_202, %dma_wait3A_203] : memref<10000x256xf32, #tpu.memory_space<hbm>> -> memref<10000x256xf32, #tpu.memory_space<hbm>>
      tpu.wait_indirect_dma semaphore(%arg13 : memref<!tpu.dma_semaphore, #tpu.memory_space<semaphore_mem>>) src(%dma_wait3A_204 : memref<10000x256xf32, #tpu.memory_space<hbm>>) dst(%dma_wait3A_200 : memref<96x256xf32, #tpu.memory_space<vmem>>)
      %dma_wait3A_205 = arith.constant 0 : i32
      %dma_wait3A_206 = arith.constant 0 : i32
      %dma_wait3A_207 = tpu.memref_slice %arg10[%dma_wait3A_205, %dma_wait3A_206] : memref<96x256xf32, #tpu.memory_space<vmem>> -> memref<96x256xf32, #tpu.memory_space<vmem>>
      %dma_wait3A_208 = tpu.memref_slice %arg8[%sub3A_197] : memref<10000xi32, #tpu.memory_space<vmem>> -> memref<96xi32, #tpu.memory_space<vmem>>
      %dma_wait3A_209 = arith.constant 0 : i32
      %dma_wait3A_210 = arith.constant 0 : i32
      %dma_wait3A_211 = tpu.memref_slice %arg3[%dma_wait3A_209, %dma_wait3A_210] : memref<10000x256xf32, #tpu.memory_space<hbm>> -> memref<10000x256xf32, #tpu.memory_space<hbm>>
      tpu.wait_indirect_dma semaphore(%arg14 : memref<!tpu.dma_semaphore, #tpu.memory_space<semaphore_mem>>) src(%dma_wait3A_211 : memref<10000x256xf32, #tpu.memory_space<hbm>>) dst(%dma_wait3A_207 : memref<96x256xf32, #tpu.memory_space<vmem>>)
      %scan3A_212 = arith.constant 0 : i32
      %scan3A_213 = arith.constant 0 : i32
      %scan3A_214 = arith.constant 96 : i32
      %scan3A_215 = arith.addi %scan3A_213, %scan3A_214 : i32
      %scan3A_216 = arith.constant 1 : i32
      scf.for %scan3A_322 = %scan3A_213 to %scan3A_215 step %scan3A_216  : i32 {
        %get3A = arith.index_cast %scan3A_322 : i32 to index
        %get3A_323 = arith.constant 0 : index
        %get3A_324 = tpu.vector_load %arg10[%get3A, %get3A_323] {strides = array<i32>} : memref<96x256xf32, #tpu.memory_space<vmem>>, vector<1x16xf32>,
        %get3A_325 = vector.shape_cast %get3A_324 : vector<1x16xf32> to vector<16xf32>
        %swap3A = arith.index_cast %scan3A_322 : i32 to index
        %swap3A_326 = arith.constant 0 : index
        %swap3A_327 = tpu.vector_load %arg9[%swap3A, %swap3A_326] {strides = array<i32>} : memref<96x256xf32, #tpu.memory_space<vmem>>, vector<1x16xf32>,
        %swap3A_328 = vector.shape_cast %swap3A_327 : vector<1x16xf32> to vector<16xf32>
        %swap3A_329 = vector.shape_cast %get3A_325 : vector<16xf32> to vector<1x16xf32>
        tpu.vector_store %arg9[%swap3A, %swap3A_326], %swap3A_329 {add = true, strides = array<i32>} : memref<96x256xf32, #tpu.memory_space<vmem>>, vector<1x16xf32>,
        %get3A_330 = arith.index_cast %scan3A_322 : i32 to index
        %get3A_331 = arith.constant 16 : index
        %get3A_332 = tpu.vector_load %arg10[%get3A_330, %get3A_331] {strides = array<i32>} : memref<96x256xf32, #tpu.memory_space<vmem>>, vector<1x16xf32>,
        %get3A_333 = vector.shape_cast %get3A_332 : vector<1x16xf32> to vector<16xf32>
        %swap3A_334 = arith.index_cast %scan3A_322 : i32 to index
        %swap3A_335 = arith.constant 16 : index
        %swap3A_336 = tpu.vector_load %arg9[%swap3A_334, %swap3A_335] {strides = array<i32>} : memref<96x256xf32, #tpu.memory_space<vmem>>, vector<1x16xf32>,
        %swap3A_337 = vector.shape_cast %swap3A_336 : vector<1x16xf32> to vector<16xf32>
        %swap3A_338 = vector.shape_cast %get3A_333 : vector<16xf32> to vector<1x16xf32>
        tpu.vector_store %arg9[%swap3A_334, %swap3A_335], %swap3A_338 {add = true, strides = array<i32>} : memref<96x256xf32, #tpu.memory_space<vmem>>, vector<1x16xf32>,
        %get3A_339 = arith.index_cast %scan3A_322 : i32 to index
        %get3A_340 = arith.constant 32 : index
        %get3A_341 = tpu.vector_load %arg10[%get3A_339, %get3A_340] {strides = array<i32>} : memref<96x256xf32, #tpu.memory_space<vmem>>, vector<1x16xf32>,
        %get3A_342 = vector.shape_cast %get3A_341 : vector<1x16xf32> to vector<16xf32>
        %swap3A_343 = arith.index_cast %scan3A_322 : i32 to index
        %swap3A_344 = arith.constant 32 : index
        %swap3A_345 = tpu.vector_load %arg9[%swap3A_343, %swap3A_344] {strides = array<i32>} : memref<96x256xf32, #tpu.memory_space<vmem>>, vector<1x16xf32>,
        %swap3A_346 = vector.shape_cast %swap3A_345 : vector<1x16xf32> to vector<16xf32>
        %swap3A_347 = vector.shape_cast %get3A_342 : vector<16xf32> to vector<1x16xf32>
        tpu.vector_store %arg9[%swap3A_343, %swap3A_344], %swap3A_347 {add = true, strides = array<i32>} : memref<96x256xf32, #tpu.memory_space<vmem>>, vector<1x16xf32>,
        %get3A_348 = arith.index_cast %scan3A_322 : i32 to index
        %get3A_349 = arith.constant 48 : index
        %get3A_350 = tpu.vector_load %arg10[%get3A_348, %get3A_349] {strides = array<i32>} : memref<96x256xf32, #tpu.memory_space<vmem>>, vector<1x16xf32>,
        %get3A_351 = vector.shape_cast %get3A_350 : vector<1x16xf32> to vector<16xf32>
        %swap3A_352 = arith.index_cast %scan3A_322 : i32 to index
        %swap3A_353 = arith.constant 48 : index
        %swap3A_354 = tpu.vector_load %arg9[%swap3A_352, %swap3A_353] {strides = array<i32>} : memref<96x256xf32, #tpu.memory_space<vmem>>, vector<1x16xf32>,
        %swap3A_355 = vector.shape_cast %swap3A_354 : vector<1x16xf32> to vector<16xf32>
        %swap3A_356 = vector.shape_cast %get3A_351 : vector<16xf32> to vector<1x16xf32>
        tpu.vector_store %arg9[%swap3A_352, %swap3A_353], %swap3A_356 {add = true, strides = array<i32>} : memref<96x256xf32, #tpu.memory_space<vmem>>, vector<1x16xf32>,
        %get3A_357 = arith.index_cast %scan3A_322 : i32 to index
        %get3A_358 = arith.constant 64 : index
        %get3A_359 = tpu.vector_load %arg10[%get3A_357, %get3A_358] {strides = array<i32>} : memref<96x256xf32, #tpu.memory_space<vmem>>, vector<1x16xf32>,
        %get3A_360 = vector.shape_cast %get3A_359 : vector<1x16xf32> to vector<16xf32>
        %swap3A_361 = arith.index_cast %scan3A_322 : i32 to index
        %swap3A_362 = arith.constant 64 : index
        %swap3A_363 = tpu.vector_load %arg9[%swap3A_361, %swap3A_362] {strides = array<i32>} : memref<96x256xf32, #tpu.memory_space<vmem>>, vector<1x16xf32>,
        %swap3A_364 = vector.shape_cast %swap3A_363 : vector<1x16xf32> to vector<16xf32>
        %swap3A_365 = vector.shape_cast %get3A_360 : vector<16xf32> to vector<1x16xf32>
        tpu.vector_store %arg9[%swap3A_361, %swap3A_362], %swap3A_365 {add = true, strides = array<i32>} : memref<96x256xf32, #tpu.memory_space<vmem>>, vector<1x16xf32>,
        %get3A_366 = arith.index_cast %scan3A_322 : i32 to index
        %get3A_367 = arith.constant 80 : index
        %get3A_368 = tpu.vector_load %arg10[%get3A_366, %get3A_367] {strides = array<i32>} : memref<96x256xf32, #tpu.memory_space<vmem>>, vector<1x16xf32>,
        %get3A_369 = vector.shape_cast %get3A_368 : vector<1x16xf32> to vector<16xf32>
        %swap3A_370 = arith.index_cast %scan3A_322 : i32 to index
        %swap3A_371 = arith.constant 80 : index
        %swap3A_372 = tpu.vector_load %arg9[%swap3A_370, %swap3A_371] {strides = array<i32>} : memref<96x256xf32, #tpu.memory_space<vmem>>, vector<1x16xf32>,
        %swap3A_373 = vector.shape_cast %swap3A_372 : vector<1x16xf32> to vector<16xf32>
        %swap3A_374 = vector.shape_cast %get3A_369 : vector<16xf32> to vector<1x16xf32>
        tpu.vector_store %arg9[%swap3A_370, %swap3A_371], %swap3A_374 {add = true, strides = array<i32>} : memref<96x256xf32, #tpu.memory_space<vmem>>, vector<1x16xf32>,
        %get3A_375 = arith.index_cast %scan3A_322 : i32 to index
        %get3A_376 = arith.constant 96 : index
        %get3A_377 = tpu.vector_load %arg10[%get3A_375, %get3A_376] {strides = array<i32>} : memref<96x256xf32, #tpu.memory_space<vmem>>, vector<1x16xf32>,
        %get3A_378 = vector.shape_cast %get3A_377 : vector<1x16xf32> to vector<16xf32>
        %swap3A_379 = arith.index_cast %scan3A_322 : i32 to index
        %swap3A_380 = arith.constant 96 : index
        %swap3A_381 = tpu.vector_load %arg9[%swap3A_379, %swap3A_380] {strides = array<i32>} : memref<96x256xf32, #tpu.memory_space<vmem>>, vector<1x16xf32>,
        %swap3A_382 = vector.shape_cast %swap3A_381 : vector<1x16xf32> to vector<16xf32>
        %swap3A_383 = vector.shape_cast %get3A_378 : vector<16xf32> to vector<1x16xf32>
        tpu.vector_store %arg9[%swap3A_379, %swap3A_380], %swap3A_383 {add = true, strides = array<i32>} : memref<96x256xf32, #tpu.memory_space<vmem>>, vector<1x16xf32>,
        %get3A_384 = arith.index_cast %scan3A_322 : i32 to index
        %get3A_385 = arith.constant 112 : index
        %get3A_386 = tpu.vector_load %arg10[%get3A_384, %get3A_385] {strides = array<i32>} : memref<96x256xf32, #tpu.memory_space<vmem>>, vector<1x16xf32>,
        %get3A_387 = vector.shape_cast %get3A_386 : vector<1x16xf32> to vector<16xf32>
        %swap3A_388 = arith.index_cast %scan3A_322 : i32 to index
        %swap3A_389 = arith.constant 112 : index
        %swap3A_390 = tpu.vector_load %arg9[%swap3A_388, %swap3A_389] {strides = array<i32>} : memref<96x256xf32, #tpu.memory_space<vmem>>, vector<1x16xf32>,
        %swap3A_391 = vector.shape_cast %swap3A_390 : vector<1x16xf32> to vector<16xf32>
        %swap3A_392 = vector.shape_cast %get3A_387 : vector<16xf32> to vector<1x16xf32>
        tpu.vector_store %arg9[%swap3A_388, %swap3A_389], %swap3A_392 {add = true, strides = array<i32>} : memref<96x256xf32, #tpu.memory_space<vmem>>, vector<1x16xf32>,
        %get3A_393 = arith.index_cast %scan3A_322 : i32 to index
        %get3A_394 = arith.constant 128 : index
        %get3A_395 = tpu.vector_load %arg10[%get3A_393, %get3A_394] {strides = array<i32>} : memref<96x256xf32, #tpu.memory_space<vmem>>, vector<1x16xf32>,
        %get3A_396 = vector.shape_cast %get3A_395 : vector<1x16xf32> to vector<16xf32>
        %swap3A_397 = arith.index_cast %scan3A_322 : i32 to index
        %swap3A_398 = arith.constant 128 : index
        %swap3A_399 = tpu.vector_load %arg9[%swap3A_397, %swap3A_398] {strides = array<i32>} : memref<96x256xf32, #tpu.memory_space<vmem>>, vector<1x16xf32>,
        %swap3A_400 = vector.shape_cast %swap3A_399 : vector<1x16xf32> to vector<16xf32>
        %swap3A_401 = vector.shape_cast %get3A_396 : vector<16xf32> to vector<1x16xf32>
        tpu.vector_store %arg9[%swap3A_397, %swap3A_398], %swap3A_401 {add = true, strides = array<i32>} : memref<96x256xf32, #tpu.memory_space<vmem>>, vector<1x16xf32>,
        %get3A_402 = arith.index_cast %scan3A_322 : i32 to index
        %get3A_403 = arith.constant 144 : index
        %get3A_404 = tpu.vector_load %arg10[%get3A_402, %get3A_403] {strides = array<i32>} : memref<96x256xf32, #tpu.memory_space<vmem>>, vector<1x16xf32>,
        %get3A_405 = vector.shape_cast %get3A_404 : vector<1x16xf32> to vector<16xf32>
        %swap3A_406 = arith.index_cast %scan3A_322 : i32 to index
        %swap3A_407 = arith.constant 144 : index
        %swap3A_408 = tpu.vector_load %arg9[%swap3A_406, %swap3A_407] {strides = array<i32>} : memref<96x256xf32, #tpu.memory_space<vmem>>, vector<1x16xf32>,
        %swap3A_409 = vector.shape_cast %swap3A_408 : vector<1x16xf32> to vector<16xf32>
        %swap3A_410 = vector.shape_cast %get3A_405 : vector<16xf32> to vector<1x16xf32>
        tpu.vector_store %arg9[%swap3A_406, %swap3A_407], %swap3A_410 {add = true, strides = array<i32>} : memref<96x256xf32, #tpu.memory_space<vmem>>, vector<1x16xf32>,
        %get3A_411 = arith.index_cast %scan3A_322 : i32 to index
        %get3A_412 = arith.constant 160 : index
        %get3A_413 = tpu.vector_load %arg10[%get3A_411, %get3A_412] {strides = array<i32>} : memref<96x256xf32, #tpu.memory_space<vmem>>, vector<1x16xf32>,
        %get3A_414 = vector.shape_cast %get3A_413 : vector<1x16xf32> to vector<16xf32>
        %swap3A_415 = arith.index_cast %scan3A_322 : i32 to index
        %swap3A_416 = arith.constant 160 : index
        %swap3A_417 = tpu.vector_load %arg9[%swap3A_415, %swap3A_416] {strides = array<i32>} : memref<96x256xf32, #tpu.memory_space<vmem>>, vector<1x16xf32>,
        %swap3A_418 = vector.shape_cast %swap3A_417 : vector<1x16xf32> to vector<16xf32>
        %swap3A_419 = vector.shape_cast %get3A_414 : vector<16xf32> to vector<1x16xf32>
        tpu.vector_store %arg9[%swap3A_415, %swap3A_416], %swap3A_419 {add = true, strides = array<i32>} : memref<96x256xf32, #tpu.memory_space<vmem>>, vector<1x16xf32>,
        %get3A_420 = arith.index_cast %scan3A_322 : i32 to index
        %get3A_421 = arith.constant 176 : index
        %get3A_422 = tpu.vector_load %arg10[%get3A_420, %get3A_421] {strides = array<i32>} : memref<96x256xf32, #tpu.memory_space<vmem>>, vector<1x16xf32>,
        %get3A_423 = vector.shape_cast %get3A_422 : vector<1x16xf32> to vector<16xf32>
        %swap3A_424 = arith.index_cast %scan3A_322 : i32 to index
        %swap3A_425 = arith.constant 176 : index
        %swap3A_426 = tpu.vector_load %arg9[%swap3A_424, %swap3A_425] {strides = array<i32>} : memref<96x256xf32, #tpu.memory_space<vmem>>, vector<1x16xf32>,
        %swap3A_427 = vector.shape_cast %swap3A_426 : vector<1x16xf32> to vector<16xf32>
        %swap3A_428 = vector.shape_cast %get3A_423 : vector<16xf32> to vector<1x16xf32>
        tpu.vector_store %arg9[%swap3A_424, %swap3A_425], %swap3A_428 {add = true, strides = array<i32>} : memref<96x256xf32, #tpu.memory_space<vmem>>, vector<1x16xf32>,
        %get3A_429 = arith.index_cast %scan3A_322 : i32 to index
        %get3A_430 = arith.constant 192 : index
        %get3A_431 = tpu.vector_load %arg10[%get3A_429, %get3A_430] {strides = array<i32>} : memref<96x256xf32, #tpu.memory_space<vmem>>, vector<1x16xf32>,
        %get3A_432 = vector.shape_cast %get3A_431 : vector<1x16xf32> to vector<16xf32>
        %swap3A_433 = arith.index_cast %scan3A_322 : i32 to index
        %swap3A_434 = arith.constant 192 : index
        %swap3A_435 = tpu.vector_load %arg9[%swap3A_433, %swap3A_434] {strides = array<i32>} : memref<96x256xf32, #tpu.memory_space<vmem>>, vector<1x16xf32>,
        %swap3A_436 = vector.shape_cast %swap3A_435 : vector<1x16xf32> to vector<16xf32>
        %swap3A_437 = vector.shape_cast %get3A_432 : vector<16xf32> to vector<1x16xf32>
        tpu.vector_store %arg9[%swap3A_433, %swap3A_434], %swap3A_437 {add = true, strides = array<i32>} : memref<96x256xf32, #tpu.memory_space<vmem>>, vector<1x16xf32>,
        %get3A_438 = arith.index_cast %scan3A_322 : i32 to index
        %get3A_439 = arith.constant 208 : index
        %get3A_440 = tpu.vector_load %arg10[%get3A_438, %get3A_439] {strides = array<i32>} : memref<96x256xf32, #tpu.memory_space<vmem>>, vector<1x16xf32>,
        %get3A_441 = vector.shape_cast %get3A_440 : vector<1x16xf32> to vector<16xf32>
        %swap3A_442 = arith.index_cast %scan3A_322 : i32 to index
        %swap3A_443 = arith.constant 208 : index
        %swap3A_444 = tpu.vector_load %arg9[%swap3A_442, %swap3A_443] {strides = array<i32>} : memref<96x256xf32, #tpu.memory_space<vmem>>, vector<1x16xf32>,
        %swap3A_445 = vector.shape_cast %swap3A_444 : vector<1x16xf32> to vector<16xf32>
        %swap3A_446 = vector.shape_cast %get3A_441 : vector<16xf32> to vector<1x16xf32>
        tpu.vector_store %arg9[%swap3A_442, %swap3A_443], %swap3A_446 {add = true, strides = array<i32>} : memref<96x256xf32, #tpu.memory_space<vmem>>, vector<1x16xf32>,
        %get3A_447 = arith.index_cast %scan3A_322 : i32 to index
        %get3A_448 = arith.constant 224 : index
        %get3A_449 = tpu.vector_load %arg10[%get3A_447, %get3A_448] {strides = array<i32>} : memref<96x256xf32, #tpu.memory_space<vmem>>, vector<1x16xf32>,
        %get3A_450 = vector.shape_cast %get3A_449 : vector<1x16xf32> to vector<16xf32>
        %swap3A_451 = arith.index_cast %scan3A_322 : i32 to index
        %swap3A_452 = arith.constant 224 : index
        %swap3A_453 = tpu.vector_load %arg9[%swap3A_451, %swap3A_452] {strides = array<i32>} : memref<96x256xf32, #tpu.memory_space<vmem>>, vector<1x16xf32>,
        %swap3A_454 = vector.shape_cast %swap3A_453 : vector<1x16xf32> to vector<16xf32>
        %swap3A_455 = vector.shape_cast %get3A_450 : vector<16xf32> to vector<1x16xf32>
        tpu.vector_store %arg9[%swap3A_451, %swap3A_452], %swap3A_455 {add = true, strides = array<i32>} : memref<96x256xf32, #tpu.memory_space<vmem>>, vector<1x16xf32>,
        %get3A_456 = arith.index_cast %scan3A_322 : i32 to index
        %get3A_457 = arith.constant 240 : index
        %get3A_458 = tpu.vector_load %arg10[%get3A_456, %get3A_457] {strides = array<i32>} : memref<96x256xf32, #tpu.memory_space<vmem>>, vector<1x16xf32>,
        %get3A_459 = vector.shape_cast %get3A_458 : vector<1x16xf32> to vector<16xf32>
        %swap3A_460 = arith.index_cast %scan3A_322 : i32 to index
        %swap3A_461 = arith.constant 240 : index
        %swap3A_462 = tpu.vector_load %arg9[%swap3A_460, %swap3A_461] {strides = array<i32>} : memref<96x256xf32, #tpu.memory_space<vmem>>, vector<1x16xf32>,
        %swap3A_463 = vector.shape_cast %swap3A_462 : vector<1x16xf32> to vector<16xf32>
        %swap3A_464 = vector.shape_cast %get3A_459 : vector<16xf32> to vector<1x16xf32>
        tpu.vector_store %arg9[%swap3A_460, %swap3A_461], %swap3A_464 {add = true, strides = array<i32>} : memref<96x256xf32, #tpu.memory_space<vmem>>, vector<1x16xf32>,
      }
      %scan3A_217 = arith.constant 96 : i32
      %sub3A_218 = arith.constant 192 : i32
      %sub3A_219 = arith.subi %mul3A_196, %sub3A_218 : i32
      %add3A_220 = arith.addi %mul3A_2, %sub3A_219 : i32
      %dma_start3A_221 = arith.constant 0 : i32
      %dma_start3A_222 = arith.constant 0 : i32
      %dma_start3A_223 = tpu.memref_slice %arg9[%dma_start3A_221, %dma_start3A_222] : memref<96x256xf32, #tpu.memory_space<vmem>> -> memref<96x256xf32, #tpu.memory_space<vmem>>
      %dma_start3A_224 = arith.constant 0 : i32
      %dma_start3A_225 = tpu.memref_slice %arg6[%add3A_220, %dma_start3A_224] : memref<320000x256xf32, #tpu.memory_space<hbm>> -> memref<96x256xf32, #tpu.memory_space<hbm>>
      %dma_start3A_226 = arith.constant 0 : i32
      %dma_start3A_227 = tpu.memref_slice %arg6[%add3A_220, %dma_start3A_226] : memref<320000x256xf32, #tpu.memory_space<hbm>> -> memref<96x256xf32, #tpu.memory_space<hbm>>
      %dma_start3A_228 = arith.constant 0 : i32
      %dma_start3A_229 = arith.constant 0 : i32
      %dma_start3A_230 = tpu.memref_slice %arg9[%dma_start3A_228, %dma_start3A_229] : memref<96x256xf32, #tpu.memory_space<vmem>> -> memref<96x256xf32, #tpu.memory_space<vmem>>
      tpu.enqueue_dma source(%dma_start3A_230 : memref<96x256xf32, #tpu.memory_space<vmem>>) target(%dma_start3A_227 : memref<96x256xf32, #tpu.memory_space<hbm>>) target_semaphore(%arg17 : memref<!tpu.dma_semaphore, #tpu.memory_space<semaphore_mem>>)
      %sub3A_231 = arith.constant 96 : i32
      %sub3A_232 = arith.subi %mul3A_196, %sub3A_231 : i32
      %dma_wait3A_233 = arith.constant 0 : i32
      %dma_wait3A_234 = arith.constant 0 : i32
      %dma_wait3A_235 = tpu.memref_slice %arg11[%dma_wait3A_233, %dma_wait3A_234] : memref<96x256xf32, #tpu.memory_space<vmem>> -> memref<96x256xf32, #tpu.memory_space<vmem>>
      %dma_wait3A_236 = tpu.memref_slice %arg7[%sub3A_232] : memref<10000xi32, #tpu.memory_space<vmem>> -> memref<96xi32, #tpu.memory_space<vmem>>
      %dma_wait3A_237 = arith.constant 0 : i32
      %dma_wait3A_238 = arith.constant 0 : i32
      %dma_wait3A_239 = tpu.memref_slice %arg2[%dma_wait3A_237, %dma_wait3A_238] : memref<10000x256xf32, #tpu.memory_space<hbm>> -> memref<10000x256xf32, #tpu.memory_space<hbm>>
      tpu.wait_indirect_dma semaphore(%arg15 : memref<!tpu.dma_semaphore, #tpu.memory_space<semaphore_mem>>) src(%dma_wait3A_239 : memref<10000x256xf32, #tpu.memory_space<hbm>>) dst(%dma_wait3A_235 : memref<96x256xf32, #tpu.memory_space<vmem>>)
      %dma_wait3A_240 = arith.constant 0 : i32
      %dma_wait3A_241 = arith.constant 0 : i32
      %dma_wait3A_242 = tpu.memref_slice %arg12[%dma_wait3A_240, %dma_wait3A_241] : memref<96x256xf32, #tpu.memory_space<vmem>> -> memref<96x256xf32, #tpu.memory_space<vmem>>
      %dma_wait3A_243 = tpu.memref_slice %arg8[%sub3A_232] : memref<10000xi32, #tpu.memory_space<vmem>> -> memref<96xi32, #tpu.memory_space<vmem>>
      %dma_wait3A_244 = arith.constant 0 : i32
      %dma_wait3A_245 = arith.constant 0 : i32
      %dma_wait3A_246 = tpu.memref_slice %arg3[%dma_wait3A_244, %dma_wait3A_245] : memref<10000x256xf32, #tpu.memory_space<hbm>> -> memref<10000x256xf32, #tpu.memory_space<hbm>>
      tpu.wait_indirect_dma semaphore(%arg16 : memref<!tpu.dma_semaphore, #tpu.memory_space<semaphore_mem>>) src(%dma_wait3A_246 : memref<10000x256xf32, #tpu.memory_space<hbm>>) dst(%dma_wait3A_242 : memref<96x256xf32, #tpu.memory_space<vmem>>)
      %scan3A_247 = arith.constant 0 : i32
      %scan3A_248 = arith.constant 0 : i32
      %scan3A_249 = arith.constant 96 : i32
      %scan3A_250 = arith.addi %scan3A_248, %scan3A_249 : i32
      %scan3A_251 = arith.constant 1 : i32
      scf.for %scan3A_322 = %scan3A_248 to %scan3A_250 step %scan3A_251  : i32 {
        %get3A = arith.index_cast %scan3A_322 : i32 to index
        %get3A_323 = arith.constant 0 : index
        %get3A_324 = tpu.vector_load %arg12[%get3A, %get3A_323] {strides = array<i32>} : memref<96x256xf32, #tpu.memory_space<vmem>>, vector<1x16xf32>,
        %get3A_325 = vector.shape_cast %get3A_324 : vector<1x16xf32> to vector<16xf32>
        %swap3A = arith.index_cast %scan3A_322 : i32 to index
        %swap3A_326 = arith.constant 0 : index
        %swap3A_327 = tpu.vector_load %arg11[%swap3A, %swap3A_326] {strides = array<i32>} : memref<96x256xf32, #tpu.memory_space<vmem>>, vector<1x16xf32>,
        %swap3A_328 = vector.shape_cast %swap3A_327 : vector<1x16xf32> to vector<16xf32>
        %swap3A_329 = vector.shape_cast %get3A_325 : vector<16xf32> to vector<1x16xf32>
        tpu.vector_store %arg11[%swap3A, %swap3A_326], %swap3A_329 {add = true, strides = array<i32>} : memref<96x256xf32, #tpu.memory_space<vmem>>, vector<1x16xf32>,
        %get3A_330 = arith.index_cast %scan3A_322 : i32 to index
        %get3A_331 = arith.constant 16 : index
        %get3A_332 = tpu.vector_load %arg12[%get3A_330, %get3A_331] {strides = array<i32>} : memref<96x256xf32, #tpu.memory_space<vmem>>, vector<1x16xf32>,
        %get3A_333 = vector.shape_cast %get3A_332 : vector<1x16xf32> to vector<16xf32>
        %swap3A_334 = arith.index_cast %scan3A_322 : i32 to index
        %swap3A_335 = arith.constant 16 : index
        %swap3A_336 = tpu.vector_load %arg11[%swap3A_334, %swap3A_335] {strides = array<i32>} : memref<96x256xf32, #tpu.memory_space<vmem>>, vector<1x16xf32>,
        %swap3A_337 = vector.shape_cast %swap3A_336 : vector<1x16xf32> to vector<16xf32>
        %swap3A_338 = vector.shape_cast %get3A_333 : vector<16xf32> to vector<1x16xf32>
        tpu.vector_store %arg11[%swap3A_334, %swap3A_335], %swap3A_338 {add = true, strides = array<i32>} : memref<96x256xf32, #tpu.memory_space<vmem>>, vector<1x16xf32>,
        %get3A_339 = arith.index_cast %scan3A_322 : i32 to index
        %get3A_340 = arith.constant 32 : index
        %get3A_341 = tpu.vector_load %arg12[%get3A_339, %get3A_340] {strides = array<i32>} : memref<96x256xf32, #tpu.memory_space<vmem>>, vector<1x16xf32>,
        %get3A_342 = vector.shape_cast %get3A_341 : vector<1x16xf32> to vector<16xf32>
        %swap3A_343 = arith.index_cast %scan3A_322 : i32 to index
        %swap3A_344 = arith.constant 32 : index
        %swap3A_345 = tpu.vector_load %arg11[%swap3A_343, %swap3A_344] {strides = array<i32>} : memref<96x256xf32, #tpu.memory_space<vmem>>, vector<1x16xf32>,
        %swap3A_346 = vector.shape_cast %swap3A_345 : vector<1x16xf32> to vector<16xf32>
        %swap3A_347 = vector.shape_cast %get3A_342 : vector<16xf32> to vector<1x16xf32>
        tpu.vector_store %arg11[%swap3A_343, %swap3A_344], %swap3A_347 {add = true, strides = array<i32>} : memref<96x256xf32, #tpu.memory_space<vmem>>, vector<1x16xf32>,
        %get3A_348 = arith.index_cast %scan3A_322 : i32 to index
        %get3A_349 = arith.constant 48 : index
        %get3A_350 = tpu.vector_load %arg12[%get3A_348, %get3A_349] {strides = array<i32>} : memref<96x256xf32, #tpu.memory_space<vmem>>, vector<1x16xf32>,
        %get3A_351 = vector.shape_cast %get3A_350 : vector<1x16xf32> to vector<16xf32>
        %swap3A_352 = arith.index_cast %scan3A_322 : i32 to index
        %swap3A_353 = arith.constant 48 : index
        %swap3A_354 = tpu.vector_load %arg11[%swap3A_352, %swap3A_353] {strides = array<i32>} : memref<96x256xf32, #tpu.memory_space<vmem>>, vector<1x16xf32>,
        %swap3A_355 = vector.shape_cast %swap3A_354 : vector<1x16xf32> to vector<16xf32>
        %swap3A_356 = vector.shape_cast %get3A_351 : vector<16xf32> to vector<1x16xf32>
        tpu.vector_store %arg11[%swap3A_352, %swap3A_353], %swap3A_356 {add = true, strides = array<i32>} : memref<96x256xf32, #tpu.memory_space<vmem>>, vector<1x16xf32>,
        %get3A_357 = arith.index_cast %scan3A_322 : i32 to index
        %get3A_358 = arith.constant 64 : index
        %get3A_359 = tpu.vector_load %arg12[%get3A_357, %get3A_358] {strides = array<i32>} : memref<96x256xf32, #tpu.memory_space<vmem>>, vector<1x16xf32>,
        %get3A_360 = vector.shape_cast %get3A_359 : vector<1x16xf32> to vector<16xf32>
        %swap3A_361 = arith.index_cast %scan3A_322 : i32 to index
        %swap3A_362 = arith.constant 64 : index
        %swap3A_363 = tpu.vector_load %arg11[%swap3A_361, %swap3A_362] {strides = array<i32>} : memref<96x256xf32, #tpu.memory_space<vmem>>, vector<1x16xf32>,
        %swap3A_364 = vector.shape_cast %swap3A_363 : vector<1x16xf32> to vector<16xf32>
        %swap3A_365 = vector.shape_cast %get3A_360 : vector<16xf32> to vector<1x16xf32>
        tpu.vector_store %arg11[%swap3A_361, %swap3A_362], %swap3A_365 {add = true, strides = array<i32>} : memref<96x256xf32, #tpu.memory_space<vmem>>, vector<1x16xf32>,
        %get3A_366 = arith.index_cast %scan3A_322 : i32 to index
        %get3A_367 = arith.constant 80 : index
        %get3A_368 = tpu.vector_load %arg12[%get3A_366, %get3A_367] {strides = array<i32>} : memref<96x256xf32, #tpu.memory_space<vmem>>, vector<1x16xf32>,
        %get3A_369 = vector.shape_cast %get3A_368 : vector<1x16xf32> to vector<16xf32>
        %swap3A_370 = arith.index_cast %scan3A_322 : i32 to index
        %swap3A_371 = arith.constant 80 : index
        %swap3A_372 = tpu.vector_load %arg11[%swap3A_370, %swap3A_371] {strides = array<i32>} : memref<96x256xf32, #tpu.memory_space<vmem>>, vector<1x16xf32>,
        %swap3A_373 = vector.shape_cast %swap3A_372 : vector<1x16xf32> to vector<16xf32>
        %swap3A_374 = vector.shape_cast %get3A_369 : vector<16xf32> to vector<1x16xf32>
        tpu.vector_store %arg11[%swap3A_370, %swap3A_371], %swap3A_374 {add = true, strides = array<i32>} : memref<96x256xf32, #tpu.memory_space<vmem>>, vector<1x16xf32>,
        %get3A_375 = arith.index_cast %scan3A_322 : i32 to index
        %get3A_376 = arith.constant 96 : index
        %get3A_377 = tpu.vector_load %arg12[%get3A_375, %get3A_376] {strides = array<i32>} : memref<96x256xf32, #tpu.memory_space<vmem>>, vector<1x16xf32>,
        %get3A_378 = vector.shape_cast %get3A_377 : vector<1x16xf32> to vector<16xf32>
        %swap3A_379 = arith.index_cast %scan3A_322 : i32 to index
        %swap3A_380 = arith.constant 96 : index
        %swap3A_381 = tpu.vector_load %arg11[%swap3A_379, %swap3A_380] {strides = array<i32>} : memref<96x256xf32, #tpu.memory_space<vmem>>, vector<1x16xf32>,
        %swap3A_382 = vector.shape_cast %swap3A_381 : vector<1x16xf32> to vector<16xf32>
        %swap3A_383 = vector.shape_cast %get3A_378 : vector<16xf32> to vector<1x16xf32>
        tpu.vector_store %arg11[%swap3A_379, %swap3A_380], %swap3A_383 {add = true, strides = array<i32>} : memref<96x256xf32, #tpu.memory_space<vmem>>, vector<1x16xf32>,
        %get3A_384 = arith.index_cast %scan3A_322 : i32 to index
        %get3A_385 = arith.constant 112 : index
        %get3A_386 = tpu.vector_load %arg12[%get3A_384, %get3A_385] {strides = array<i32>} : memref<96x256xf32, #tpu.memory_space<vmem>>, vector<1x16xf32>,
        %get3A_387 = vector.shape_cast %get3A_386 : vector<1x16xf32> to vector<16xf32>
        %swap3A_388 = arith.index_cast %scan3A_322 : i32 to index
        %swap3A_389 = arith.constant 112 : index
        %swap3A_390 = tpu.vector_load %arg11[%swap3A_388, %swap3A_389] {strides = array<i32>} : memref<96x256xf32, #tpu.memory_space<vmem>>, vector<1x16xf32>,
        %swap3A_391 = vector.shape_cast %swap3A_390 : vector<1x16xf32> to vector<16xf32>
        %swap3A_392 = vector.shape_cast %get3A_387 : vector<16xf32> to vector<1x16xf32>
        tpu.vector_store %arg11[%swap3A_388, %swap3A_389], %swap3A_392 {add = true, strides = array<i32>} : memref<96x256xf32, #tpu.memory_space<vmem>>, vector<1x16xf32>,
        %get3A_393 = arith.index_cast %scan3A_322 : i32 to index
        %get3A_394 = arith.constant 128 : index
        %get3A_395 = tpu.vector_load %arg12[%get3A_393, %get3A_394] {strides = array<i32>} : memref<96x256xf32, #tpu.memory_space<vmem>>, vector<1x16xf32>,
        %get3A_396 = vector.shape_cast %get3A_395 : vector<1x16xf32> to vector<16xf32>
        %swap3A_397 = arith.index_cast %scan3A_322 : i32 to index
        %swap3A_398 = arith.constant 128 : index
        %swap3A_399 = tpu.vector_load %arg11[%swap3A_397, %swap3A_398] {strides = array<i32>} : memref<96x256xf32, #tpu.memory_space<vmem>>, vector<1x16xf32>,
        %swap3A_400 = vector.shape_cast %swap3A_399 : vector<1x16xf32> to vector<16xf32>
        %swap3A_401 = vector.shape_cast %get3A_396 : vector<16xf32> to vector<1x16xf32>
        tpu.vector_store %arg11[%swap3A_397, %swap3A_398], %swap3A_401 {add = true, strides = array<i32>} : memref<96x256xf32, #tpu.memory_space<vmem>>, vector<1x16xf32>,
        %get3A_402 = arith.index_cast %scan3A_322 : i32 to index
        %get3A_403 = arith.constant 144 : index
        %get3A_404 = tpu.vector_load %arg12[%get3A_402, %get3A_403] {strides = array<i32>} : memref<96x256xf32, #tpu.memory_space<vmem>>, vector<1x16xf32>,
        %get3A_405 = vector.shape_cast %get3A_404 : vector<1x16xf32> to vector<16xf32>
        %swap3A_406 = arith.index_cast %scan3A_322 : i32 to index
        %swap3A_407 = arith.constant 144 : index
        %swap3A_408 = tpu.vector_load %arg11[%swap3A_406, %swap3A_407] {strides = array<i32>} : memref<96x256xf32, #tpu.memory_space<vmem>>, vector<1x16xf32>,
        %swap3A_409 = vector.shape_cast %swap3A_408 : vector<1x16xf32> to vector<16xf32>
        %swap3A_410 = vector.shape_cast %get3A_405 : vector<16xf32> to vector<1x16xf32>
        tpu.vector_store %arg11[%swap3A_406, %swap3A_407], %swap3A_410 {add = true, strides = array<i32>} : memref<96x256xf32, #tpu.memory_space<vmem>>, vector<1x16xf32>,
        %get3A_411 = arith.index_cast %scan3A_322 : i32 to index
        %get3A_412 = arith.constant 160 : index
        %get3A_413 = tpu.vector_load %arg12[%get3A_411, %get3A_412] {strides = array<i32>} : memref<96x256xf32, #tpu.memory_space<vmem>>, vector<1x16xf32>,
        %get3A_414 = vector.shape_cast %get3A_413 : vector<1x16xf32> to vector<16xf32>
        %swap3A_415 = arith.index_cast %scan3A_322 : i32 to index
        %swap3A_416 = arith.constant 160 : index
        %swap3A_417 = tpu.vector_load %arg11[%swap3A_415, %swap3A_416] {strides = array<i32>} : memref<96x256xf32, #tpu.memory_space<vmem>>, vector<1x16xf32>,
        %swap3A_418 = vector.shape_cast %swap3A_417 : vector<1x16xf32> to vector<16xf32>
        %swap3A_419 = vector.shape_cast %get3A_414 : vector<16xf32> to vector<1x16xf32>
        tpu.vector_store %arg11[%swap3A_415, %swap3A_416], %swap3A_419 {add = true, strides = array<i32>} : memref<96x256xf32, #tpu.memory_space<vmem>>, vector<1x16xf32>,
        %get3A_420 = arith.index_cast %scan3A_322 : i32 to index
        %get3A_421 = arith.constant 176 : index
        %get3A_422 = tpu.vector_load %arg12[%get3A_420, %get3A_421] {strides = array<i32>} : memref<96x256xf32, #tpu.memory_space<vmem>>, vector<1x16xf32>,
        %get3A_423 = vector.shape_cast %get3A_422 : vector<1x16xf32> to vector<16xf32>
        %swap3A_424 = arith.index_cast %scan3A_322 : i32 to index
        %swap3A_425 = arith.constant 176 : index
        %swap3A_426 = tpu.vector_load %arg11[%swap3A_424, %swap3A_425] {strides = array<i32>} : memref<96x256xf32, #tpu.memory_space<vmem>>, vector<1x16xf32>,
        %swap3A_427 = vector.shape_cast %swap3A_426 : vector<1x16xf32> to vector<16xf32>
        %swap3A_428 = vector.shape_cast %get3A_423 : vector<16xf32> to vector<1x16xf32>
        tpu.vector_store %arg11[%swap3A_424, %swap3A_425], %swap3A_428 {add = true, strides = array<i32>} : memref<96x256xf32, #tpu.memory_space<vmem>>, vector<1x16xf32>,
        %get3A_429 = arith.index_cast %scan3A_322 : i32 to index
        %get3A_430 = arith.constant 192 : index
        %get3A_431 = tpu.vector_load %arg12[%get3A_429, %get3A_430] {strides = array<i32>} : memref<96x256xf32, #tpu.memory_space<vmem>>, vector<1x16xf32>,
        %get3A_432 = vector.shape_cast %get3A_431 : vector<1x16xf32> to vector<16xf32>
        %swap3A_433 = arith.index_cast %scan3A_322 : i32 to index
        %swap3A_434 = arith.constant 192 : index
        %swap3A_435 = tpu.vector_load %arg11[%swap3A_433, %swap3A_434] {strides = array<i32>} : memref<96x256xf32, #tpu.memory_space<vmem>>, vector<1x16xf32>,
        %swap3A_436 = vector.shape_cast %swap3A_435 : vector<1x16xf32> to vector<16xf32>
        %swap3A_437 = vector.shape_cast %get3A_432 : vector<16xf32> to vector<1x16xf32>
        tpu.vector_store %arg11[%swap3A_433, %swap3A_434], %swap3A_437 {add = true, strides = array<i32>} : memref<96x256xf32, #tpu.memory_space<vmem>>, vector<1x16xf32>,
        %get3A_438 = arith.index_cast %scan3A_322 : i32 to index
        %get3A_439 = arith.constant 208 : index
        %get3A_440 = tpu.vector_load %arg12[%get3A_438, %get3A_439] {strides = array<i32>} : memref<96x256xf32, #tpu.memory_space<vmem>>, vector<1x16xf32>,
        %get3A_441 = vector.shape_cast %get3A_440 : vector<1x16xf32> to vector<16xf32>
        %swap3A_442 = arith.index_cast %scan3A_322 : i32 to index
        %swap3A_443 = arith.constant 208 : index
        %swap3A_444 = tpu.vector_load %arg11[%swap3A_442, %swap3A_443] {strides = array<i32>} : memref<96x256xf32, #tpu.memory_space<vmem>>, vector<1x16xf32>,
        %swap3A_445 = vector.shape_cast %swap3A_444 : vector<1x16xf32> to vector<16xf32>
        %swap3A_446 = vector.shape_cast %get3A_441 : vector<16xf32> to vector<1x16xf32>
        tpu.vector_store %arg11[%swap3A_442, %swap3A_443], %swap3A_446 {add = true, strides = array<i32>} : memref<96x256xf32, #tpu.memory_space<vmem>>, vector<1x16xf32>,
        %get3A_447 = arith.index_cast %scan3A_322 : i32 to index
        %get3A_448 = arith.constant 224 : index
        %get3A_449 = tpu.vector_load %arg12[%get3A_447, %get3A_448] {strides = array<i32>} : memref<96x256xf32, #tpu.memory_space<vmem>>, vector<1x16xf32>,
        %get3A_450 = vector.shape_cast %get3A_449 : vector<1x16xf32> to vector<16xf32>
        %swap3A_451 = arith.index_cast %scan3A_322 : i32 to index
        %swap3A_452 = arith.constant 224 : index
        %swap3A_453 = tpu.vector_load %arg11[%swap3A_451, %swap3A_452] {strides = array<i32>} : memref<96x256xf32, #tpu.memory_space<vmem>>, vector<1x16xf32>,
        %swap3A_454 = vector.shape_cast %swap3A_453 : vector<1x16xf32> to vector<16xf32>
        %swap3A_455 = vector.shape_cast %get3A_450 : vector<16xf32> to vector<1x16xf32>
        tpu.vector_store %arg11[%swap3A_451, %swap3A_452], %swap3A_455 {add = true, strides = array<i32>} : memref<96x256xf32, #tpu.memory_space<vmem>>, vector<1x16xf32>,
        %get3A_456 = arith.index_cast %scan3A_322 : i32 to index
        %get3A_457 = arith.constant 240 : index
        %get3A_458 = tpu.vector_load %arg12[%get3A_456, %get3A_457] {strides = array<i32>} : memref<96x256xf32, #tpu.memory_space<vmem>>, vector<1x16xf32>,
        %get3A_459 = vector.shape_cast %get3A_458 : vector<1x16xf32> to vector<16xf32>
        %swap3A_460 = arith.index_cast %scan3A_322 : i32 to index
        %swap3A_461 = arith.constant 240 : index
        %swap3A_462 = tpu.vector_load %arg11[%swap3A_460, %swap3A_461] {strides = array<i32>} : memref<96x256xf32, #tpu.memory_space<vmem>>, vector<1x16xf32>,
        %swap3A_463 = vector.shape_cast %swap3A_462 : vector<1x16xf32> to vector<16xf32>
        %swap3A_464 = vector.shape_cast %get3A_459 : vector<16xf32> to vector<1x16xf32>
        tpu.vector_store %arg11[%swap3A_460, %swap3A_461], %swap3A_464 {add = true, strides = array<i32>} : memref<96x256xf32, #tpu.memory_space<vmem>>, vector<1x16xf32>,
      }
      %scan3A_252 = arith.constant 96 : i32
      %sub3A_253 = arith.constant 96 : i32
      %sub3A_254 = arith.subi %mul3A_196, %sub3A_253 : i32
      %add3A_255 = arith.addi %mul3A_2, %sub3A_254 : i32
      %dma_start3A_256 = arith.constant 0 : i32
      %dma_start3A_257 = arith.constant 0 : i32
      %dma_start3A_258 = tpu.memref_slice %arg11[%dma_start3A_256, %dma_start3A_257] : memref<96x256xf32, #tpu.memory_space<vmem>> -> memref<96x256xf32, #tpu.memory_space<vmem>>
      %dma_start3A_259 = arith.constant 0 : i32
      %dma_start3A_260 = tpu.memref_slice %arg6[%add3A_255, %dma_start3A_259] : memref<320000x256xf32, #tpu.memory_space<hbm>> -> memref<96x256xf32, #tpu.memory_space<hbm>>
      %dma_start3A_261 = arith.constant 0 : i32
      %dma_start3A_262 = tpu.memref_slice %arg6[%add3A_255, %dma_start3A_261] : memref<320000x256xf32, #tpu.memory_space<hbm>> -> memref<96x256xf32, #tpu.memory_space<hbm>>
      %dma_start3A_263 = arith.constant 0 : i32
      %dma_start3A_264 = arith.constant 0 : i32
      %dma_start3A_265 = tpu.memref_slice %arg11[%dma_start3A_263, %dma_start3A_264] : memref<96x256xf32, #tpu.memory_space<vmem>> -> memref<96x256xf32, #tpu.memory_space<vmem>>
      tpu.enqueue_dma source(%dma_start3A_265 : memref<96x256xf32, #tpu.memory_space<vmem>>) target(%dma_start3A_262 : memref<96x256xf32, #tpu.memory_space<hbm>>) target_semaphore(%arg18 : memref<!tpu.dma_semaphore, #tpu.memory_space<semaphore_mem>>)
      %sub3A_266 = arith.constant 192 : i32
      %sub3A_267 = arith.subi %mul3A_196, %sub3A_266 : i32
      %add3A_268 = arith.addi %mul3A_2, %sub3A_267 : i32
      %dma_wait3A_269 = arith.constant 0 : i32
      %dma_wait3A_270 = arith.constant 0 : i32
      %dma_wait3A_271 = tpu.memref_slice %arg9[%dma_wait3A_269, %dma_wait3A_270] : memref<96x256xf32, #tpu.memory_space<vmem>> -> memref<96x256xf32, #tpu.memory_space<vmem>>
      %dma_wait3A_272 = arith.constant 0 : i32
      %dma_wait3A_273 = tpu.memref_slice %arg6[%add3A_268, %dma_wait3A_272] : memref<320000x256xf32, #tpu.memory_space<hbm>> -> memref<96x256xf32, #tpu.memory_space<hbm>>
      %dma_wait3A_274 = arith.constant 0 : i32
      %dma_wait3A_275 = tpu.memref_slice %arg6[%add3A_268, %dma_wait3A_274] : memref<320000x256xf32, #tpu.memory_space<hbm>> -> memref<96x256xf32, #tpu.memory_space<hbm>>
      %dma_wait3A_276 = arith.constant 0 : i32
      %dma_wait3A_277 = arith.constant 0 : i32
      %dma_wait3A_278 = tpu.memref_slice %arg9[%dma_wait3A_276, %dma_wait3A_277] : memref<96x256xf32, #tpu.memory_space<vmem>> -> memref<96x256xf32, #tpu.memory_space<vmem>>
      tpu.wait_dma2 semaphore(%arg17 : memref<!tpu.dma_semaphore, #tpu.memory_space<semaphore_mem>>) src(%dma_wait3A_278 : memref<96x256xf32, #tpu.memory_space<vmem>>) dst(%dma_wait3A_275 : memref<96x256xf32, #tpu.memory_space<hbm>>)
      %dma_start3A_279 = arith.constant 0 : i32
      %dma_start3A_280 = arith.constant 0 : i32
      %dma_start3A_281 = tpu.memref_slice %arg9[%dma_start3A_279, %dma_start3A_280] : memref<96x256xf32, #tpu.memory_space<vmem>> -> memref<96x256xf32, #tpu.memory_space<vmem>>
      %dma_start3A_282 = tpu.memref_slice %arg7[%mul3A_196] : memref<10000xi32, #tpu.memory_space<vmem>> -> memref<96xi32, #tpu.memory_space<vmem>>
      %dma_start3A_283 = arith.constant 0 : i32
      %dma_start3A_284 = arith.constant 0 : i32
      %dma_start3A_285 = tpu.memref_slice %arg2[%dma_start3A_283, %dma_start3A_284] : memref<10000x256xf32, #tpu.memory_space<hbm>> -> memref<10000x256xf32, #tpu.memory_space<hbm>>
      tpu.enqueue_indirect_dma source(%dma_start3A_285 : memref<10000x256xf32, #tpu.memory_space<hbm>>) target(%dma_start3A_281 : memref<96x256xf32, #tpu.memory_space<vmem>>) offsets(%dma_start3A_282 : memref<96xi32, #tpu.memory_space<vmem>>) semaphore(%arg13 : memref<!tpu.dma_semaphore, #tpu.memory_space<semaphore_mem>>)
      %dma_start3A_286 = arith.constant 0 : i32
      %dma_start3A_287 = arith.constant 0 : i32
      %dma_start3A_288 = tpu.memref_slice %arg10[%dma_start3A_286, %dma_start3A_287] : memref<96x256xf32, #tpu.memory_space<vmem>> -> memref<96x256xf32, #tpu.memory_space<vmem>>
      %dma_start3A_289 = tpu.memref_slice %arg8[%mul3A_196] : memref<10000xi32, #tpu.memory_space<vmem>> -> memref<96xi32, #tpu.memory_space<vmem>>
      %dma_start3A_290 = arith.constant 0 : i32
      %dma_start3A_291 = arith.constant 0 : i32
      %dma_start3A_292 = tpu.memref_slice %arg3[%dma_start3A_290, %dma_start3A_291] : memref<10000x256xf32, #tpu.memory_space<hbm>> -> memref<10000x256xf32, #tpu.memory_space<hbm>>
      tpu.enqueue_indirect_dma source(%dma_start3A_292 : memref<10000x256xf32, #tpu.memory_space<hbm>>) target(%dma_start3A_288 : memref<96x256xf32, #tpu.memory_space<vmem>>) offsets(%dma_start3A_289 : memref<96xi32, #tpu.memory_space<vmem>>) semaphore(%arg14 : memref<!tpu.dma_semaphore, #tpu.memory_space<semaphore_mem>>)
      %sub3A_293 = arith.constant 96 : i32
      %sub3A_294 = arith.subi %mul3A_196, %sub3A_293 : i32
      %add3A_295 = arith.addi %mul3A_2, %sub3A_294 : i32
      %dma_wait3A_296 = arith.constant 0 : i32
      %dma_wait3A_297 = arith.constant 0 : i32
      %dma_wait3A_298 = tpu.memref_slice %arg11[%dma_wait3A_296, %dma_wait3A_297] : memref<96x256xf32, #tpu.memory_space<vmem>> -> memref<96x256xf32, #tpu.memory_space<vmem>>
      %dma_wait3A_299 = arith.constant 0 : i32
      %dma_wait3A_300 = tpu.memref_slice %arg6[%add3A_295, %dma_wait3A_299] : memref<320000x256xf32, #tpu.memory_space<hbm>> -> memref<96x256xf32, #tpu.memory_space<hbm>>
      %dma_wait3A_301 = arith.constant 0 : i32
      %dma_wait3A_302 = tpu.memref_slice %arg6[%add3A_295, %dma_wait3A_301] : memref<320000x256xf32, #tpu.memory_space<hbm>> -> memref<96x256xf32, #tpu.memory_space<hbm>>
      %dma_wait3A_303 = arith.constant 0 : i32
      %dma_wait3A_304 = arith.constant 0 : i32
      %dma_wait3A_305 = tpu.memref_slice %arg11[%dma_wait3A_303, %dma_wait3A_304] : memref<96x256xf32, #tpu.memory_space<vmem>> -> memref<96x256xf32, #tpu.memory_space<vmem>>
      tpu.wait_dma2 semaphore(%arg18 : memref<!tpu.dma_semaphore, #tpu.memory_space<semaphore_mem>>) src(%dma_wait3A_305 : memref<96x256xf32, #tpu.memory_space<vmem>>) dst(%dma_wait3A_302 : memref<96x256xf32, #tpu.memory_space<hbm>>)
      %add3A_306 = arith.constant 96 : i32
      %add3A_307 = arith.addi %mul3A_196, %add3A_306 : i32
      %dma_start3A_308 = arith.constant 0 : i32
      %dma_start3A_309 = arith.constant 0 : i32
      %dma_start3A_310 = tpu.memref_slice %arg11[%dma_start3A_308, %dma_start3A_309] : memref<96x256xf32, #tpu.memory_space<vmem>> -> memref<96x256xf32, #tpu.memory_space<vmem>>
      %dma_start3A_311 = tpu.memref_slice %arg7[%add3A_307] : memref<10000xi32, #tpu.memory_space<vmem>> -> memref<96xi32, #tpu.memory_space<vmem>>
      %dma_start3A_312 = arith.constant 0 : i32
      %dma_start3A_313 = arith.constant 0 : i32
      %dma_start3A_314 = tpu.memref_slice %arg2[%dma_start3A_312, %dma_start3A_313] : memref<10000x256xf32, #tpu.memory_space<hbm>> -> memref<10000x256xf32, #tpu.memory_space<hbm>>
      tpu.enqueue_indirect_dma source(%dma_start3A_314 : memref<10000x256xf32, #tpu.memory_space<hbm>>) target(%dma_start3A_310 : memref<96x256xf32, #tpu.memory_space<vmem>>) offsets(%dma_start3A_311 : memref<96xi32, #tpu.memory_space<vmem>>) semaphore(%arg15 : memref<!tpu.dma_semaphore, #tpu.memory_space<semaphore_mem>>)
      %dma_start3A_315 = arith.constant 0 : i32
      %dma_start3A_316 = arith.constant 0 : i32
      %dma_start3A_317 = tpu.memref_slice %arg12[%dma_start3A_315, %dma_start3A_316] : memref<96x256xf32, #tpu.memory_space<vmem>> -> memref<96x256xf32, #tpu.memory_space<vmem>>
      %dma_start3A_318 = tpu.memref_slice %arg8[%add3A_307] : memref<10000xi32, #tpu.memory_space<vmem>> -> memref<96xi32, #tpu.memory_space<vmem>>
      %dma_start3A_319 = arith.constant 0 : i32
      %dma_start3A_320 = arith.constant 0 : i32
      %dma_start3A_321 = tpu.memref_slice %arg3[%dma_start3A_319, %dma_start3A_320] : memref<10000x256xf32, #tpu.memory_space<hbm>> -> memref<10000x256xf32, #tpu.memory_space<hbm>>
      tpu.enqueue_indirect_dma source(%dma_start3A_321 : memref<10000x256xf32, #tpu.memory_space<hbm>>) target(%dma_start3A_317 : memref<96x256xf32, #tpu.memory_space<vmem>>) offsets(%dma_start3A_318 : memref<96xi32, #tpu.memory_space<vmem>>) semaphore(%arg16 : memref<!tpu.dma_semaphore, #tpu.memory_space<semaphore_mem>>)
    }
    %scan3A_38 = arith.constant 51 : i32
    %dma_wait3A = arith.constant 0 : i32
    %dma_wait3A_39 = arith.constant 0 : i32
    %dma_wait3A_40 = tpu.memref_slice %arg9[%dma_wait3A, %dma_wait3A_39] : memref<96x256xf32, #tpu.memory_space<vmem>> -> memref<96x256xf32, #tpu.memory_space<vmem>>
    %dma_wait3A_41 = arith.constant 9792 : i32
    %dma_wait3A_42 = tpu.memref_slice %arg7[%dma_wait3A_41] : memref<10000xi32, #tpu.memory_space<vmem>> -> memref<96xi32, #tpu.memory_space<vmem>>
    %dma_wait3A_43 = arith.constant 0 : i32
    %dma_wait3A_44 = arith.constant 0 : i32
    %dma_wait3A_45 = tpu.memref_slice %arg2[%dma_wait3A_43, %dma_wait3A_44] : memref<10000x256xf32, #tpu.memory_space<hbm>> -> memref<10000x256xf32, #tpu.memory_space<hbm>>
    tpu.wait_indirect_dma semaphore(%arg13 : memref<!tpu.dma_semaphore, #tpu.memory_space<semaphore_mem>>) src(%dma_wait3A_45 : memref<10000x256xf32, #tpu.memory_space<hbm>>) dst(%dma_wait3A_40 : memref<96x256xf32, #tpu.memory_space<vmem>>)
    %dma_wait3A_46 = arith.constant 0 : i32
    %dma_wait3A_47 = arith.constant 0 : i32
    %dma_wait3A_48 = tpu.memref_slice %arg10[%dma_wait3A_46, %dma_wait3A_47] : memref<96x256xf32, #tpu.memory_space<vmem>> -> memref<96x256xf32, #tpu.memory_space<vmem>>
    %dma_wait3A_49 = arith.constant 9792 : i32
    %dma_wait3A_50 = tpu.memref_slice %arg8[%dma_wait3A_49] : memref<10000xi32, #tpu.memory_space<vmem>> -> memref<96xi32, #tpu.memory_space<vmem>>
    %dma_wait3A_51 = arith.constant 0 : i32
    %dma_wait3A_52 = arith.constant 0 : i32
    %dma_wait3A_53 = tpu.memref_slice %arg3[%dma_wait3A_51, %dma_wait3A_52] : memref<10000x256xf32, #tpu.memory_space<hbm>> -> memref<10000x256xf32, #tpu.memory_space<hbm>>
    tpu.wait_indirect_dma semaphore(%arg14 : memref<!tpu.dma_semaphore, #tpu.memory_space<semaphore_mem>>) src(%dma_wait3A_53 : memref<10000x256xf32, #tpu.memory_space<hbm>>) dst(%dma_wait3A_48 : memref<96x256xf32, #tpu.memory_space<vmem>>)
    %scan3A_54 = arith.constant 0 : i32
    %scan3A_55 = arith.constant 0 : i32
    %scan3A_56 = arith.constant 96 : i32
    %scan3A_57 = arith.addi %scan3A_55, %scan3A_56 : i32
    %scan3A_58 = arith.constant 1 : i32
    scf.for %scan3A_192 = %scan3A_55 to %scan3A_57 step %scan3A_58  : i32 {
      %get3A = arith.index_cast %scan3A_192 : i32 to index
      %get3A_193 = arith.constant 0 : index
      %get3A_194 = tpu.vector_load %arg10[%get3A, %get3A_193] {strides = array<i32>} : memref<96x256xf32, #tpu.memory_space<vmem>>, vector<1x16xf32>,
      %get3A_195 = vector.shape_cast %get3A_194 : vector<1x16xf32> to vector<16xf32>
      %swap3A = arith.index_cast %scan3A_192 : i32 to index
      %swap3A_196 = arith.constant 0 : index
      %swap3A_197 = tpu.vector_load %arg9[%swap3A, %swap3A_196] {strides = array<i32>} : memref<96x256xf32, #tpu.memory_space<vmem>>, vector<1x16xf32>,
      %swap3A_198 = vector.shape_cast %swap3A_197 : vector<1x16xf32> to vector<16xf32>
      %swap3A_199 = vector.shape_cast %get3A_195 : vector<16xf32> to vector<1x16xf32>
      tpu.vector_store %arg9[%swap3A, %swap3A_196], %swap3A_199 {add = true, strides = array<i32>} : memref<96x256xf32, #tpu.memory_space<vmem>>, vector<1x16xf32>,
      %get3A_200 = arith.index_cast %scan3A_192 : i32 to index
      %get3A_201 = arith.constant 16 : index
      %get3A_202 = tpu.vector_load %arg10[%get3A_200, %get3A_201] {strides = array<i32>} : memref<96x256xf32, #tpu.memory_space<vmem>>, vector<1x16xf32>,
      %get3A_203 = vector.shape_cast %get3A_202 : vector<1x16xf32> to vector<16xf32>
      %swap3A_204 = arith.index_cast %scan3A_192 : i32 to index
      %swap3A_205 = arith.constant 16 : index
      %swap3A_206 = tpu.vector_load %arg9[%swap3A_204, %swap3A_205] {strides = array<i32>} : memref<96x256xf32, #tpu.memory_space<vmem>>, vector<1x16xf32>,
      %swap3A_207 = vector.shape_cast %swap3A_206 : vector<1x16xf32> to vector<16xf32>
      %swap3A_208 = vector.shape_cast %get3A_203 : vector<16xf32> to vector<1x16xf32>
      tpu.vector_store %arg9[%swap3A_204, %swap3A_205], %swap3A_208 {add = true, strides = array<i32>} : memref<96x256xf32, #tpu.memory_space<vmem>>, vector<1x16xf32>,
      %get3A_209 = arith.index_cast %scan3A_192 : i32 to index
      %get3A_210 = arith.constant 32 : index
      %get3A_211 = tpu.vector_load %arg10[%get3A_209, %get3A_210] {strides = array<i32>} : memref<96x256xf32, #tpu.memory_space<vmem>>, vector<1x16xf32>,
      %get3A_212 = vector.shape_cast %get3A_211 : vector<1x16xf32> to vector<16xf32>
      %swap3A_213 = arith.index_cast %scan3A_192 : i32 to index
      %swap3A_214 = arith.constant 32 : index
      %swap3A_215 = tpu.vector_load %arg9[%swap3A_213, %swap3A_214] {strides = array<i32>} : memref<96x256xf32, #tpu.memory_space<vmem>>, vector<1x16xf32>,
      %swap3A_216 = vector.shape_cast %swap3A_215 : vector<1x16xf32> to vector<16xf32>
      %swap3A_217 = vector.shape_cast %get3A_212 : vector<16xf32> to vector<1x16xf32>
      tpu.vector_store %arg9[%swap3A_213, %swap3A_214], %swap3A_217 {add = true, strides = array<i32>} : memref<96x256xf32, #tpu.memory_space<vmem>>, vector<1x16xf32>,
      %get3A_218 = arith.index_cast %scan3A_192 : i32 to index
      %get3A_219 = arith.constant 48 : index
      %get3A_220 = tpu.vector_load %arg10[%get3A_218, %get3A_219] {strides = array<i32>} : memref<96x256xf32, #tpu.memory_space<vmem>>, vector<1x16xf32>,
      %get3A_221 = vector.shape_cast %get3A_220 : vector<1x16xf32> to vector<16xf32>
      %swap3A_222 = arith.index_cast %scan3A_192 : i32 to index
      %swap3A_223 = arith.constant 48 : index
      %swap3A_224 = tpu.vector_load %arg9[%swap3A_222, %swap3A_223] {strides = array<i32>} : memref<96x256xf32, #tpu.memory_space<vmem>>, vector<1x16xf32>,
      %swap3A_225 = vector.shape_cast %swap3A_224 : vector<1x16xf32> to vector<16xf32>
      %swap3A_226 = vector.shape_cast %get3A_221 : vector<16xf32> to vector<1x16xf32>
      tpu.vector_store %arg9[%swap3A_222, %swap3A_223], %swap3A_226 {add = true, strides = array<i32>} : memref<96x256xf32, #tpu.memory_space<vmem>>, vector<1x16xf32>,
      %get3A_227 = arith.index_cast %scan3A_192 : i32 to index
      %get3A_228 = arith.constant 64 : index
      %get3A_229 = tpu.vector_load %arg10[%get3A_227, %get3A_228] {strides = array<i32>} : memref<96x256xf32, #tpu.memory_space<vmem>>, vector<1x16xf32>,
      %get3A_230 = vector.shape_cast %get3A_229 : vector<1x16xf32> to vector<16xf32>
      %swap3A_231 = arith.index_cast %scan3A_192 : i32 to index
      %swap3A_232 = arith.constant 64 : index
      %swap3A_233 = tpu.vector_load %arg9[%swap3A_231, %swap3A_232] {strides = array<i32>} : memref<96x256xf32, #tpu.memory_space<vmem>>, vector<1x16xf32>,
      %swap3A_234 = vector.shape_cast %swap3A_233 : vector<1x16xf32> to vector<16xf32>
      %swap3A_235 = vector.shape_cast %get3A_230 : vector<16xf32> to vector<1x16xf32>
      tpu.vector_store %arg9[%swap3A_231, %swap3A_232], %swap3A_235 {add = true, strides = array<i32>} : memref<96x256xf32, #tpu.memory_space<vmem>>, vector<1x16xf32>,
      %get3A_236 = arith.index_cast %scan3A_192 : i32 to index
      %get3A_237 = arith.constant 80 : index
      %get3A_238 = tpu.vector_load %arg10[%get3A_236, %get3A_237] {strides = array<i32>} : memref<96x256xf32, #tpu.memory_space<vmem>>, vector<1x16xf32>,
      %get3A_239 = vector.shape_cast %get3A_238 : vector<1x16xf32> to vector<16xf32>
      %swap3A_240 = arith.index_cast %scan3A_192 : i32 to index
      %swap3A_241 = arith.constant 80 : index
      %swap3A_242 = tpu.vector_load %arg9[%swap3A_240, %swap3A_241] {strides = array<i32>} : memref<96x256xf32, #tpu.memory_space<vmem>>, vector<1x16xf32>,
      %swap3A_243 = vector.shape_cast %swap3A_242 : vector<1x16xf32> to vector<16xf32>
      %swap3A_244 = vector.shape_cast %get3A_239 : vector<16xf32> to vector<1x16xf32>
      tpu.vector_store %arg9[%swap3A_240, %swap3A_241], %swap3A_244 {add = true, strides = array<i32>} : memref<96x256xf32, #tpu.memory_space<vmem>>, vector<1x16xf32>,
      %get3A_245 = arith.index_cast %scan3A_192 : i32 to index
      %get3A_246 = arith.constant 96 : index
      %get3A_247 = tpu.vector_load %arg10[%get3A_245, %get3A_246] {strides = array<i32>} : memref<96x256xf32, #tpu.memory_space<vmem>>, vector<1x16xf32>,
      %get3A_248 = vector.shape_cast %get3A_247 : vector<1x16xf32> to vector<16xf32>
      %swap3A_249 = arith.index_cast %scan3A_192 : i32 to index
      %swap3A_250 = arith.constant 96 : index
      %swap3A_251 = tpu.vector_load %arg9[%swap3A_249, %swap3A_250] {strides = array<i32>} : memref<96x256xf32, #tpu.memory_space<vmem>>, vector<1x16xf32>,
      %swap3A_252 = vector.shape_cast %swap3A_251 : vector<1x16xf32> to vector<16xf32>
      %swap3A_253 = vector.shape_cast %get3A_248 : vector<16xf32> to vector<1x16xf32>
      tpu.vector_store %arg9[%swap3A_249, %swap3A_250], %swap3A_253 {add = true, strides = array<i32>} : memref<96x256xf32, #tpu.memory_space<vmem>>, vector<1x16xf32>,
      %get3A_254 = arith.index_cast %scan3A_192 : i32 to index
      %get3A_255 = arith.constant 112 : index
      %get3A_256 = tpu.vector_load %arg10[%get3A_254, %get3A_255] {strides = array<i32>} : memref<96x256xf32, #tpu.memory_space<vmem>>, vector<1x16xf32>,
      %get3A_257 = vector.shape_cast %get3A_256 : vector<1x16xf32> to vector<16xf32>
      %swap3A_258 = arith.index_cast %scan3A_192 : i32 to index
      %swap3A_259 = arith.constant 112 : index
      %swap3A_260 = tpu.vector_load %arg9[%swap3A_258, %swap3A_259] {strides = array<i32>} : memref<96x256xf32, #tpu.memory_space<vmem>>, vector<1x16xf32>,
      %swap3A_261 = vector.shape_cast %swap3A_260 : vector<1x16xf32> to vector<16xf32>
      %swap3A_262 = vector.shape_cast %get3A_257 : vector<16xf32> to vector<1x16xf32>
      tpu.vector_store %arg9[%swap3A_258, %swap3A_259], %swap3A_262 {add = true, strides = array<i32>} : memref<96x256xf32, #tpu.memory_space<vmem>>, vector<1x16xf32>,
      %get3A_263 = arith.index_cast %scan3A_192 : i32 to index
      %get3A_264 = arith.constant 128 : index
      %get3A_265 = tpu.vector_load %arg10[%get3A_263, %get3A_264] {strides = array<i32>} : memref<96x256xf32, #tpu.memory_space<vmem>>, vector<1x16xf32>,
      %get3A_266 = vector.shape_cast %get3A_265 : vector<1x16xf32> to vector<16xf32>
      %swap3A_267 = arith.index_cast %scan3A_192 : i32 to index
      %swap3A_268 = arith.constant 128 : index
      %swap3A_269 = tpu.vector_load %arg9[%swap3A_267, %swap3A_268] {strides = array<i32>} : memref<96x256xf32, #tpu.memory_space<vmem>>, vector<1x16xf32>,
      %swap3A_270 = vector.shape_cast %swap3A_269 : vector<1x16xf32> to vector<16xf32>
      %swap3A_271 = vector.shape_cast %get3A_266 : vector<16xf32> to vector<1x16xf32>
      tpu.vector_store %arg9[%swap3A_267, %swap3A_268], %swap3A_271 {add = true, strides = array<i32>} : memref<96x256xf32, #tpu.memory_space<vmem>>, vector<1x16xf32>,
      %get3A_272 = arith.index_cast %scan3A_192 : i32 to index
      %get3A_273 = arith.constant 144 : index
      %get3A_274 = tpu.vector_load %arg10[%get3A_272, %get3A_273] {strides = array<i32>} : memref<96x256xf32, #tpu.memory_space<vmem>>, vector<1x16xf32>,
      %get3A_275 = vector.shape_cast %get3A_274 : vector<1x16xf32> to vector<16xf32>
      %swap3A_276 = arith.index_cast %scan3A_192 : i32 to index
      %swap3A_277 = arith.constant 144 : index
      %swap3A_278 = tpu.vector_load %arg9[%swap3A_276, %swap3A_277] {strides = array<i32>} : memref<96x256xf32, #tpu.memory_space<vmem>>, vector<1x16xf32>,
      %swap3A_279 = vector.shape_cast %swap3A_278 : vector<1x16xf32> to vector<16xf32>
      %swap3A_280 = vector.shape_cast %get3A_275 : vector<16xf32> to vector<1x16xf32>
      tpu.vector_store %arg9[%swap3A_276, %swap3A_277], %swap3A_280 {add = true, strides = array<i32>} : memref<96x256xf32, #tpu.memory_space<vmem>>, vector<1x16xf32>,
      %get3A_281 = arith.index_cast %scan3A_192 : i32 to index
      %get3A_282 = arith.constant 160 : index
      %get3A_283 = tpu.vector_load %arg10[%get3A_281, %get3A_282] {strides = array<i32>} : memref<96x256xf32, #tpu.memory_space<vmem>>, vector<1x16xf32>,
      %get3A_284 = vector.shape_cast %get3A_283 : vector<1x16xf32> to vector<16xf32>
      %swap3A_285 = arith.index_cast %scan3A_192 : i32 to index
      %swap3A_286 = arith.constant 160 : index
      %swap3A_287 = tpu.vector_load %arg9[%swap3A_285, %swap3A_286] {strides = array<i32>} : memref<96x256xf32, #tpu.memory_space<vmem>>, vector<1x16xf32>,
      %swap3A_288 = vector.shape_cast %swap3A_287 : vector<1x16xf32> to vector<16xf32>
      %swap3A_289 = vector.shape_cast %get3A_284 : vector<16xf32> to vector<1x16xf32>
      tpu.vector_store %arg9[%swap3A_285, %swap3A_286], %swap3A_289 {add = true, strides = array<i32>} : memref<96x256xf32, #tpu.memory_space<vmem>>, vector<1x16xf32>,
      %get3A_290 = arith.index_cast %scan3A_192 : i32 to index
      %get3A_291 = arith.constant 176 : index
      %get3A_292 = tpu.vector_load %arg10[%get3A_290, %get3A_291] {strides = array<i32>} : memref<96x256xf32, #tpu.memory_space<vmem>>, vector<1x16xf32>,
      %get3A_293 = vector.shape_cast %get3A_292 : vector<1x16xf32> to vector<16xf32>
      %swap3A_294 = arith.index_cast %scan3A_192 : i32 to index
      %swap3A_295 = arith.constant 176 : index
      %swap3A_296 = tpu.vector_load %arg9[%swap3A_294, %swap3A_295] {strides = array<i32>} : memref<96x256xf32, #tpu.memory_space<vmem>>, vector<1x16xf32>,
      %swap3A_297 = vector.shape_cast %swap3A_296 : vector<1x16xf32> to vector<16xf32>
      %swap3A_298 = vector.shape_cast %get3A_293 : vector<16xf32> to vector<1x16xf32>
      tpu.vector_store %arg9[%swap3A_294, %swap3A_295], %swap3A_298 {add = true, strides = array<i32>} : memref<96x256xf32, #tpu.memory_space<vmem>>, vector<1x16xf32>,
      %get3A_299 = arith.index_cast %scan3A_192 : i32 to index
      %get3A_300 = arith.constant 192 : index
      %get3A_301 = tpu.vector_load %arg10[%get3A_299, %get3A_300] {strides = array<i32>} : memref<96x256xf32, #tpu.memory_space<vmem>>, vector<1x16xf32>,
      %get3A_302 = vector.shape_cast %get3A_301 : vector<1x16xf32> to vector<16xf32>
      %swap3A_303 = arith.index_cast %scan3A_192 : i32 to index
      %swap3A_304 = arith.constant 192 : index
      %swap3A_305 = tpu.vector_load %arg9[%swap3A_303, %swap3A_304] {strides = array<i32>} : memref<96x256xf32, #tpu.memory_space<vmem>>, vector<1x16xf32>,
      %swap3A_306 = vector.shape_cast %swap3A_305 : vector<1x16xf32> to vector<16xf32>
      %swap3A_307 = vector.shape_cast %get3A_302 : vector<16xf32> to vector<1x16xf32>
      tpu.vector_store %arg9[%swap3A_303, %swap3A_304], %swap3A_307 {add = true, strides = array<i32>} : memref<96x256xf32, #tpu.memory_space<vmem>>, vector<1x16xf32>,
      %get3A_308 = arith.index_cast %scan3A_192 : i32 to index
      %get3A_309 = arith.constant 208 : index
      %get3A_310 = tpu.vector_load %arg10[%get3A_308, %get3A_309] {strides = array<i32>} : memref<96x256xf32, #tpu.memory_space<vmem>>, vector<1x16xf32>,
      %get3A_311 = vector.shape_cast %get3A_310 : vector<1x16xf32> to vector<16xf32>
      %swap3A_312 = arith.index_cast %scan3A_192 : i32 to index
      %swap3A_313 = arith.constant 208 : index
      %swap3A_314 = tpu.vector_load %arg9[%swap3A_312, %swap3A_313] {strides = array<i32>} : memref<96x256xf32, #tpu.memory_space<vmem>>, vector<1x16xf32>,
      %swap3A_315 = vector.shape_cast %swap3A_314 : vector<1x16xf32> to vector<16xf32>
      %swap3A_316 = vector.shape_cast %get3A_311 : vector<16xf32> to vector<1x16xf32>
      tpu.vector_store %arg9[%swap3A_312, %swap3A_313], %swap3A_316 {add = true, strides = array<i32>} : memref<96x256xf32, #tpu.memory_space<vmem>>, vector<1x16xf32>,
      %get3A_317 = arith.index_cast %scan3A_192 : i32 to index
      %get3A_318 = arith.constant 224 : index
      %get3A_319 = tpu.vector_load %arg10[%get3A_317, %get3A_318] {strides = array<i32>} : memref<96x256xf32, #tpu.memory_space<vmem>>, vector<1x16xf32>,
      %get3A_320 = vector.shape_cast %get3A_319 : vector<1x16xf32> to vector<16xf32>
      %swap3A_321 = arith.index_cast %scan3A_192 : i32 to index
      %swap3A_322 = arith.constant 224 : index
      %swap3A_323 = tpu.vector_load %arg9[%swap3A_321, %swap3A_322] {strides = array<i32>} : memref<96x256xf32, #tpu.memory_space<vmem>>, vector<1x16xf32>,
      %swap3A_324 = vector.shape_cast %swap3A_323 : vector<1x16xf32> to vector<16xf32>
      %swap3A_325 = vector.shape_cast %get3A_320 : vector<16xf32> to vector<1x16xf32>
      tpu.vector_store %arg9[%swap3A_321, %swap3A_322], %swap3A_325 {add = true, strides = array<i32>} : memref<96x256xf32, #tpu.memory_space<vmem>>, vector<1x16xf32>,
      %get3A_326 = arith.index_cast %scan3A_192 : i32 to index
      %get3A_327 = arith.constant 240 : index
      %get3A_328 = tpu.vector_load %arg10[%get3A_326, %get3A_327] {strides = array<i32>} : memref<96x256xf32, #tpu.memory_space<vmem>>, vector<1x16xf32>,
      %get3A_329 = vector.shape_cast %get3A_328 : vector<1x16xf32> to vector<16xf32>
      %swap3A_330 = arith.index_cast %scan3A_192 : i32 to index
      %swap3A_331 = arith.constant 240 : index
      %swap3A_332 = tpu.vector_load %arg9[%swap3A_330, %swap3A_331] {strides = array<i32>} : memref<96x256xf32, #tpu.memory_space<vmem>>, vector<1x16xf32>,
      %swap3A_333 = vector.shape_cast %swap3A_332 : vector<1x16xf32> to vector<16xf32>
      %swap3A_334 = vector.shape_cast %get3A_329 : vector<16xf32> to vector<1x16xf32>
      tpu.vector_store %arg9[%swap3A_330, %swap3A_331], %swap3A_334 {add = true, strides = array<i32>} : memref<96x256xf32, #tpu.memory_space<vmem>>, vector<1x16xf32>,
    }
    %scan3A_59 = arith.constant 96 : i32
    %add3A_60 = arith.constant 9792 : i32
    %add3A_61 = arith.addi %mul3A_2, %add3A_60 : i32
    %dma_start3A_62 = arith.constant 0 : i32
    %dma_start3A_63 = arith.constant 0 : i32
    %dma_start3A_64 = tpu.memref_slice %arg9[%dma_start3A_62, %dma_start3A_63] : memref<96x256xf32, #tpu.memory_space<vmem>> -> memref<96x256xf32, #tpu.memory_space<vmem>>
    %dma_start3A_65 = arith.constant 0 : i32
    %dma_start3A_66 = tpu.memref_slice %arg6[%add3A_61, %dma_start3A_65] : memref<320000x256xf32, #tpu.memory_space<hbm>> -> memref<96x256xf32, #tpu.memory_space<hbm>>
    %dma_start3A_67 = arith.constant 0 : i32
    %dma_start3A_68 = tpu.memref_slice %arg6[%add3A_61, %dma_start3A_67] : memref<320000x256xf32, #tpu.memory_space<hbm>> -> memref<96x256xf32, #tpu.memory_space<hbm>>
    %dma_start3A_69 = arith.constant 0 : i32
    %dma_start3A_70 = arith.constant 0 : i32
    %dma_start3A_71 = tpu.memref_slice %arg9[%dma_start3A_69, %dma_start3A_70] : memref<96x256xf32, #tpu.memory_space<vmem>> -> memref<96x256xf32, #tpu.memory_space<vmem>>
    tpu.enqueue_dma source(%dma_start3A_71 : memref<96x256xf32, #tpu.memory_space<vmem>>) target(%dma_start3A_68 : memref<96x256xf32, #tpu.memory_space<hbm>>) target_semaphore(%arg17 : memref<!tpu.dma_semaphore, #tpu.memory_space<semaphore_mem>>)
    %dma_wait3A_72 = arith.constant 0 : i32
    %dma_wait3A_73 = arith.constant 0 : i32
    %dma_wait3A_74 = tpu.memref_slice %arg11[%dma_wait3A_72, %dma_wait3A_73] : memref<96x256xf32, #tpu.memory_space<vmem>> -> memref<96x256xf32, #tpu.memory_space<vmem>>
    %dma_wait3A_75 = arith.constant 9888 : i32
    %dma_wait3A_76 = tpu.memref_slice %arg7[%dma_wait3A_75] : memref<10000xi32, #tpu.memory_space<vmem>> -> memref<96xi32, #tpu.memory_space<vmem>>
    %dma_wait3A_77 = arith.constant 0 : i32
    %dma_wait3A_78 = arith.constant 0 : i32
    %dma_wait3A_79 = tpu.memref_slice %arg2[%dma_wait3A_77, %dma_wait3A_78] : memref<10000x256xf32, #tpu.memory_space<hbm>> -> memref<10000x256xf32, #tpu.memory_space<hbm>>
    tpu.wait_indirect_dma semaphore(%arg15 : memref<!tpu.dma_semaphore, #tpu.memory_space<semaphore_mem>>) src(%dma_wait3A_79 : memref<10000x256xf32, #tpu.memory_space<hbm>>) dst(%dma_wait3A_74 : memref<96x256xf32, #tpu.memory_space<vmem>>)
    %dma_wait3A_80 = arith.constant 0 : i32
    %dma_wait3A_81 = arith.constant 0 : i32
    %dma_wait3A_82 = tpu.memref_slice %arg12[%dma_wait3A_80, %dma_wait3A_81] : memref<96x256xf32, #tpu.memory_space<vmem>> -> memref<96x256xf32, #tpu.memory_space<vmem>>
    %dma_wait3A_83 = arith.constant 9888 : i32
    %dma_wait3A_84 = tpu.memref_slice %arg8[%dma_wait3A_83] : memref<10000xi32, #tpu.memory_space<vmem>> -> memref<96xi32, #tpu.memory_space<vmem>>
    %dma_wait3A_85 = arith.constant 0 : i32
    %dma_wait3A_86 = arith.constant 0 : i32
    %dma_wait3A_87 = tpu.memref_slice %arg3[%dma_wait3A_85, %dma_wait3A_86] : memref<10000x256xf32, #tpu.memory_space<hbm>> -> memref<10000x256xf32, #tpu.memory_space<hbm>>
    tpu.wait_indirect_dma semaphore(%arg16 : memref<!tpu.dma_semaphore, #tpu.memory_space<semaphore_mem>>) src(%dma_wait3A_87 : memref<10000x256xf32, #tpu.memory_space<hbm>>) dst(%dma_wait3A_82 : memref<96x256xf32, #tpu.memory_space<vmem>>)
    %scan3A_88 = arith.constant 0 : i32
    %scan3A_89 = arith.constant 0 : i32
    %scan3A_90 = arith.constant 96 : i32
    %scan3A_91 = arith.addi %scan3A_89, %scan3A_90 : i32
    %scan3A_92 = arith.constant 1 : i32
    scf.for %scan3A_192 = %scan3A_89 to %scan3A_91 step %scan3A_92  : i32 {
      %get3A = arith.index_cast %scan3A_192 : i32 to index
      %get3A_193 = arith.constant 0 : index
      %get3A_194 = tpu.vector_load %arg12[%get3A, %get3A_193] {strides = array<i32>} : memref<96x256xf32, #tpu.memory_space<vmem>>, vector<1x16xf32>,
      %get3A_195 = vector.shape_cast %get3A_194 : vector<1x16xf32> to vector<16xf32>
      %swap3A = arith.index_cast %scan3A_192 : i32 to index
      %swap3A_196 = arith.constant 0 : index
      %swap3A_197 = tpu.vector_load %arg11[%swap3A, %swap3A_196] {strides = array<i32>} : memref<96x256xf32, #tpu.memory_space<vmem>>, vector<1x16xf32>,
      %swap3A_198 = vector.shape_cast %swap3A_197 : vector<1x16xf32> to vector<16xf32>
      %swap3A_199 = vector.shape_cast %get3A_195 : vector<16xf32> to vector<1x16xf32>
      tpu.vector_store %arg11[%swap3A, %swap3A_196], %swap3A_199 {add = true, strides = array<i32>} : memref<96x256xf32, #tpu.memory_space<vmem>>, vector<1x16xf32>,
      %get3A_200 = arith.index_cast %scan3A_192 : i32 to index
      %get3A_201 = arith.constant 16 : index
      %get3A_202 = tpu.vector_load %arg12[%get3A_200, %get3A_201] {strides = array<i32>} : memref<96x256xf32, #tpu.memory_space<vmem>>, vector<1x16xf32>,
      %get3A_203 = vector.shape_cast %get3A_202 : vector<1x16xf32> to vector<16xf32>
      %swap3A_204 = arith.index_cast %scan3A_192 : i32 to index
      %swap3A_205 = arith.constant 16 : index
      %swap3A_206 = tpu.vector_load %arg11[%swap3A_204, %swap3A_205] {strides = array<i32>} : memref<96x256xf32, #tpu.memory_space<vmem>>, vector<1x16xf32>,
      %swap3A_207 = vector.shape_cast %swap3A_206 : vector<1x16xf32> to vector<16xf32>
      %swap3A_208 = vector.shape_cast %get3A_203 : vector<16xf32> to vector<1x16xf32>
      tpu.vector_store %arg11[%swap3A_204, %swap3A_205], %swap3A_208 {add = true, strides = array<i32>} : memref<96x256xf32, #tpu.memory_space<vmem>>, vector<1x16xf32>,
      %get3A_209 = arith.index_cast %scan3A_192 : i32 to index
      %get3A_210 = arith.constant 32 : index
      %get3A_211 = tpu.vector_load %arg12[%get3A_209, %get3A_210] {strides = array<i32>} : memref<96x256xf32, #tpu.memory_space<vmem>>, vector<1x16xf32>,
      %get3A_212 = vector.shape_cast %get3A_211 : vector<1x16xf32> to vector<16xf32>
      %swap3A_213 = arith.index_cast %scan3A_192 : i32 to index
      %swap3A_214 = arith.constant 32 : index
      %swap3A_215 = tpu.vector_load %arg11[%swap3A_213, %swap3A_214] {strides = array<i32>} : memref<96x256xf32, #tpu.memory_space<vmem>>, vector<1x16xf32>,
      %swap3A_216 = vector.shape_cast %swap3A_215 : vector<1x16xf32> to vector<16xf32>
      %swap3A_217 = vector.shape_cast %get3A_212 : vector<16xf32> to vector<1x16xf32>
      tpu.vector_store %arg11[%swap3A_213, %swap3A_214], %swap3A_217 {add = true, strides = array<i32>} : memref<96x256xf32, #tpu.memory_space<vmem>>, vector<1x16xf32>,
      %get3A_218 = arith.index_cast %scan3A_192 : i32 to index
      %get3A_219 = arith.constant 48 : index
      %get3A_220 = tpu.vector_load %arg12[%get3A_218, %get3A_219] {strides = array<i32>} : memref<96x256xf32, #tpu.memory_space<vmem>>, vector<1x16xf32>,
      %get3A_221 = vector.shape_cast %get3A_220 : vector<1x16xf32> to vector<16xf32>
      %swap3A_222 = arith.index_cast %scan3A_192 : i32 to index
      %swap3A_223 = arith.constant 48 : index
      %swap3A_224 = tpu.vector_load %arg11[%swap3A_222, %swap3A_223] {strides = array<i32>} : memref<96x256xf32, #tpu.memory_space<vmem>>, vector<1x16xf32>,
      %swap3A_225 = vector.shape_cast %swap3A_224 : vector<1x16xf32> to vector<16xf32>
      %swap3A_226 = vector.shape_cast %get3A_221 : vector<16xf32> to vector<1x16xf32>
      tpu.vector_store %arg11[%swap3A_222, %swap3A_223], %swap3A_226 {add = true, strides = array<i32>} : memref<96x256xf32, #tpu.memory_space<vmem>>, vector<1x16xf32>,
      %get3A_227 = arith.index_cast %scan3A_192 : i32 to index
      %get3A_228 = arith.constant 64 : index
      %get3A_229 = tpu.vector_load %arg12[%get3A_227, %get3A_228] {strides = array<i32>} : memref<96x256xf32, #tpu.memory_space<vmem>>, vector<1x16xf32>,
      %get3A_230 = vector.shape_cast %get3A_229 : vector<1x16xf32> to vector<16xf32>
      %swap3A_231 = arith.index_cast %scan3A_192 : i32 to index
      %swap3A_232 = arith.constant 64 : index
      %swap3A_233 = tpu.vector_load %arg11[%swap3A_231, %swap3A_232] {strides = array<i32>} : memref<96x256xf32, #tpu.memory_space<vmem>>, vector<1x16xf32>,
      %swap3A_234 = vector.shape_cast %swap3A_233 : vector<1x16xf32> to vector<16xf32>
      %swap3A_235 = vector.shape_cast %get3A_230 : vector<16xf32> to vector<1x16xf32>
      tpu.vector_store %arg11[%swap3A_231, %swap3A_232], %swap3A_235 {add = true, strides = array<i32>} : memref<96x256xf32, #tpu.memory_space<vmem>>, vector<1x16xf32>,
      %get3A_236 = arith.index_cast %scan3A_192 : i32 to index
      %get3A_237 = arith.constant 80 : index
      %get3A_238 = tpu.vector_load %arg12[%get3A_236, %get3A_237] {strides = array<i32>} : memref<96x256xf32, #tpu.memory_space<vmem>>, vector<1x16xf32>,
      %get3A_239 = vector.shape_cast %get3A_238 : vector<1x16xf32> to vector<16xf32>
      %swap3A_240 = arith.index_cast %scan3A_192 : i32 to index
      %swap3A_241 = arith.constant 80 : index
      %swap3A_242 = tpu.vector_load %arg11[%swap3A_240, %swap3A_241] {strides = array<i32>} : memref<96x256xf32, #tpu.memory_space<vmem>>, vector<1x16xf32>,
      %swap3A_243 = vector.shape_cast %swap3A_242 : vector<1x16xf32> to vector<16xf32>
      %swap3A_244 = vector.shape_cast %get3A_239 : vector<16xf32> to vector<1x16xf32>
      tpu.vector_store %arg11[%swap3A_240, %swap3A_241], %swap3A_244 {add = true, strides = array<i32>} : memref<96x256xf32, #tpu.memory_space<vmem>>, vector<1x16xf32>,
      %get3A_245 = arith.index_cast %scan3A_192 : i32 to index
      %get3A_246 = arith.constant 96 : index
      %get3A_247 = tpu.vector_load %arg12[%get3A_245, %get3A_246] {strides = array<i32>} : memref<96x256xf32, #tpu.memory_space<vmem>>, vector<1x16xf32>,
      %get3A_248 = vector.shape_cast %get3A_247 : vector<1x16xf32> to vector<16xf32>
      %swap3A_249 = arith.index_cast %scan3A_192 : i32 to index
      %swap3A_250 = arith.constant 96 : index
      %swap3A_251 = tpu.vector_load %arg11[%swap3A_249, %swap3A_250] {strides = array<i32>} : memref<96x256xf32, #tpu.memory_space<vmem>>, vector<1x16xf32>,
      %swap3A_252 = vector.shape_cast %swap3A_251 : vector<1x16xf32> to vector<16xf32>
      %swap3A_253 = vector.shape_cast %get3A_248 : vector<16xf32> to vector<1x16xf32>
      tpu.vector_store %arg11[%swap3A_249, %swap3A_250], %swap3A_253 {add = true, strides = array<i32>} : memref<96x256xf32, #tpu.memory_space<vmem>>, vector<1x16xf32>,
      %get3A_254 = arith.index_cast %scan3A_192 : i32 to index
      %get3A_255 = arith.constant 112 : index
      %get3A_256 = tpu.vector_load %arg12[%get3A_254, %get3A_255] {strides = array<i32>} : memref<96x256xf32, #tpu.memory_space<vmem>>, vector<1x16xf32>,
      %get3A_257 = vector.shape_cast %get3A_256 : vector<1x16xf32> to vector<16xf32>
      %swap3A_258 = arith.index_cast %scan3A_192 : i32 to index
      %swap3A_259 = arith.constant 112 : index
      %swap3A_260 = tpu.vector_load %arg11[%swap3A_258, %swap3A_259] {strides = array<i32>} : memref<96x256xf32, #tpu.memory_space<vmem>>, vector<1x16xf32>,
      %swap3A_261 = vector.shape_cast %swap3A_260 : vector<1x16xf32> to vector<16xf32>
      %swap3A_262 = vector.shape_cast %get3A_257 : vector<16xf32> to vector<1x16xf32>
      tpu.vector_store %arg11[%swap3A_258, %swap3A_259], %swap3A_262 {add = true, strides = array<i32>} : memref<96x256xf32, #tpu.memory_space<vmem>>, vector<1x16xf32>,
      %get3A_263 = arith.index_cast %scan3A_192 : i32 to index
      %get3A_264 = arith.constant 128 : index
      %get3A_265 = tpu.vector_load %arg12[%get3A_263, %get3A_264] {strides = array<i32>} : memref<96x256xf32, #tpu.memory_space<vmem>>, vector<1x16xf32>,
      %get3A_266 = vector.shape_cast %get3A_265 : vector<1x16xf32> to vector<16xf32>
      %swap3A_267 = arith.index_cast %scan3A_192 : i32 to index
      %swap3A_268 = arith.constant 128 : index
      %swap3A_269 = tpu.vector_load %arg11[%swap3A_267, %swap3A_268] {strides = array<i32>} : memref<96x256xf32, #tpu.memory_space<vmem>>, vector<1x16xf32>,
      %swap3A_270 = vector.shape_cast %swap3A_269 : vector<1x16xf32> to vector<16xf32>
      %swap3A_271 = vector.shape_cast %get3A_266 : vector<16xf32> to vector<1x16xf32>
      tpu.vector_store %arg11[%swap3A_267, %swap3A_268], %swap3A_271 {add = true, strides = array<i32>} : memref<96x256xf32, #tpu.memory_space<vmem>>, vector<1x16xf32>,
      %get3A_272 = arith.index_cast %scan3A_192 : i32 to index
      %get3A_273 = arith.constant 144 : index
      %get3A_274 = tpu.vector_load %arg12[%get3A_272, %get3A_273] {strides = array<i32>} : memref<96x256xf32, #tpu.memory_space<vmem>>, vector<1x16xf32>,
      %get3A_275 = vector.shape_cast %get3A_274 : vector<1x16xf32> to vector<16xf32>
      %swap3A_276 = arith.index_cast %scan3A_192 : i32 to index
      %swap3A_277 = arith.constant 144 : index
      %swap3A_278 = tpu.vector_load %arg11[%swap3A_276, %swap3A_277] {strides = array<i32>} : memref<96x256xf32, #tpu.memory_space<vmem>>, vector<1x16xf32>,
      %swap3A_279 = vector.shape_cast %swap3A_278 : vector<1x16xf32> to vector<16xf32>
      %swap3A_280 = vector.shape_cast %get3A_275 : vector<16xf32> to vector<1x16xf32>
      tpu.vector_store %arg11[%swap3A_276, %swap3A_277], %swap3A_280 {add = true, strides = array<i32>} : memref<96x256xf32, #tpu.memory_space<vmem>>, vector<1x16xf32>,
      %get3A_281 = arith.index_cast %scan3A_192 : i32 to index
      %get3A_282 = arith.constant 160 : index
      %get3A_283 = tpu.vector_load %arg12[%get3A_281, %get3A_282] {strides = array<i32>} : memref<96x256xf32, #tpu.memory_space<vmem>>, vector<1x16xf32>,
      %get3A_284 = vector.shape_cast %get3A_283 : vector<1x16xf32> to vector<16xf32>
      %swap3A_285 = arith.index_cast %scan3A_192 : i32 to index
      %swap3A_286 = arith.constant 160 : index
      %swap3A_287 = tpu.vector_load %arg11[%swap3A_285, %swap3A_286] {strides = array<i32>} : memref<96x256xf32, #tpu.memory_space<vmem>>, vector<1x16xf32>,
      %swap3A_288 = vector.shape_cast %swap3A_287 : vector<1x16xf32> to vector<16xf32>
      %swap3A_289 = vector.shape_cast %get3A_284 : vector<16xf32> to vector<1x16xf32>
      tpu.vector_store %arg11[%swap3A_285, %swap3A_286], %swap3A_289 {add = true, strides = array<i32>} : memref<96x256xf32, #tpu.memory_space<vmem>>, vector<1x16xf32>,
      %get3A_290 = arith.index_cast %scan3A_192 : i32 to index
      %get3A_291 = arith.constant 176 : index
      %get3A_292 = tpu.vector_load %arg12[%get3A_290, %get3A_291] {strides = array<i32>} : memref<96x256xf32, #tpu.memory_space<vmem>>, vector<1x16xf32>,
      %get3A_293 = vector.shape_cast %get3A_292 : vector<1x16xf32> to vector<16xf32>
      %swap3A_294 = arith.index_cast %scan3A_192 : i32 to index
      %swap3A_295 = arith.constant 176 : index
      %swap3A_296 = tpu.vector_load %arg11[%swap3A_294, %swap3A_295] {strides = array<i32>} : memref<96x256xf32, #tpu.memory_space<vmem>>, vector<1x16xf32>,
      %swap3A_297 = vector.shape_cast %swap3A_296 : vector<1x16xf32> to vector<16xf32>
      %swap3A_298 = vector.shape_cast %get3A_293 : vector<16xf32> to vector<1x16xf32>
      tpu.vector_store %arg11[%swap3A_294, %swap3A_295], %swap3A_298 {add = true, strides = array<i32>} : memref<96x256xf32, #tpu.memory_space<vmem>>, vector<1x16xf32>,
      %get3A_299 = arith.index_cast %scan3A_192 : i32 to index
      %get3A_300 = arith.constant 192 : index
      %get3A_301 = tpu.vector_load %arg12[%get3A_299, %get3A_300] {strides = array<i32>} : memref<96x256xf32, #tpu.memory_space<vmem>>, vector<1x16xf32>,
      %get3A_302 = vector.shape_cast %get3A_301 : vector<1x16xf32> to vector<16xf32>
      %swap3A_303 = arith.index_cast %scan3A_192 : i32 to index
      %swap3A_304 = arith.constant 192 : index
      %swap3A_305 = tpu.vector_load %arg11[%swap3A_303, %swap3A_304] {strides = array<i32>} : memref<96x256xf32, #tpu.memory_space<vmem>>, vector<1x16xf32>,
      %swap3A_306 = vector.shape_cast %swap3A_305 : vector<1x16xf32> to vector<16xf32>
      %swap3A_307 = vector.shape_cast %get3A_302 : vector<16xf32> to vector<1x16xf32>
      tpu.vector_store %arg11[%swap3A_303, %swap3A_304], %swap3A_307 {add = true, strides = array<i32>} : memref<96x256xf32, #tpu.memory_space<vmem>>, vector<1x16xf32>,
      %get3A_308 = arith.index_cast %scan3A_192 : i32 to index
      %get3A_309 = arith.constant 208 : index
      %get3A_310 = tpu.vector_load %arg12[%get3A_308, %get3A_309] {strides = array<i32>} : memref<96x256xf32, #tpu.memory_space<vmem>>, vector<1x16xf32>,
      %get3A_311 = vector.shape_cast %get3A_310 : vector<1x16xf32> to vector<16xf32>
      %swap3A_312 = arith.index_cast %scan3A_192 : i32 to index
      %swap3A_313 = arith.constant 208 : index
      %swap3A_314 = tpu.vector_load %arg11[%swap3A_312, %swap3A_313] {strides = array<i32>} : memref<96x256xf32, #tpu.memory_space<vmem>>, vector<1x16xf32>,
      %swap3A_315 = vector.shape_cast %swap3A_314 : vector<1x16xf32> to vector<16xf32>
      %swap3A_316 = vector.shape_cast %get3A_311 : vector<16xf32> to vector<1x16xf32>
      tpu.vector_store %arg11[%swap3A_312, %swap3A_313], %swap3A_316 {add = true, strides = array<i32>} : memref<96x256xf32, #tpu.memory_space<vmem>>, vector<1x16xf32>,
      %get3A_317 = arith.index_cast %scan3A_192 : i32 to index
      %get3A_318 = arith.constant 224 : index
      %get3A_319 = tpu.vector_load %arg12[%get3A_317, %get3A_318] {strides = array<i32>} : memref<96x256xf32, #tpu.memory_space<vmem>>, vector<1x16xf32>,
      %get3A_320 = vector.shape_cast %get3A_319 : vector<1x16xf32> to vector<16xf32>
      %swap3A_321 = arith.index_cast %scan3A_192 : i32 to index
      %swap3A_322 = arith.constant 224 : index
      %swap3A_323 = tpu.vector_load %arg11[%swap3A_321, %swap3A_322] {strides = array<i32>} : memref<96x256xf32, #tpu.memory_space<vmem>>, vector<1x16xf32>,
      %swap3A_324 = vector.shape_cast %swap3A_323 : vector<1x16xf32> to vector<16xf32>
      %swap3A_325 = vector.shape_cast %get3A_320 : vector<16xf32> to vector<1x16xf32>
      tpu.vector_store %arg11[%swap3A_321, %swap3A_322], %swap3A_325 {add = true, strides = array<i32>} : memref<96x256xf32, #tpu.memory_space<vmem>>, vector<1x16xf32>,
      %get3A_326 = arith.index_cast %scan3A_192 : i32 to index
      %get3A_327 = arith.constant 240 : index
      %get3A_328 = tpu.vector_load %arg12[%get3A_326, %get3A_327] {strides = array<i32>} : memref<96x256xf32, #tpu.memory_space<vmem>>, vector<1x16xf32>,
      %get3A_329 = vector.shape_cast %get3A_328 : vector<1x16xf32> to vector<16xf32>
      %swap3A_330 = arith.index_cast %scan3A_192 : i32 to index
      %swap3A_331 = arith.constant 240 : index
      %swap3A_332 = tpu.vector_load %arg11[%swap3A_330, %swap3A_331] {strides = array<i32>} : memref<96x256xf32, #tpu.memory_space<vmem>>, vector<1x16xf32>,
      %swap3A_333 = vector.shape_cast %swap3A_332 : vector<1x16xf32> to vector<16xf32>
      %swap3A_334 = vector.shape_cast %get3A_329 : vector<16xf32> to vector<1x16xf32>
      tpu.vector_store %arg11[%swap3A_330, %swap3A_331], %swap3A_334 {add = true, strides = array<i32>} : memref<96x256xf32, #tpu.memory_space<vmem>>, vector<1x16xf32>,
    }
    %scan3A_93 = arith.constant 96 : i32
    %add3A_94 = arith.constant 9888 : i32
    %add3A_95 = arith.addi %mul3A_2, %add3A_94 : i32
    %dma_start3A_96 = arith.constant 0 : i32
    %dma_start3A_97 = arith.constant 0 : i32
    %dma_start3A_98 = tpu.memref_slice %arg11[%dma_start3A_96, %dma_start3A_97] : memref<96x256xf32, #tpu.memory_space<vmem>> -> memref<96x256xf32, #tpu.memory_space<vmem>>
    %dma_start3A_99 = arith.constant 0 : i32
    %dma_start3A_100 = tpu.memref_slice %arg6[%add3A_95, %dma_start3A_99] : memref<320000x256xf32, #tpu.memory_space<hbm>> -> memref<96x256xf32, #tpu.memory_space<hbm>>
    %dma_start3A_101 = arith.constant 0 : i32
    %dma_start3A_102 = tpu.memref_slice %arg6[%add3A_95, %dma_start3A_101] : memref<320000x256xf32, #tpu.memory_space<hbm>> -> memref<96x256xf32, #tpu.memory_space<hbm>>
    %dma_start3A_103 = arith.constant 0 : i32
    %dma_start3A_104 = arith.constant 0 : i32
    %dma_start3A_105 = tpu.memref_slice %arg11[%dma_start3A_103, %dma_start3A_104] : memref<96x256xf32, #tpu.memory_space<vmem>> -> memref<96x256xf32, #tpu.memory_space<vmem>>
    tpu.enqueue_dma source(%dma_start3A_105 : memref<96x256xf32, #tpu.memory_space<vmem>>) target(%dma_start3A_102 : memref<96x256xf32, #tpu.memory_space<hbm>>) target_semaphore(%arg18 : memref<!tpu.dma_semaphore, #tpu.memory_space<semaphore_mem>>)
    %add3A_106 = arith.constant 9792 : i32
    %add3A_107 = arith.addi %mul3A_2, %add3A_106 : i32
    %dma_wait3A_108 = arith.constant 0 : i32
    %dma_wait3A_109 = arith.constant 0 : i32
    %dma_wait3A_110 = tpu.memref_slice %arg9[%dma_wait3A_108, %dma_wait3A_109] : memref<96x256xf32, #tpu.memory_space<vmem>> -> memref<96x256xf32, #tpu.memory_space<vmem>>
    %dma_wait3A_111 = arith.constant 0 : i32
    %dma_wait3A_112 = tpu.memref_slice %arg6[%add3A_107, %dma_wait3A_111] : memref<320000x256xf32, #tpu.memory_space<hbm>> -> memref<96x256xf32, #tpu.memory_space<hbm>>
    %dma_wait3A_113 = arith.constant 0 : i32
    %dma_wait3A_114 = tpu.memref_slice %arg6[%add3A_107, %dma_wait3A_113] : memref<320000x256xf32, #tpu.memory_space<hbm>> -> memref<96x256xf32, #tpu.memory_space<hbm>>
    %dma_wait3A_115 = arith.constant 0 : i32
    %dma_wait3A_116 = arith.constant 0 : i32
    %dma_wait3A_117 = tpu.memref_slice %arg9[%dma_wait3A_115, %dma_wait3A_116] : memref<96x256xf32, #tpu.memory_space<vmem>> -> memref<96x256xf32, #tpu.memory_space<vmem>>
    tpu.wait_dma2 semaphore(%arg17 : memref<!tpu.dma_semaphore, #tpu.memory_space<semaphore_mem>>) src(%dma_wait3A_117 : memref<96x256xf32, #tpu.memory_space<vmem>>) dst(%dma_wait3A_114 : memref<96x256xf32, #tpu.memory_space<hbm>>)
    %dma_start3A_118 = arith.constant 0 : i32
    %dma_start3A_119 = arith.constant 0 : i32
    %dma_start3A_120 = tpu.memref_slice %arg9[%dma_start3A_118, %dma_start3A_119] : memref<96x256xf32, #tpu.memory_space<vmem>> -> memref<16x256xf32, #tpu.memory_space<vmem>>
    %dma_start3A_121 = arith.constant 9984 : i32
    %dma_start3A_122 = tpu.memref_slice %arg7[%dma_start3A_121] : memref<10000xi32, #tpu.memory_space<vmem>> -> memref<16xi32, #tpu.memory_space<vmem>>
    %dma_start3A_123 = arith.constant 0 : i32
    %dma_start3A_124 = arith.constant 0 : i32
    %dma_start3A_125 = tpu.memref_slice %arg2[%dma_start3A_123, %dma_start3A_124] : memref<10000x256xf32, #tpu.memory_space<hbm>> -> memref<10000x256xf32, #tpu.memory_space<hbm>>
    tpu.enqueue_indirect_dma source(%dma_start3A_125 : memref<10000x256xf32, #tpu.memory_space<hbm>>) target(%dma_start3A_120 : memref<16x256xf32, #tpu.memory_space<vmem>>) offsets(%dma_start3A_122 : memref<16xi32, #tpu.memory_space<vmem>>) semaphore(%arg13 : memref<!tpu.dma_semaphore, #tpu.memory_space<semaphore_mem>>)
    %dma_start3A_126 = arith.constant 0 : i32
    %dma_start3A_127 = arith.constant 0 : i32
    %dma_start3A_128 = tpu.memref_slice %arg10[%dma_start3A_126, %dma_start3A_127] : memref<96x256xf32, #tpu.memory_space<vmem>> -> memref<16x256xf32, #tpu.memory_space<vmem>>
    %dma_start3A_129 = arith.constant 9984 : i32
    %dma_start3A_130 = tpu.memref_slice %arg8[%dma_start3A_129] : memref<10000xi32, #tpu.memory_space<vmem>> -> memref<16xi32, #tpu.memory_space<vmem>>
    %dma_start3A_131 = arith.constant 0 : i32
    %dma_start3A_132 = arith.constant 0 : i32
    %dma_start3A_133 = tpu.memref_slice %arg3[%dma_start3A_131, %dma_start3A_132] : memref<10000x256xf32, #tpu.memory_space<hbm>> -> memref<10000x256xf32, #tpu.memory_space<hbm>>
    tpu.enqueue_indirect_dma source(%dma_start3A_133 : memref<10000x256xf32, #tpu.memory_space<hbm>>) target(%dma_start3A_128 : memref<16x256xf32, #tpu.memory_space<vmem>>) offsets(%dma_start3A_130 : memref<16xi32, #tpu.memory_space<vmem>>) semaphore(%arg14 : memref<!tpu.dma_semaphore, #tpu.memory_space<semaphore_mem>>)
    %dma_wait3A_134 = arith.constant 0 : i32
    %dma_wait3A_135 = arith.constant 0 : i32
    %dma_wait3A_136 = tpu.memref_slice %arg9[%dma_wait3A_134, %dma_wait3A_135] : memref<96x256xf32, #tpu.memory_space<vmem>> -> memref<16x256xf32, #tpu.memory_space<vmem>>
    %dma_wait3A_137 = arith.constant 9984 : i32
    %dma_wait3A_138 = tpu.memref_slice %arg7[%dma_wait3A_137] : memref<10000xi32, #tpu.memory_space<vmem>> -> memref<16xi32, #tpu.memory_space<vmem>>
    %dma_wait3A_139 = arith.constant 0 : i32
    %dma_wait3A_140 = arith.constant 0 : i32
    %dma_wait3A_141 = tpu.memref_slice %arg2[%dma_wait3A_139, %dma_wait3A_140] : memref<10000x256xf32, #tpu.memory_space<hbm>> -> memref<10000x256xf32, #tpu.memory_space<hbm>>
    tpu.wait_indirect_dma semaphore(%arg13 : memref<!tpu.dma_semaphore, #tpu.memory_space<semaphore_mem>>) src(%dma_wait3A_141 : memref<10000x256xf32, #tpu.memory_space<hbm>>) dst(%dma_wait3A_136 : memref<16x256xf32, #tpu.memory_space<vmem>>)
    %dma_wait3A_142 = arith.constant 0 : i32
    %dma_wait3A_143 = arith.constant 0 : i32
    %dma_wait3A_144 = tpu.memref_slice %arg10[%dma_wait3A_142, %dma_wait3A_143] : memref<96x256xf32, #tpu.memory_space<vmem>> -> memref<16x256xf32, #tpu.memory_space<vmem>>
    %dma_wait3A_145 = arith.constant 9984 : i32
    %dma_wait3A_146 = tpu.memref_slice %arg8[%dma_wait3A_145] : memref<10000xi32, #tpu.memory_space<vmem>> -> memref<16xi32, #tpu.memory_space<vmem>>
    %dma_wait3A_147 = arith.constant 0 : i32
    %dma_wait3A_148 = arith.constant 0 : i32
    %dma_wait3A_149 = tpu.memref_slice %arg3[%dma_wait3A_147, %dma_wait3A_148] : memref<10000x256xf32, #tpu.memory_space<hbm>> -> memref<10000x256xf32, #tpu.memory_space<hbm>>
    tpu.wait_indirect_dma semaphore(%arg14 : memref<!tpu.dma_semaphore, #tpu.memory_space<semaphore_mem>>) src(%dma_wait3A_149 : memref<10000x256xf32, #tpu.memory_space<hbm>>) dst(%dma_wait3A_144 : memref<16x256xf32, #tpu.memory_space<vmem>>)
    %scan3A_150 = arith.constant 0 : i32
    %scan3A_151 = arith.constant 0 : i32
    %scan3A_152 = arith.constant 16 : i32
    %scan3A_153 = arith.addi %scan3A_151, %scan3A_152 : i32
    %scan3A_154 = arith.constant 1 : i32
    scf.for %scan3A_192 = %scan3A_151 to %scan3A_153 step %scan3A_154  : i32 {
      %get3A = arith.index_cast %scan3A_192 : i32 to index
      %get3A_193 = arith.constant 0 : index
      %get3A_194 = tpu.vector_load %arg10[%get3A, %get3A_193] {strides = array<i32>} : memref<96x256xf32, #tpu.memory_space<vmem>>, vector<1x16xf32>,
      %get3A_195 = vector.shape_cast %get3A_194 : vector<1x16xf32> to vector<16xf32>
      %swap3A = arith.index_cast %scan3A_192 : i32 to index
      %swap3A_196 = arith.constant 0 : index
      %swap3A_197 = tpu.vector_load %arg9[%swap3A, %swap3A_196] {strides = array<i32>} : memref<96x256xf32, #tpu.memory_space<vmem>>, vector<1x16xf32>,
      %swap3A_198 = vector.shape_cast %swap3A_197 : vector<1x16xf32> to vector<16xf32>
      %swap3A_199 = vector.shape_cast %get3A_195 : vector<16xf32> to vector<1x16xf32>
      tpu.vector_store %arg9[%swap3A, %swap3A_196], %swap3A_199 {add = true, strides = array<i32>} : memref<96x256xf32, #tpu.memory_space<vmem>>, vector<1x16xf32>,
      %get3A_200 = arith.index_cast %scan3A_192 : i32 to index
      %get3A_201 = arith.constant 16 : index
      %get3A_202 = tpu.vector_load %arg10[%get3A_200, %get3A_201] {strides = array<i32>} : memref<96x256xf32, #tpu.memory_space<vmem>>, vector<1x16xf32>,
      %get3A_203 = vector.shape_cast %get3A_202 : vector<1x16xf32> to vector<16xf32>
      %swap3A_204 = arith.index_cast %scan3A_192 : i32 to index
      %swap3A_205 = arith.constant 16 : index
      %swap3A_206 = tpu.vector_load %arg9[%swap3A_204, %swap3A_205] {strides = array<i32>} : memref<96x256xf32, #tpu.memory_space<vmem>>, vector<1x16xf32>,
      %swap3A_207 = vector.shape_cast %swap3A_206 : vector<1x16xf32> to vector<16xf32>
      %swap3A_208 = vector.shape_cast %get3A_203 : vector<16xf32> to vector<1x16xf32>
      tpu.vector_store %arg9[%swap3A_204, %swap3A_205], %swap3A_208 {add = true, strides = array<i32>} : memref<96x256xf32, #tpu.memory_space<vmem>>, vector<1x16xf32>,
      %get3A_209 = arith.index_cast %scan3A_192 : i32 to index
      %get3A_210 = arith.constant 32 : index
      %get3A_211 = tpu.vector_load %arg10[%get3A_209, %get3A_210] {strides = array<i32>} : memref<96x256xf32, #tpu.memory_space<vmem>>, vector<1x16xf32>,
      %get3A_212 = vector.shape_cast %get3A_211 : vector<1x16xf32> to vector<16xf32>
      %swap3A_213 = arith.index_cast %scan3A_192 : i32 to index
      %swap3A_214 = arith.constant 32 : index
      %swap3A_215 = tpu.vector_load %arg9[%swap3A_213, %swap3A_214] {strides = array<i32>} : memref<96x256xf32, #tpu.memory_space<vmem>>, vector<1x16xf32>,
      %swap3A_216 = vector.shape_cast %swap3A_215 : vector<1x16xf32> to vector<16xf32>
      %swap3A_217 = vector.shape_cast %get3A_212 : vector<16xf32> to vector<1x16xf32>
      tpu.vector_store %arg9[%swap3A_213, %swap3A_214], %swap3A_217 {add = true, strides = array<i32>} : memref<96x256xf32, #tpu.memory_space<vmem>>, vector<1x16xf32>,
      %get3A_218 = arith.index_cast %scan3A_192 : i32 to index
      %get3A_219 = arith.constant 48 : index
      %get3A_220 = tpu.vector_load %arg10[%get3A_218, %get3A_219] {strides = array<i32>} : memref<96x256xf32, #tpu.memory_space<vmem>>, vector<1x16xf32>,
      %get3A_221 = vector.shape_cast %get3A_220 : vector<1x16xf32> to vector<16xf32>
      %swap3A_222 = arith.index_cast %scan3A_192 : i32 to index
      %swap3A_223 = arith.constant 48 : index
      %swap3A_224 = tpu.vector_load %arg9[%swap3A_222, %swap3A_223] {strides = array<i32>} : memref<96x256xf32, #tpu.memory_space<vmem>>, vector<1x16xf32>,
      %swap3A_225 = vector.shape_cast %swap3A_224 : vector<1x16xf32> to vector<16xf32>
      %swap3A_226 = vector.shape_cast %get3A_221 : vector<16xf32> to vector<1x16xf32>
      tpu.vector_store %arg9[%swap3A_222, %swap3A_223], %swap3A_226 {add = true, strides = array<i32>} : memref<96x256xf32, #tpu.memory_space<vmem>>, vector<1x16xf32>,
      %get3A_227 = arith.index_cast %scan3A_192 : i32 to index
      %get3A_228 = arith.constant 64 : index
      %get3A_229 = tpu.vector_load %arg10[%get3A_227, %get3A_228] {strides = array<i32>} : memref<96x256xf32, #tpu.memory_space<vmem>>, vector<1x16xf32>,
      %get3A_230 = vector.shape_cast %get3A_229 : vector<1x16xf32> to vector<16xf32>
      %swap3A_231 = arith.index_cast %scan3A_192 : i32 to index
      %swap3A_232 = arith.constant 64 : index
      %swap3A_233 = tpu.vector_load %arg9[%swap3A_231, %swap3A_232] {strides = array<i32>} : memref<96x256xf32, #tpu.memory_space<vmem>>, vector<1x16xf32>,
      %swap3A_234 = vector.shape_cast %swap3A_233 : vector<1x16xf32> to vector<16xf32>
      %swap3A_235 = vector.shape_cast %get3A_230 : vector<16xf32> to vector<1x16xf32>
      tpu.vector_store %arg9[%swap3A_231, %swap3A_232], %swap3A_235 {add = true, strides = array<i32>} : memref<96x256xf32, #tpu.memory_space<vmem>>, vector<1x16xf32>,
      %get3A_236 = arith.index_cast %scan3A_192 : i32 to index
      %get3A_237 = arith.constant 80 : index
      %get3A_238 = tpu.vector_load %arg10[%get3A_236, %get3A_237] {strides = array<i32>} : memref<96x256xf32, #tpu.memory_space<vmem>>, vector<1x16xf32>,
      %get3A_239 = vector.shape_cast %get3A_238 : vector<1x16xf32> to vector<16xf32>
      %swap3A_240 = arith.index_cast %scan3A_192 : i32 to index
      %swap3A_241 = arith.constant 80 : index
      %swap3A_242 = tpu.vector_load %arg9[%swap3A_240, %swap3A_241] {strides = array<i32>} : memref<96x256xf32, #tpu.memory_space<vmem>>, vector<1x16xf32>,
      %swap3A_243 = vector.shape_cast %swap3A_242 : vector<1x16xf32> to vector<16xf32>
      %swap3A_244 = vector.shape_cast %get3A_239 : vector<16xf32> to vector<1x16xf32>
      tpu.vector_store %arg9[%swap3A_240, %swap3A_241], %swap3A_244 {add = true, strides = array<i32>} : memref<96x256xf32, #tpu.memory_space<vmem>>, vector<1x16xf32>,
      %get3A_245 = arith.index_cast %scan3A_192 : i32 to index
      %get3A_246 = arith.constant 96 : index
      %get3A_247 = tpu.vector_load %arg10[%get3A_245, %get3A_246] {strides = array<i32>} : memref<96x256xf32, #tpu.memory_space<vmem>>, vector<1x16xf32>,
      %get3A_248 = vector.shape_cast %get3A_247 : vector<1x16xf32> to vector<16xf32>
      %swap3A_249 = arith.index_cast %scan3A_192 : i32 to index
      %swap3A_250 = arith.constant 96 : index
      %swap3A_251 = tpu.vector_load %arg9[%swap3A_249, %swap3A_250] {strides = array<i32>} : memref<96x256xf32, #tpu.memory_space<vmem>>, vector<1x16xf32>,
      %swap3A_252 = vector.shape_cast %swap3A_251 : vector<1x16xf32> to vector<16xf32>
      %swap3A_253 = vector.shape_cast %get3A_248 : vector<16xf32> to vector<1x16xf32>
      tpu.vector_store %arg9[%swap3A_249, %swap3A_250], %swap3A_253 {add = true, strides = array<i32>} : memref<96x256xf32, #tpu.memory_space<vmem>>, vector<1x16xf32>,
      %get3A_254 = arith.index_cast %scan3A_192 : i32 to index
      %get3A_255 = arith.constant 112 : index
      %get3A_256 = tpu.vector_load %arg10[%get3A_254, %get3A_255] {strides = array<i32>} : memref<96x256xf32, #tpu.memory_space<vmem>>, vector<1x16xf32>,
      %get3A_257 = vector.shape_cast %get3A_256 : vector<1x16xf32> to vector<16xf32>
      %swap3A_258 = arith.index_cast %scan3A_192 : i32 to index
      %swap3A_259 = arith.constant 112 : index
      %swap3A_260 = tpu.vector_load %arg9[%swap3A_258, %swap3A_259] {strides = array<i32>} : memref<96x256xf32, #tpu.memory_space<vmem>>, vector<1x16xf32>,
      %swap3A_261 = vector.shape_cast %swap3A_260 : vector<1x16xf32> to vector<16xf32>
      %swap3A_262 = vector.shape_cast %get3A_257 : vector<16xf32> to vector<1x16xf32>
      tpu.vector_store %arg9[%swap3A_258, %swap3A_259], %swap3A_262 {add = true, strides = array<i32>} : memref<96x256xf32, #tpu.memory_space<vmem>>, vector<1x16xf32>,
      %get3A_263 = arith.index_cast %scan3A_192 : i32 to index
      %get3A_264 = arith.constant 128 : index
      %get3A_265 = tpu.vector_load %arg10[%get3A_263, %get3A_264] {strides = array<i32>} : memref<96x256xf32, #tpu.memory_space<vmem>>, vector<1x16xf32>,
      %get3A_266 = vector.shape_cast %get3A_265 : vector<1x16xf32> to vector<16xf32>
      %swap3A_267 = arith.index_cast %scan3A_192 : i32 to index
      %swap3A_268 = arith.constant 128 : index
      %swap3A_269 = tpu.vector_load %arg9[%swap3A_267, %swap3A_268] {strides = array<i32>} : memref<96x256xf32, #tpu.memory_space<vmem>>, vector<1x16xf32>,
      %swap3A_270 = vector.shape_cast %swap3A_269 : vector<1x16xf32> to vector<16xf32>
      %swap3A_271 = vector.shape_cast %get3A_266 : vector<16xf32> to vector<1x16xf32>
      tpu.vector_store %arg9[%swap3A_267, %swap3A_268], %swap3A_271 {add = true, strides = array<i32>} : memref<96x256xf32, #tpu.memory_space<vmem>>, vector<1x16xf32>,
      %get3A_272 = arith.index_cast %scan3A_192 : i32 to index
      %get3A_273 = arith.constant 144 : index
      %get3A_274 = tpu.vector_load %arg10[%get3A_272, %get3A_273] {strides = array<i32>} : memref<96x256xf32, #tpu.memory_space<vmem>>, vector<1x16xf32>,
      %get3A_275 = vector.shape_cast %get3A_274 : vector<1x16xf32> to vector<16xf32>
      %swap3A_276 = arith.index_cast %scan3A_192 : i32 to index
      %swap3A_277 = arith.constant 144 : index
      %swap3A_278 = tpu.vector_load %arg9[%swap3A_276, %swap3A_277] {strides = array<i32>} : memref<96x256xf32, #tpu.memory_space<vmem>>, vector<1x16xf32>,
      %swap3A_279 = vector.shape_cast %swap3A_278 : vector<1x16xf32> to vector<16xf32>
      %swap3A_280 = vector.shape_cast %get3A_275 : vector<16xf32> to vector<1x16xf32>
      tpu.vector_store %arg9[%swap3A_276, %swap3A_277], %swap3A_280 {add = true, strides = array<i32>} : memref<96x256xf32, #tpu.memory_space<vmem>>, vector<1x16xf32>,
      %get3A_281 = arith.index_cast %scan3A_192 : i32 to index
      %get3A_282 = arith.constant 160 : index
      %get3A_283 = tpu.vector_load %arg10[%get3A_281, %get3A_282] {strides = array<i32>} : memref<96x256xf32, #tpu.memory_space<vmem>>, vector<1x16xf32>,
      %get3A_284 = vector.shape_cast %get3A_283 : vector<1x16xf32> to vector<16xf32>
      %swap3A_285 = arith.index_cast %scan3A_192 : i32 to index
      %swap3A_286 = arith.constant 160 : index
      %swap3A_287 = tpu.vector_load %arg9[%swap3A_285, %swap3A_286] {strides = array<i32>} : memref<96x256xf32, #tpu.memory_space<vmem>>, vector<1x16xf32>,
      %swap3A_288 = vector.shape_cast %swap3A_287 : vector<1x16xf32> to vector<16xf32>
      %swap3A_289 = vector.shape_cast %get3A_284 : vector<16xf32> to vector<1x16xf32>
      tpu.vector_store %arg9[%swap3A_285, %swap3A_286], %swap3A_289 {add = true, strides = array<i32>} : memref<96x256xf32, #tpu.memory_space<vmem>>, vector<1x16xf32>,
      %get3A_290 = arith.index_cast %scan3A_192 : i32 to index
      %get3A_291 = arith.constant 176 : index
      %get3A_292 = tpu.vector_load %arg10[%get3A_290, %get3A_291] {strides = array<i32>} : memref<96x256xf32, #tpu.memory_space<vmem>>, vector<1x16xf32>,
      %get3A_293 = vector.shape_cast %get3A_292 : vector<1x16xf32> to vector<16xf32>
      %swap3A_294 = arith.index_cast %scan3A_192 : i32 to index
      %swap3A_295 = arith.constant 176 : index
      %swap3A_296 = tpu.vector_load %arg9[%swap3A_294, %swap3A_295] {strides = array<i32>} : memref<96x256xf32, #tpu.memory_space<vmem>>, vector<1x16xf32>,
      %swap3A_297 = vector.shape_cast %swap3A_296 : vector<1x16xf32> to vector<16xf32>
      %swap3A_298 = vector.shape_cast %get3A_293 : vector<16xf32> to vector<1x16xf32>
      tpu.vector_store %arg9[%swap3A_294, %swap3A_295], %swap3A_298 {add = true, strides = array<i32>} : memref<96x256xf32, #tpu.memory_space<vmem>>, vector<1x16xf32>,
      %get3A_299 = arith.index_cast %scan3A_192 : i32 to index
      %get3A_300 = arith.constant 192 : index
      %get3A_301 = tpu.vector_load %arg10[%get3A_299, %get3A_300] {strides = array<i32>} : memref<96x256xf32, #tpu.memory_space<vmem>>, vector<1x16xf32>,
      %get3A_302 = vector.shape_cast %get3A_301 : vector<1x16xf32> to vector<16xf32>
      %swap3A_303 = arith.index_cast %scan3A_192 : i32 to index
      %swap3A_304 = arith.constant 192 : index
      %swap3A_305 = tpu.vector_load %arg9[%swap3A_303, %swap3A_304] {strides = array<i32>} : memref<96x256xf32, #tpu.memory_space<vmem>>, vector<1x16xf32>,
      %swap3A_306 = vector.shape_cast %swap3A_305 : vector<1x16xf32> to vector<16xf32>
      %swap3A_307 = vector.shape_cast %get3A_302 : vector<16xf32> to vector<1x16xf32>
      tpu.vector_store %arg9[%swap3A_303, %swap3A_304], %swap3A_307 {add = true, strides = array<i32>} : memref<96x256xf32, #tpu.memory_space<vmem>>, vector<1x16xf32>,
      %get3A_308 = arith.index_cast %scan3A_192 : i32 to index
      %get3A_309 = arith.constant 208 : index
      %get3A_310 = tpu.vector_load %arg10[%get3A_308, %get3A_309] {strides = array<i32>} : memref<96x256xf32, #tpu.memory_space<vmem>>, vector<1x16xf32>,
      %get3A_311 = vector.shape_cast %get3A_310 : vector<1x16xf32> to vector<16xf32>
      %swap3A_312 = arith.index_cast %scan3A_192 : i32 to index
      %swap3A_313 = arith.constant 208 : index
      %swap3A_314 = tpu.vector_load %arg9[%swap3A_312, %swap3A_313] {strides = array<i32>} : memref<96x256xf32, #tpu.memory_space<vmem>>, vector<1x16xf32>,
      %swap3A_315 = vector.shape_cast %swap3A_314 : vector<1x16xf32> to vector<16xf32>
      %swap3A_316 = vector.shape_cast %get3A_311 : vector<16xf32> to vector<1x16xf32>
      tpu.vector_store %arg9[%swap3A_312, %swap3A_313], %swap3A_316 {add = true, strides = array<i32>} : memref<96x256xf32, #tpu.memory_space<vmem>>, vector<1x16xf32>,
      %get3A_317 = arith.index_cast %scan3A_192 : i32 to index
      %get3A_318 = arith.constant 224 : index
      %get3A_319 = tpu.vector_load %arg10[%get3A_317, %get3A_318] {strides = array<i32>} : memref<96x256xf32, #tpu.memory_space<vmem>>, vector<1x16xf32>,
      %get3A_320 = vector.shape_cast %get3A_319 : vector<1x16xf32> to vector<16xf32>
      %swap3A_321 = arith.index_cast %scan3A_192 : i32 to index
      %swap3A_322 = arith.constant 224 : index
      %swap3A_323 = tpu.vector_load %arg9[%swap3A_321, %swap3A_322] {strides = array<i32>} : memref<96x256xf32, #tpu.memory_space<vmem>>, vector<1x16xf32>,
      %swap3A_324 = vector.shape_cast %swap3A_323 : vector<1x16xf32> to vector<16xf32>
      %swap3A_325 = vector.shape_cast %get3A_320 : vector<16xf32> to vector<1x16xf32>
      tpu.vector_store %arg9[%swap3A_321, %swap3A_322], %swap3A_325 {add = true, strides = array<i32>} : memref<96x256xf32, #tpu.memory_space<vmem>>, vector<1x16xf32>,
      %get3A_326 = arith.index_cast %scan3A_192 : i32 to index
      %get3A_327 = arith.constant 240 : index
      %get3A_328 = tpu.vector_load %arg10[%get3A_326, %get3A_327] {strides = array<i32>} : memref<96x256xf32, #tpu.memory_space<vmem>>, vector<1x16xf32>,
      %get3A_329 = vector.shape_cast %get3A_328 : vector<1x16xf32> to vector<16xf32>
      %swap3A_330 = arith.index_cast %scan3A_192 : i32 to index
      %swap3A_331 = arith.constant 240 : index
      %swap3A_332 = tpu.vector_load %arg9[%swap3A_330, %swap3A_331] {strides = array<i32>} : memref<96x256xf32, #tpu.memory_space<vmem>>, vector<1x16xf32>,
      %swap3A_333 = vector.shape_cast %swap3A_332 : vector<1x16xf32> to vector<16xf32>
      %swap3A_334 = vector.shape_cast %get3A_329 : vector<16xf32> to vector<1x16xf32>
      tpu.vector_store %arg9[%swap3A_330, %swap3A_331], %swap3A_334 {add = true, strides = array<i32>} : memref<96x256xf32, #tpu.memory_space<vmem>>, vector<1x16xf32>,
    }
    %scan3A_155 = arith.constant 16 : i32
    %add3A_156 = arith.constant 9984 : i32
    %add3A_157 = arith.addi %mul3A_2, %add3A_156 : i32
    %dma_start3A_158 = arith.constant 0 : i32
    %dma_start3A_159 = arith.constant 0 : i32
    %dma_start3A_160 = tpu.memref_slice %arg9[%dma_start3A_158, %dma_start3A_159] : memref<96x256xf32, #tpu.memory_space<vmem>> -> memref<16x256xf32, #tpu.memory_space<vmem>>
    %dma_start3A_161 = arith.constant 0 : i32
    %dma_start3A_162 = tpu.memref_slice %arg6[%add3A_157, %dma_start3A_161] : memref<320000x256xf32, #tpu.memory_space<hbm>> -> memref<16x256xf32, #tpu.memory_space<hbm>>
    %dma_start3A_163 = arith.constant 0 : i32
    %dma_start3A_164 = tpu.memref_slice %arg6[%add3A_157, %dma_start3A_163] : memref<320000x256xf32, #tpu.memory_space<hbm>> -> memref<16x256xf32, #tpu.memory_space<hbm>>
    %dma_start3A_165 = arith.constant 0 : i32
    %dma_start3A_166 = arith.constant 0 : i32
    %dma_start3A_167 = tpu.memref_slice %arg9[%dma_start3A_165, %dma_start3A_166] : memref<96x256xf32, #tpu.memory_space<vmem>> -> memref<16x256xf32, #tpu.memory_space<vmem>>
    tpu.enqueue_dma source(%dma_start3A_167 : memref<16x256xf32, #tpu.memory_space<vmem>>) target(%dma_start3A_164 : memref<16x256xf32, #tpu.memory_space<hbm>>) target_semaphore(%arg17 : memref<!tpu.dma_semaphore, #tpu.memory_space<semaphore_mem>>)
    %add3A_168 = arith.constant 9984 : i32
    %add3A_169 = arith.addi %mul3A_2, %add3A_168 : i32
    %dma_wait3A_170 = arith.constant 0 : i32
    %dma_wait3A_171 = arith.constant 0 : i32
    %dma_wait3A_172 = tpu.memref_slice %arg9[%dma_wait3A_170, %dma_wait3A_171] : memref<96x256xf32, #tpu.memory_space<vmem>> -> memref<16x256xf32, #tpu.memory_space<vmem>>
    %dma_wait3A_173 = arith.constant 0 : i32
    %dma_wait3A_174 = tpu.memref_slice %arg6[%add3A_169, %dma_wait3A_173] : memref<320000x256xf32, #tpu.memory_space<hbm>> -> memref<16x256xf32, #tpu.memory_space<hbm>>
    %dma_wait3A_175 = arith.constant 0 : i32
    %dma_wait3A_176 = tpu.memref_slice %arg6[%add3A_169, %dma_wait3A_175] : memref<320000x256xf32, #tpu.memory_space<hbm>> -> memref<16x256xf32, #tpu.memory_space<hbm>>
    %dma_wait3A_177 = arith.constant 0 : i32
    %dma_wait3A_178 = arith.constant 0 : i32
    %dma_wait3A_179 = tpu.memref_slice %arg9[%dma_wait3A_177, %dma_wait3A_178] : memref<96x256xf32, #tpu.memory_space<vmem>> -> memref<16x256xf32, #tpu.memory_space<vmem>>
    tpu.wait_dma2 semaphore(%arg17 : memref<!tpu.dma_semaphore, #tpu.memory_space<semaphore_mem>>) src(%dma_wait3A_179 : memref<16x256xf32, #tpu.memory_space<vmem>>) dst(%dma_wait3A_176 : memref<16x256xf32, #tpu.memory_space<hbm>>)
    %add3A_180 = arith.constant 9888 : i32
    %add3A_181 = arith.addi %mul3A_2, %add3A_180 : i32
    %dma_wait3A_182 = arith.constant 0 : i32
    %dma_wait3A_183 = arith.constant 0 : i32
    %dma_wait3A_184 = tpu.memref_slice %arg11[%dma_wait3A_182, %dma_wait3A_183] : memref<96x256xf32, #tpu.memory_space<vmem>> -> memref<96x256xf32, #tpu.memory_space<vmem>>
    %dma_wait3A_185 = arith.constant 0 : i32
    %dma_wait3A_186 = tpu.memref_slice %arg6[%add3A_181, %dma_wait3A_185] : memref<320000x256xf32, #tpu.memory_space<hbm>> -> memref<96x256xf32, #tpu.memory_space<hbm>>
    %dma_wait3A_187 = arith.constant 0 : i32
    %dma_wait3A_188 = tpu.memref_slice %arg6[%add3A_181, %dma_wait3A_187] : memref<320000x256xf32, #tpu.memory_space<hbm>> -> memref<96x256xf32, #tpu.memory_space<hbm>>
    %dma_wait3A_189 = arith.constant 0 : i32
    %dma_wait3A_190 = arith.constant 0 : i32
    %dma_wait3A_191 = tpu.memref_slice %arg11[%dma_wait3A_189, %dma_wait3A_190] : memref<96x256xf32, #tpu.memory_space<vmem>> -> memref<96x256xf32, #tpu.memory_space<vmem>>
    tpu.wait_dma2 semaphore(%arg18 : memref<!tpu.dma_semaphore, #tpu.memory_space<semaphore_mem>>) src(%dma_wait3A_191 : memref<96x256xf32, #tpu.memory_space<vmem>>) dst(%dma_wait3A_188 : memref<96x256xf32, #tpu.memory_space<hbm>>)
    return
  }
}

#map = affine_map<(d0, d1) -> (0, 0)>
#map1 = affine_map<(d0, d1) -> (0)>
#map2 = affine_map<(d0, d1) -> (0, 0, 0)>
module attributes {stable_mosaic.version = 14 : i64} {
  func.func @_scatter_call(%arg0: i32, %arg1: i32, %arg2: memref<320000x128xf32, #tpu.memory_space<hbm>>, %arg3: memref<320000xi32, #tpu.memory_space<hbm>>, %arg4: memref<10000x128xf32, #tpu.memory_space<hbm>>, %arg5: memref<2x10000x128xf32, #tpu.memory_space<hbm>>, %arg6: memref<96xi32, #tpu.memory_space<vmem>>, %arg7: memref<96xi32, #tpu.memory_space<vmem>>, %arg8: memref<16xi32, #tpu.memory_space<vmem>>, %arg9: memref<96x128xf32, #tpu.memory_space<vmem>>, %arg10: memref<96x128xf32, #tpu.memory_space<vmem>>, %arg11: memref<10000x128xf32, #tpu.memory_space<vmem_shared>>, %arg12: memref<!tpu.dma_semaphore, #tpu.memory_space<semaphore_mem>>, %arg13: memref<!tpu.dma_semaphore, #tpu.memory_space<semaphore_mem>>) attributes {dimension_semantics = [#tpu.dimension_semantics<core_parallel>, #tpu.dimension_semantics<subcore_parallel>], iteration_bounds = array<i64: 2, 16>, scalar_prefetch = 0 : i64, scratch_operands = 8 : i64, tpu.core_type = #tpu.core_type<sc_vector_subcore>, window_params = [{transform_indices = #map}, {transform_indices = #map1}, {transform_indices = #map}, {transform_indices = #map2}]} {
    %mul3A = arith.constant 2 : i32
    %mul3A_0 = arith.muli %arg1, %mul3A : i32
    %add3A = arith.addi %mul3A_0, %arg0 : i32
    %mul3A_1 = arith.constant 10000 : i32
    %mul3A_2 = arith.muli %add3A, %mul3A_1 : i32
    %lt3A = arith.constant 15 : i32
    %lt3A_3 = arith.cmpi slt, %arg1, %lt3A : i32
    %convert_element_type3A = arith.extui %lt3A_3 : i1 to i32
    %cond3A = arith.constant 0 : i32
    %cond3A_4 = arith.cmpi ne, %convert_element_type3A, %cond3A : i32
    scf.if %cond3A_4 {
      %mul3A_109 = arith.constant 640 : i32
      %mul3A_110 = arith.muli %arg1, %mul3A_109 : i32
      %mul3A_111 = arith.constant 640 : i32
      %mul3A_112 = arith.muli %arg1, %mul3A_111 : i32
      "tpu.region"() ({
        %run_scoped3A = tpu.sem_alloc : memref<!tpu.dma_semaphore, #tpu.memory_space<semaphore_mem>>
        %dma_start3A_113 = arith.constant 0 : i32
        %dma_start3A_114 = tpu.memref_slice %arg11[%mul3A_112, %dma_start3A_113] : memref<10000x128xf32, #tpu.memory_space<vmem_shared>> -> memref<640x128xf32, #tpu.memory_space<vmem_shared>>
        %dma_start3A_115 = arith.constant 0 : i32
        %dma_start3A_116 = tpu.memref_slice %arg4[%mul3A_110, %dma_start3A_115] : memref<10000x128xf32, #tpu.memory_space<hbm>> -> memref<640x128xf32, #tpu.memory_space<hbm>>
        tpu.enqueue_dma source(%dma_start3A_116 : memref<640x128xf32, #tpu.memory_space<hbm>>) target(%dma_start3A_114 : memref<640x128xf32, #tpu.memory_space<vmem_shared>>) target_semaphore(%run_scoped3A : memref<!tpu.dma_semaphore, #tpu.memory_space<semaphore_mem>>)
        %dma_wait3A_117 = arith.constant 0 : i32
        %dma_wait3A_118 = tpu.memref_slice %arg11[%mul3A_112, %dma_wait3A_117] : memref<10000x128xf32, #tpu.memory_space<vmem_shared>> -> memref<640x128xf32, #tpu.memory_space<vmem_shared>>
        %dma_wait3A_119 = arith.constant 0 : i32
        %dma_wait3A_120 = tpu.memref_slice %arg4[%mul3A_110, %dma_wait3A_119] : memref<10000x128xf32, #tpu.memory_space<hbm>> -> memref<640x128xf32, #tpu.memory_space<hbm>>
        tpu.wait_dma2 semaphore(%run_scoped3A : memref<!tpu.dma_semaphore, #tpu.memory_space<semaphore_mem>>) src(%dma_wait3A_120 : memref<640x128xf32, #tpu.memory_space<hbm>>) dst(%dma_wait3A_118 : memref<640x128xf32, #tpu.memory_space<vmem_shared>>)
        tpu.yield
      }) : () -> ()
    } else {
    }
    %eq3A = arith.constant 15 : i32
    %eq3A_5 = arith.cmpi eq, %arg1, %eq3A : i32
    %convert_element_type3A_6 = arith.extui %eq3A_5 : i1 to i32
    %cond3A_7 = arith.constant 0 : i32
    %cond3A_8 = arith.cmpi ne, %convert_element_type3A_6, %cond3A_7 : i32
    scf.if %cond3A_8 {
      "tpu.region"() ({
        %run_scoped3A = tpu.sem_alloc : memref<!tpu.dma_semaphore, #tpu.memory_space<semaphore_mem>>
        %dma_start3A_109 = arith.constant 9600 : i32
        %dma_start3A_110 = arith.constant 0 : i32
        %dma_start3A_111 = tpu.memref_slice %arg11[%dma_start3A_109, %dma_start3A_110] : memref<10000x128xf32, #tpu.memory_space<vmem_shared>> -> memref<400x128xf32, #tpu.memory_space<vmem_shared>>
        %dma_start3A_112 = arith.constant 9600 : i32
        %dma_start3A_113 = arith.constant 0 : i32
        %dma_start3A_114 = tpu.memref_slice %arg4[%dma_start3A_112, %dma_start3A_113] : memref<10000x128xf32, #tpu.memory_space<hbm>> -> memref<400x128xf32, #tpu.memory_space<hbm>>
        tpu.enqueue_dma source(%dma_start3A_114 : memref<400x128xf32, #tpu.memory_space<hbm>>) target(%dma_start3A_111 : memref<400x128xf32, #tpu.memory_space<vmem_shared>>) target_semaphore(%run_scoped3A : memref<!tpu.dma_semaphore, #tpu.memory_space<semaphore_mem>>)
        %dma_wait3A_115 = arith.constant 9600 : i32
        %dma_wait3A_116 = arith.constant 0 : i32
        %dma_wait3A_117 = tpu.memref_slice %arg11[%dma_wait3A_115, %dma_wait3A_116] : memref<10000x128xf32, #tpu.memory_space<vmem_shared>> -> memref<400x128xf32, #tpu.memory_space<vmem_shared>>
        %dma_wait3A_118 = arith.constant 9600 : i32
        %dma_wait3A_119 = arith.constant 0 : i32
        %dma_wait3A_120 = tpu.memref_slice %arg4[%dma_wait3A_118, %dma_wait3A_119] : memref<10000x128xf32, #tpu.memory_space<hbm>> -> memref<400x128xf32, #tpu.memory_space<hbm>>
        tpu.wait_dma2 semaphore(%run_scoped3A : memref<!tpu.dma_semaphore, #tpu.memory_space<semaphore_mem>>) src(%dma_wait3A_120 : memref<400x128xf32, #tpu.memory_space<hbm>>) dst(%dma_wait3A_117 : memref<400x128xf32, #tpu.memory_space<vmem_shared>>)
        tpu.yield
      }) : () -> ()
    } else {
    }
    %barrier3A = arith.constant 0 : index
    tpu.barrier barrier_id(%barrier3A)
    %add3A_9 = arith.constant 0 : i32
    %add3A_10 = arith.addi %mul3A_2, %add3A_9 : i32
    %dma_start3A = arith.constant 0 : i32
    %dma_start3A_11 = tpu.memref_slice %arg6[%dma_start3A] : memref<96xi32, #tpu.memory_space<vmem>> -> memref<96xi32, #tpu.memory_space<vmem>>
    %dma_start3A_12 = tpu.memref_slice %arg3[%add3A_10] : memref<320000xi32, #tpu.memory_space<hbm>> -> memref<96xi32, #tpu.memory_space<hbm>>
    %dma_start3A_13 = arith.constant 0 : i32
    %dma_start3A_14 = tpu.memref_slice %arg6[%dma_start3A_13] : memref<96xi32, #tpu.memory_space<vmem>> -> memref<96xi32, #tpu.memory_space<vmem>>
    %dma_start3A_15 = tpu.memref_slice %arg3[%add3A_10] : memref<320000xi32, #tpu.memory_space<hbm>> -> memref<96xi32, #tpu.memory_space<hbm>>
    tpu.enqueue_dma source(%dma_start3A_15 : memref<96xi32, #tpu.memory_space<hbm>>) target(%dma_start3A_14 : memref<96xi32, #tpu.memory_space<vmem>>) target_semaphore(%arg12 : memref<!tpu.dma_semaphore, #tpu.memory_space<semaphore_mem>>)
    %add3A_16 = arith.constant 0 : i32
    %add3A_17 = arith.addi %mul3A_2, %add3A_16 : i32
    %dma_start3A_18 = arith.constant 0 : i32
    %dma_start3A_19 = arith.constant 0 : i32
    %dma_start3A_20 = tpu.memref_slice %arg9[%dma_start3A_18, %dma_start3A_19] : memref<96x128xf32, #tpu.memory_space<vmem>> -> memref<96x128xf32, #tpu.memory_space<vmem>>
    %dma_start3A_21 = arith.constant 0 : i32
    %dma_start3A_22 = tpu.memref_slice %arg2[%add3A_17, %dma_start3A_21] : memref<320000x128xf32, #tpu.memory_space<hbm>> -> memref<96x128xf32, #tpu.memory_space<hbm>>
    %dma_start3A_23 = arith.constant 0 : i32
    %dma_start3A_24 = arith.constant 0 : i32
    %dma_start3A_25 = tpu.memref_slice %arg9[%dma_start3A_23, %dma_start3A_24] : memref<96x128xf32, #tpu.memory_space<vmem>> -> memref<96x128xf32, #tpu.memory_space<vmem>>
    %dma_start3A_26 = arith.constant 0 : i32
    %dma_start3A_27 = tpu.memref_slice %arg2[%add3A_17, %dma_start3A_26] : memref<320000x128xf32, #tpu.memory_space<hbm>> -> memref<96x128xf32, #tpu.memory_space<hbm>>
    tpu.enqueue_dma source(%dma_start3A_27 : memref<96x128xf32, #tpu.memory_space<hbm>>) target(%dma_start3A_25 : memref<96x128xf32, #tpu.memory_space<vmem>>) target_semaphore(%arg12 : memref<!tpu.dma_semaphore, #tpu.memory_space<semaphore_mem>>)
    %add3A_28 = arith.constant 96 : i32
    %add3A_29 = arith.addi %mul3A_2, %add3A_28 : i32
    %dma_start3A_30 = arith.constant 0 : i32
    %dma_start3A_31 = tpu.memref_slice %arg7[%dma_start3A_30] : memref<96xi32, #tpu.memory_space<vmem>> -> memref<96xi32, #tpu.memory_space<vmem>>
    %dma_start3A_32 = tpu.memref_slice %arg3[%add3A_29] : memref<320000xi32, #tpu.memory_space<hbm>> -> memref<96xi32, #tpu.memory_space<hbm>>
    %dma_start3A_33 = arith.constant 0 : i32
    %dma_start3A_34 = tpu.memref_slice %arg7[%dma_start3A_33] : memref<96xi32, #tpu.memory_space<vmem>> -> memref<96xi32, #tpu.memory_space<vmem>>
    %dma_start3A_35 = tpu.memref_slice %arg3[%add3A_29] : memref<320000xi32, #tpu.memory_space<hbm>> -> memref<96xi32, #tpu.memory_space<hbm>>
    tpu.enqueue_dma source(%dma_start3A_35 : memref<96xi32, #tpu.memory_space<hbm>>) target(%dma_start3A_34 : memref<96xi32, #tpu.memory_space<vmem>>) target_semaphore(%arg13 : memref<!tpu.dma_semaphore, #tpu.memory_space<semaphore_mem>>)
    %add3A_36 = arith.constant 96 : i32
    %add3A_37 = arith.addi %mul3A_2, %add3A_36 : i32
    %dma_start3A_38 = arith.constant 0 : i32
    %dma_start3A_39 = arith.constant 0 : i32
    %dma_start3A_40 = tpu.memref_slice %arg10[%dma_start3A_38, %dma_start3A_39] : memref<96x128xf32, #tpu.memory_space<vmem>> -> memref<96x128xf32, #tpu.memory_space<vmem>>
    %dma_start3A_41 = arith.constant 0 : i32
    %dma_start3A_42 = tpu.memref_slice %arg2[%add3A_37, %dma_start3A_41] : memref<320000x128xf32, #tpu.memory_space<hbm>> -> memref<96x128xf32, #tpu.memory_space<hbm>>
    %dma_start3A_43 = arith.constant 0 : i32
    %dma_start3A_44 = arith.constant 0 : i32
    %dma_start3A_45 = tpu.memref_slice %arg10[%dma_start3A_43, %dma_start3A_44] : memref<96x128xf32, #tpu.memory_space<vmem>> -> memref<96x128xf32, #tpu.memory_space<vmem>>
    %dma_start3A_46 = arith.constant 0 : i32
    %dma_start3A_47 = tpu.memref_slice %arg2[%add3A_37, %dma_start3A_46] : memref<320000x128xf32, #tpu.memory_space<hbm>> -> memref<96x128xf32, #tpu.memory_space<hbm>>
    tpu.enqueue_dma source(%dma_start3A_47 : memref<96x128xf32, #tpu.memory_space<hbm>>) target(%dma_start3A_45 : memref<96x128xf32, #tpu.memory_space<vmem>>) target_semaphore(%arg13 : memref<!tpu.dma_semaphore, #tpu.memory_space<semaphore_mem>>)
    %scan3A = arith.constant 0 : i32
    %scan3A_48 = arith.constant 1 : i32
    %scan3A_49 = arith.constant 51 : i32
    %scan3A_50 = arith.addi %scan3A_48, %scan3A_49 : i32
    %scan3A_51 = arith.constant 1 : i32
    scf.for %scan3A_109 = %scan3A_48 to %scan3A_50 step %scan3A_51  : i32 {
      %mul3A_110 = arith.constant 2 : i32
      %mul3A_111 = arith.muli %mul3A_110, %scan3A_109 : i32
      %mul3A_112 = arith.constant 96 : i32
      %mul3A_113 = arith.muli %mul3A_111, %mul3A_112 : i32
      %sub3A = arith.constant 192 : i32
      %sub3A_114 = arith.subi %mul3A_113, %sub3A : i32
      %add3A_115 = arith.addi %mul3A_2, %sub3A_114 : i32
      %dma_wait3A_116 = arith.constant 0 : i32
      %dma_wait3A_117 = tpu.memref_slice %arg6[%dma_wait3A_116] : memref<96xi32, #tpu.memory_space<vmem>> -> memref<96xi32, #tpu.memory_space<vmem>>
      %dma_wait3A_118 = tpu.memref_slice %arg3[%add3A_115] : memref<320000xi32, #tpu.memory_space<hbm>> -> memref<96xi32, #tpu.memory_space<hbm>>
      %dma_wait3A_119 = arith.constant 0 : i32
      %dma_wait3A_120 = tpu.memref_slice %arg6[%dma_wait3A_119] : memref<96xi32, #tpu.memory_space<vmem>> -> memref<96xi32, #tpu.memory_space<vmem>>
      %dma_wait3A_121 = tpu.memref_slice %arg3[%add3A_115] : memref<320000xi32, #tpu.memory_space<hbm>> -> memref<96xi32, #tpu.memory_space<hbm>>
      tpu.wait_dma2 semaphore(%arg12 : memref<!tpu.dma_semaphore, #tpu.memory_space<semaphore_mem>>) src(%dma_wait3A_121 : memref<96xi32, #tpu.memory_space<hbm>>) dst(%dma_wait3A_120 : memref<96xi32, #tpu.memory_space<vmem>>)
      %add3A_122 = arith.addi %mul3A_2, %sub3A_114 : i32
      %dma_wait3A_123 = arith.constant 0 : i32
      %dma_wait3A_124 = arith.constant 0 : i32
      %dma_wait3A_125 = tpu.memref_slice %arg9[%dma_wait3A_123, %dma_wait3A_124] : memref<96x128xf32, #tpu.memory_space<vmem>> -> memref<96x128xf32, #tpu.memory_space<vmem>>
      %dma_wait3A_126 = arith.constant 0 : i32
      %dma_wait3A_127 = tpu.memref_slice %arg2[%add3A_122, %dma_wait3A_126] : memref<320000x128xf32, #tpu.memory_space<hbm>> -> memref<96x128xf32, #tpu.memory_space<hbm>>
      %dma_wait3A_128 = arith.constant 0 : i32
      %dma_wait3A_129 = arith.constant 0 : i32
      %dma_wait3A_130 = tpu.memref_slice %arg9[%dma_wait3A_128, %dma_wait3A_129] : memref<96x128xf32, #tpu.memory_space<vmem>> -> memref<96x128xf32, #tpu.memory_space<vmem>>
      %dma_wait3A_131 = arith.constant 0 : i32
      %dma_wait3A_132 = tpu.memref_slice %arg2[%add3A_122, %dma_wait3A_131] : memref<320000x128xf32, #tpu.memory_space<hbm>> -> memref<96x128xf32, #tpu.memory_space<hbm>>
      tpu.wait_dma2 semaphore(%arg12 : memref<!tpu.dma_semaphore, #tpu.memory_space<semaphore_mem>>) src(%dma_wait3A_132 : memref<96x128xf32, #tpu.memory_space<hbm>>) dst(%dma_wait3A_130 : memref<96x128xf32, #tpu.memory_space<vmem>>)
      "tpu.region"() ({
        %run_scoped3A = tpu.sem_alloc : memref<!tpu.dma_semaphore, #tpu.memory_space<semaphore_mem>>
        %dma_start3A_191 = arith.constant 0 : i32
        %dma_start3A_192 = arith.constant 0 : i32
        %dma_start3A_193 = tpu.memref_slice %arg11[%dma_start3A_191, %dma_start3A_192] : memref<10000x128xf32, #tpu.memory_space<vmem_shared>> -> memref<10000x128xf32, #tpu.memory_space<vmem_shared>>
        tpu.enqueue_indirect_dma source(%arg9 : memref<96x128xf32, #tpu.memory_space<vmem>>) target(%dma_start3A_193 : memref<10000x128xf32, #tpu.memory_space<vmem_shared>>) offsets(%arg6 : memref<96xi32, #tpu.memory_space<vmem>>) semaphore(%run_scoped3A : memref<!tpu.dma_semaphore, #tpu.memory_space<semaphore_mem>>) {add = true}
        %dma_wait3A_194 = arith.constant 0 : i32
        %dma_wait3A_195 = arith.constant 0 : i32
        %dma_wait3A_196 = tpu.memref_slice %arg11[%dma_wait3A_194, %dma_wait3A_195] : memref<10000x128xf32, #tpu.memory_space<vmem_shared>> -> memref<10000x128xf32, #tpu.memory_space<vmem_shared>>
        tpu.wait_indirect_dma semaphore(%run_scoped3A : memref<!tpu.dma_semaphore, #tpu.memory_space<semaphore_mem>>) src(%arg9 : memref<96x128xf32, #tpu.memory_space<vmem>>) dst(%dma_wait3A_196 : memref<10000x128xf32, #tpu.memory_space<vmem_shared>>)
        tpu.yield
      }) : () -> ()
      %add3A_133 = arith.addi %mul3A_2, %mul3A_113 : i32
      %dma_start3A_134 = arith.constant 0 : i32
      %dma_start3A_135 = tpu.memref_slice %arg6[%dma_start3A_134] : memref<96xi32, #tpu.memory_space<vmem>> -> memref<96xi32, #tpu.memory_space<vmem>>
      %dma_start3A_136 = tpu.memref_slice %arg3[%add3A_133] : memref<320000xi32, #tpu.memory_space<hbm>> -> memref<96xi32, #tpu.memory_space<hbm>>
      %dma_start3A_137 = arith.constant 0 : i32
      %dma_start3A_138 = tpu.memref_slice %arg6[%dma_start3A_137] : memref<96xi32, #tpu.memory_space<vmem>> -> memref<96xi32, #tpu.memory_space<vmem>>
      %dma_start3A_139 = tpu.memref_slice %arg3[%add3A_133] : memref<320000xi32, #tpu.memory_space<hbm>> -> memref<96xi32, #tpu.memory_space<hbm>>
      tpu.enqueue_dma source(%dma_start3A_139 : memref<96xi32, #tpu.memory_space<hbm>>) target(%dma_start3A_138 : memref<96xi32, #tpu.memory_space<vmem>>) target_semaphore(%arg12 : memref<!tpu.dma_semaphore, #tpu.memory_space<semaphore_mem>>)
      %add3A_140 = arith.addi %mul3A_2, %mul3A_113 : i32
      %dma_start3A_141 = arith.constant 0 : i32
      %dma_start3A_142 = arith.constant 0 : i32
      %dma_start3A_143 = tpu.memref_slice %arg9[%dma_start3A_141, %dma_start3A_142] : memref<96x128xf32, #tpu.memory_space<vmem>> -> memref<96x128xf32, #tpu.memory_space<vmem>>
      %dma_start3A_144 = arith.constant 0 : i32
      %dma_start3A_145 = tpu.memref_slice %arg2[%add3A_140, %dma_start3A_144] : memref<320000x128xf32, #tpu.memory_space<hbm>> -> memref<96x128xf32, #tpu.memory_space<hbm>>
      %dma_start3A_146 = arith.constant 0 : i32
      %dma_start3A_147 = arith.constant 0 : i32
      %dma_start3A_148 = tpu.memref_slice %arg9[%dma_start3A_146, %dma_start3A_147] : memref<96x128xf32, #tpu.memory_space<vmem>> -> memref<96x128xf32, #tpu.memory_space<vmem>>
      %dma_start3A_149 = arith.constant 0 : i32
      %dma_start3A_150 = tpu.memref_slice %arg2[%add3A_140, %dma_start3A_149] : memref<320000x128xf32, #tpu.memory_space<hbm>> -> memref<96x128xf32, #tpu.memory_space<hbm>>
      tpu.enqueue_dma source(%dma_start3A_150 : memref<96x128xf32, #tpu.memory_space<hbm>>) target(%dma_start3A_148 : memref<96x128xf32, #tpu.memory_space<vmem>>) target_semaphore(%arg12 : memref<!tpu.dma_semaphore, #tpu.memory_space<semaphore_mem>>)
      %sub3A_151 = arith.constant 96 : i32
      %sub3A_152 = arith.subi %mul3A_113, %sub3A_151 : i32
      %add3A_153 = arith.addi %mul3A_2, %sub3A_152 : i32
      %dma_wait3A_154 = arith.constant 0 : i32
      %dma_wait3A_155 = tpu.memref_slice %arg7[%dma_wait3A_154] : memref<96xi32, #tpu.memory_space<vmem>> -> memref<96xi32, #tpu.memory_space<vmem>>
      %dma_wait3A_156 = tpu.memref_slice %arg3[%add3A_153] : memref<320000xi32, #tpu.memory_space<hbm>> -> memref<96xi32, #tpu.memory_space<hbm>>
      %dma_wait3A_157 = arith.constant 0 : i32
      %dma_wait3A_158 = tpu.memref_slice %arg7[%dma_wait3A_157] : memref<96xi32, #tpu.memory_space<vmem>> -> memref<96xi32, #tpu.memory_space<vmem>>
      %dma_wait3A_159 = tpu.memref_slice %arg3[%add3A_153] : memref<320000xi32, #tpu.memory_space<hbm>> -> memref<96xi32, #tpu.memory_space<hbm>>
      tpu.wait_dma2 semaphore(%arg13 : memref<!tpu.dma_semaphore, #tpu.memory_space<semaphore_mem>>) src(%dma_wait3A_159 : memref<96xi32, #tpu.memory_space<hbm>>) dst(%dma_wait3A_158 : memref<96xi32, #tpu.memory_space<vmem>>)
      %add3A_160 = arith.addi %mul3A_2, %sub3A_152 : i32
      %dma_wait3A_161 = arith.constant 0 : i32
      %dma_wait3A_162 = arith.constant 0 : i32
      %dma_wait3A_163 = tpu.memref_slice %arg10[%dma_wait3A_161, %dma_wait3A_162] : memref<96x128xf32, #tpu.memory_space<vmem>> -> memref<96x128xf32, #tpu.memory_space<vmem>>
      %dma_wait3A_164 = arith.constant 0 : i32
      %dma_wait3A_165 = tpu.memref_slice %arg2[%add3A_160, %dma_wait3A_164] : memref<320000x128xf32, #tpu.memory_space<hbm>> -> memref<96x128xf32, #tpu.memory_space<hbm>>
      %dma_wait3A_166 = arith.constant 0 : i32
      %dma_wait3A_167 = arith.constant 0 : i32
      %dma_wait3A_168 = tpu.memref_slice %arg10[%dma_wait3A_166, %dma_wait3A_167] : memref<96x128xf32, #tpu.memory_space<vmem>> -> memref<96x128xf32, #tpu.memory_space<vmem>>
      %dma_wait3A_169 = arith.constant 0 : i32
      %dma_wait3A_170 = tpu.memref_slice %arg2[%add3A_160, %dma_wait3A_169] : memref<320000x128xf32, #tpu.memory_space<hbm>> -> memref<96x128xf32, #tpu.memory_space<hbm>>
      tpu.wait_dma2 semaphore(%arg13 : memref<!tpu.dma_semaphore, #tpu.memory_space<semaphore_mem>>) src(%dma_wait3A_170 : memref<96x128xf32, #tpu.memory_space<hbm>>) dst(%dma_wait3A_168 : memref<96x128xf32, #tpu.memory_space<vmem>>)
      "tpu.region"() ({
        %run_scoped3A = tpu.sem_alloc : memref<!tpu.dma_semaphore, #tpu.memory_space<semaphore_mem>>
        %dma_start3A_191 = arith.constant 0 : i32
        %dma_start3A_192 = arith.constant 0 : i32
        %dma_start3A_193 = tpu.memref_slice %arg11[%dma_start3A_191, %dma_start3A_192] : memref<10000x128xf32, #tpu.memory_space<vmem_shared>> -> memref<10000x128xf32, #tpu.memory_space<vmem_shared>>
        tpu.enqueue_indirect_dma source(%arg10 : memref<96x128xf32, #tpu.memory_space<vmem>>) target(%dma_start3A_193 : memref<10000x128xf32, #tpu.memory_space<vmem_shared>>) offsets(%arg7 : memref<96xi32, #tpu.memory_space<vmem>>) semaphore(%run_scoped3A : memref<!tpu.dma_semaphore, #tpu.memory_space<semaphore_mem>>) {add = true}
        %dma_wait3A_194 = arith.constant 0 : i32
        %dma_wait3A_195 = arith.constant 0 : i32
        %dma_wait3A_196 = tpu.memref_slice %arg11[%dma_wait3A_194, %dma_wait3A_195] : memref<10000x128xf32, #tpu.memory_space<vmem_shared>> -> memref<10000x128xf32, #tpu.memory_space<vmem_shared>>
        tpu.wait_indirect_dma semaphore(%run_scoped3A : memref<!tpu.dma_semaphore, #tpu.memory_space<semaphore_mem>>) src(%arg10 : memref<96x128xf32, #tpu.memory_space<vmem>>) dst(%dma_wait3A_196 : memref<10000x128xf32, #tpu.memory_space<vmem_shared>>)
        tpu.yield
      }) : () -> ()
      %add3A_171 = arith.constant 96 : i32
      %add3A_172 = arith.addi %mul3A_113, %add3A_171 : i32
      %add3A_173 = arith.addi %mul3A_2, %add3A_172 : i32
      %dma_start3A_174 = arith.constant 0 : i32
      %dma_start3A_175 = tpu.memref_slice %arg7[%dma_start3A_174] : memref<96xi32, #tpu.memory_space<vmem>> -> memref<96xi32, #tpu.memory_space<vmem>>
      %dma_start3A_176 = tpu.memref_slice %arg3[%add3A_173] : memref<320000xi32, #tpu.memory_space<hbm>> -> memref<96xi32, #tpu.memory_space<hbm>>
      %dma_start3A_177 = arith.constant 0 : i32
      %dma_start3A_178 = tpu.memref_slice %arg7[%dma_start3A_177] : memref<96xi32, #tpu.memory_space<vmem>> -> memref<96xi32, #tpu.memory_space<vmem>>
      %dma_start3A_179 = tpu.memref_slice %arg3[%add3A_173] : memref<320000xi32, #tpu.memory_space<hbm>> -> memref<96xi32, #tpu.memory_space<hbm>>
      tpu.enqueue_dma source(%dma_start3A_179 : memref<96xi32, #tpu.memory_space<hbm>>) target(%dma_start3A_178 : memref<96xi32, #tpu.memory_space<vmem>>) target_semaphore(%arg13 : memref<!tpu.dma_semaphore, #tpu.memory_space<semaphore_mem>>)
      %add3A_180 = arith.addi %mul3A_2, %add3A_172 : i32
      %dma_start3A_181 = arith.constant 0 : i32
      %dma_start3A_182 = arith.constant 0 : i32
      %dma_start3A_183 = tpu.memref_slice %arg10[%dma_start3A_181, %dma_start3A_182] : memref<96x128xf32, #tpu.memory_space<vmem>> -> memref<96x128xf32, #tpu.memory_space<vmem>>
      %dma_start3A_184 = arith.constant 0 : i32
      %dma_start3A_185 = tpu.memref_slice %arg2[%add3A_180, %dma_start3A_184] : memref<320000x128xf32, #tpu.memory_space<hbm>> -> memref<96x128xf32, #tpu.memory_space<hbm>>
      %dma_start3A_186 = arith.constant 0 : i32
      %dma_start3A_187 = arith.constant 0 : i32
      %dma_start3A_188 = tpu.memref_slice %arg10[%dma_start3A_186, %dma_start3A_187] : memref<96x128xf32, #tpu.memory_space<vmem>> -> memref<96x128xf32, #tpu.memory_space<vmem>>
      %dma_start3A_189 = arith.constant 0 : i32
      %dma_start3A_190 = tpu.memref_slice %arg2[%add3A_180, %dma_start3A_189] : memref<320000x128xf32, #tpu.memory_space<hbm>> -> memref<96x128xf32, #tpu.memory_space<hbm>>
      tpu.enqueue_dma source(%dma_start3A_190 : memref<96x128xf32, #tpu.memory_space<hbm>>) target(%dma_start3A_188 : memref<96x128xf32, #tpu.memory_space<vmem>>) target_semaphore(%arg13 : memref<!tpu.dma_semaphore, #tpu.memory_space<semaphore_mem>>)
    }
    %scan3A_52 = arith.constant 51 : i32
    %add3A_53 = arith.constant 9792 : i32
    %add3A_54 = arith.addi %mul3A_2, %add3A_53 : i32
    %dma_wait3A = arith.constant 0 : i32
    %dma_wait3A_55 = tpu.memref_slice %arg6[%dma_wait3A] : memref<96xi32, #tpu.memory_space<vmem>> -> memref<96xi32, #tpu.memory_space<vmem>>
    %dma_wait3A_56 = tpu.memref_slice %arg3[%add3A_54] : memref<320000xi32, #tpu.memory_space<hbm>> -> memref<96xi32, #tpu.memory_space<hbm>>
    %dma_wait3A_57 = arith.constant 0 : i32
    %dma_wait3A_58 = tpu.memref_slice %arg6[%dma_wait3A_57] : memref<96xi32, #tpu.memory_space<vmem>> -> memref<96xi32, #tpu.memory_space<vmem>>
    %dma_wait3A_59 = tpu.memref_slice %arg3[%add3A_54] : memref<320000xi32, #tpu.memory_space<hbm>> -> memref<96xi32, #tpu.memory_space<hbm>>
    tpu.wait_dma2 semaphore(%arg12 : memref<!tpu.dma_semaphore, #tpu.memory_space<semaphore_mem>>) src(%dma_wait3A_59 : memref<96xi32, #tpu.memory_space<hbm>>) dst(%dma_wait3A_58 : memref<96xi32, #tpu.memory_space<vmem>>)
    %add3A_60 = arith.constant 9792 : i32
    %add3A_61 = arith.addi %mul3A_2, %add3A_60 : i32
    %dma_wait3A_62 = arith.constant 0 : i32
    %dma_wait3A_63 = arith.constant 0 : i32
    %dma_wait3A_64 = tpu.memref_slice %arg9[%dma_wait3A_62, %dma_wait3A_63] : memref<96x128xf32, #tpu.memory_space<vmem>> -> memref<96x128xf32, #tpu.memory_space<vmem>>
    %dma_wait3A_65 = arith.constant 0 : i32
    %dma_wait3A_66 = tpu.memref_slice %arg2[%add3A_61, %dma_wait3A_65] : memref<320000x128xf32, #tpu.memory_space<hbm>> -> memref<96x128xf32, #tpu.memory_space<hbm>>
    %dma_wait3A_67 = arith.constant 0 : i32
    %dma_wait3A_68 = arith.constant 0 : i32
    %dma_wait3A_69 = tpu.memref_slice %arg9[%dma_wait3A_67, %dma_wait3A_68] : memref<96x128xf32, #tpu.memory_space<vmem>> -> memref<96x128xf32, #tpu.memory_space<vmem>>
    %dma_wait3A_70 = arith.constant 0 : i32
    %dma_wait3A_71 = tpu.memref_slice %arg2[%add3A_61, %dma_wait3A_70] : memref<320000x128xf32, #tpu.memory_space<hbm>> -> memref<96x128xf32, #tpu.memory_space<hbm>>
    tpu.wait_dma2 semaphore(%arg12 : memref<!tpu.dma_semaphore, #tpu.memory_space<semaphore_mem>>) src(%dma_wait3A_71 : memref<96x128xf32, #tpu.memory_space<hbm>>) dst(%dma_wait3A_69 : memref<96x128xf32, #tpu.memory_space<vmem>>)
    "tpu.region"() ({
      %run_scoped3A = tpu.sem_alloc : memref<!tpu.dma_semaphore, #tpu.memory_space<semaphore_mem>>
      %dma_start3A_109 = arith.constant 0 : i32
      %dma_start3A_110 = arith.constant 0 : i32
      %dma_start3A_111 = tpu.memref_slice %arg11[%dma_start3A_109, %dma_start3A_110] : memref<10000x128xf32, #tpu.memory_space<vmem_shared>> -> memref<10000x128xf32, #tpu.memory_space<vmem_shared>>
      tpu.enqueue_indirect_dma source(%arg9 : memref<96x128xf32, #tpu.memory_space<vmem>>) target(%dma_start3A_111 : memref<10000x128xf32, #tpu.memory_space<vmem_shared>>) offsets(%arg6 : memref<96xi32, #tpu.memory_space<vmem>>) semaphore(%run_scoped3A : memref<!tpu.dma_semaphore, #tpu.memory_space<semaphore_mem>>) {add = true}
      %dma_wait3A_112 = arith.constant 0 : i32
      %dma_wait3A_113 = arith.constant 0 : i32
      %dma_wait3A_114 = tpu.memref_slice %arg11[%dma_wait3A_112, %dma_wait3A_113] : memref<10000x128xf32, #tpu.memory_space<vmem_shared>> -> memref<10000x128xf32, #tpu.memory_space<vmem_shared>>
      tpu.wait_indirect_dma semaphore(%run_scoped3A : memref<!tpu.dma_semaphore, #tpu.memory_space<semaphore_mem>>) src(%arg9 : memref<96x128xf32, #tpu.memory_space<vmem>>) dst(%dma_wait3A_114 : memref<10000x128xf32, #tpu.memory_space<vmem_shared>>)
      tpu.yield
    }) : () -> ()
    %add3A_72 = arith.constant 9888 : i32
    %add3A_73 = arith.addi %mul3A_2, %add3A_72 : i32
    %dma_wait3A_74 = arith.constant 0 : i32
    %dma_wait3A_75 = tpu.memref_slice %arg7[%dma_wait3A_74] : memref<96xi32, #tpu.memory_space<vmem>> -> memref<96xi32, #tpu.memory_space<vmem>>
    %dma_wait3A_76 = tpu.memref_slice %arg3[%add3A_73] : memref<320000xi32, #tpu.memory_space<hbm>> -> memref<96xi32, #tpu.memory_space<hbm>>
    %dma_wait3A_77 = arith.constant 0 : i32
    %dma_wait3A_78 = tpu.memref_slice %arg7[%dma_wait3A_77] : memref<96xi32, #tpu.memory_space<vmem>> -> memref<96xi32, #tpu.memory_space<vmem>>
    %dma_wait3A_79 = tpu.memref_slice %arg3[%add3A_73] : memref<320000xi32, #tpu.memory_space<hbm>> -> memref<96xi32, #tpu.memory_space<hbm>>
    tpu.wait_dma2 semaphore(%arg13 : memref<!tpu.dma_semaphore, #tpu.memory_space<semaphore_mem>>) src(%dma_wait3A_79 : memref<96xi32, #tpu.memory_space<hbm>>) dst(%dma_wait3A_78 : memref<96xi32, #tpu.memory_space<vmem>>)
    %add3A_80 = arith.constant 9888 : i32
    %add3A_81 = arith.addi %mul3A_2, %add3A_80 : i32
    %dma_wait3A_82 = arith.constant 0 : i32
    %dma_wait3A_83 = arith.constant 0 : i32
    %dma_wait3A_84 = tpu.memref_slice %arg10[%dma_wait3A_82, %dma_wait3A_83] : memref<96x128xf32, #tpu.memory_space<vmem>> -> memref<96x128xf32, #tpu.memory_space<vmem>>
    %dma_wait3A_85 = arith.constant 0 : i32
    %dma_wait3A_86 = tpu.memref_slice %arg2[%add3A_81, %dma_wait3A_85] : memref<320000x128xf32, #tpu.memory_space<hbm>> -> memref<96x128xf32, #tpu.memory_space<hbm>>
    %dma_wait3A_87 = arith.constant 0 : i32
    %dma_wait3A_88 = arith.constant 0 : i32
    %dma_wait3A_89 = tpu.memref_slice %arg10[%dma_wait3A_87, %dma_wait3A_88] : memref<96x128xf32, #tpu.memory_space<vmem>> -> memref<96x128xf32, #tpu.memory_space<vmem>>
    %dma_wait3A_90 = arith.constant 0 : i32
    %dma_wait3A_91 = tpu.memref_slice %arg2[%add3A_81, %dma_wait3A_90] : memref<320000x128xf32, #tpu.memory_space<hbm>> -> memref<96x128xf32, #tpu.memory_space<hbm>>
    tpu.wait_dma2 semaphore(%arg13 : memref<!tpu.dma_semaphore, #tpu.memory_space<semaphore_mem>>) src(%dma_wait3A_91 : memref<96x128xf32, #tpu.memory_space<hbm>>) dst(%dma_wait3A_89 : memref<96x128xf32, #tpu.memory_space<vmem>>)
    "tpu.region"() ({
      %run_scoped3A = tpu.sem_alloc : memref<!tpu.dma_semaphore, #tpu.memory_space<semaphore_mem>>
      %dma_start3A_109 = arith.constant 0 : i32
      %dma_start3A_110 = arith.constant 0 : i32
      %dma_start3A_111 = tpu.memref_slice %arg11[%dma_start3A_109, %dma_start3A_110] : memref<10000x128xf32, #tpu.memory_space<vmem_shared>> -> memref<10000x128xf32, #tpu.memory_space<vmem_shared>>
      tpu.enqueue_indirect_dma source(%arg10 : memref<96x128xf32, #tpu.memory_space<vmem>>) target(%dma_start3A_111 : memref<10000x128xf32, #tpu.memory_space<vmem_shared>>) offsets(%arg7 : memref<96xi32, #tpu.memory_space<vmem>>) semaphore(%run_scoped3A : memref<!tpu.dma_semaphore, #tpu.memory_space<semaphore_mem>>) {add = true}
      %dma_wait3A_112 = arith.constant 0 : i32
      %dma_wait3A_113 = arith.constant 0 : i32
      %dma_wait3A_114 = tpu.memref_slice %arg11[%dma_wait3A_112, %dma_wait3A_113] : memref<10000x128xf32, #tpu.memory_space<vmem_shared>> -> memref<10000x128xf32, #tpu.memory_space<vmem_shared>>
      tpu.wait_indirect_dma semaphore(%run_scoped3A : memref<!tpu.dma_semaphore, #tpu.memory_space<semaphore_mem>>) src(%arg10 : memref<96x128xf32, #tpu.memory_space<vmem>>) dst(%dma_wait3A_114 : memref<10000x128xf32, #tpu.memory_space<vmem_shared>>)
      tpu.yield
    }) : () -> ()
    %add3A_92 = arith.constant 9984 : i32
    %add3A_93 = arith.addi %mul3A_2, %add3A_92 : i32
    "tpu.region"() ({
      %run_scoped3A = tpu.sem_alloc : memref<!tpu.dma_semaphore, #tpu.memory_space<semaphore_mem>>
      %dma_start3A_109 = tpu.memref_slice %arg3[%add3A_93] : memref<320000xi32, #tpu.memory_space<hbm>> -> memref<16xi32, #tpu.memory_space<hbm>>
      %dma_start3A_110 = tpu.memref_slice %arg3[%add3A_93] : memref<320000xi32, #tpu.memory_space<hbm>> -> memref<16xi32, #tpu.memory_space<hbm>>
      tpu.enqueue_dma source(%dma_start3A_110 : memref<16xi32, #tpu.memory_space<hbm>>) target(%arg8 : memref<16xi32, #tpu.memory_space<vmem>>) target_semaphore(%run_scoped3A : memref<!tpu.dma_semaphore, #tpu.memory_space<semaphore_mem>>)
      %dma_wait3A_111 = tpu.memref_slice %arg3[%add3A_93] : memref<320000xi32, #tpu.memory_space<hbm>> -> memref<16xi32, #tpu.memory_space<hbm>>
      %dma_wait3A_112 = tpu.memref_slice %arg3[%add3A_93] : memref<320000xi32, #tpu.memory_space<hbm>> -> memref<16xi32, #tpu.memory_space<hbm>>
      tpu.wait_dma2 semaphore(%run_scoped3A : memref<!tpu.dma_semaphore, #tpu.memory_space<semaphore_mem>>) src(%dma_wait3A_112 : memref<16xi32, #tpu.memory_space<hbm>>) dst(%arg8 : memref<16xi32, #tpu.memory_space<vmem>>)
      tpu.yield
    }) : () -> ()
    %add3A_94 = arith.constant 9984 : i32
    %add3A_95 = arith.addi %mul3A_2, %add3A_94 : i32
    "tpu.region"() ({
      %run_scoped3A = tpu.sem_alloc : memref<!tpu.dma_semaphore, #tpu.memory_space<semaphore_mem>>
      %dma_start3A_109 = arith.constant 0 : i32
      %dma_start3A_110 = arith.constant 0 : i32
      %dma_start3A_111 = tpu.memref_slice %arg9[%dma_start3A_109, %dma_start3A_110] : memref<96x128xf32, #tpu.memory_space<vmem>> -> memref<16x128xf32, #tpu.memory_space<vmem>>
      %dma_start3A_112 = arith.constant 0 : i32
      %dma_start3A_113 = tpu.memref_slice %arg2[%add3A_95, %dma_start3A_112] : memref<320000x128xf32, #tpu.memory_space<hbm>> -> memref<16x128xf32, #tpu.memory_space<hbm>>
      %dma_start3A_114 = arith.constant 0 : i32
      %dma_start3A_115 = arith.constant 0 : i32
      %dma_start3A_116 = tpu.memref_slice %arg9[%dma_start3A_114, %dma_start3A_115] : memref<96x128xf32, #tpu.memory_space<vmem>> -> memref<16x128xf32, #tpu.memory_space<vmem>>
      %dma_start3A_117 = arith.constant 0 : i32
      %dma_start3A_118 = tpu.memref_slice %arg2[%add3A_95, %dma_start3A_117] : memref<320000x128xf32, #tpu.memory_space<hbm>> -> memref<16x128xf32, #tpu.memory_space<hbm>>
      tpu.enqueue_dma source(%dma_start3A_118 : memref<16x128xf32, #tpu.memory_space<hbm>>) target(%dma_start3A_116 : memref<16x128xf32, #tpu.memory_space<vmem>>) target_semaphore(%run_scoped3A : memref<!tpu.dma_semaphore, #tpu.memory_space<semaphore_mem>>)
      %dma_wait3A_119 = arith.constant 0 : i32
      %dma_wait3A_120 = arith.constant 0 : i32
      %dma_wait3A_121 = tpu.memref_slice %arg9[%dma_wait3A_119, %dma_wait3A_120] : memref<96x128xf32, #tpu.memory_space<vmem>> -> memref<16x128xf32, #tpu.memory_space<vmem>>
      %dma_wait3A_122 = arith.constant 0 : i32
      %dma_wait3A_123 = tpu.memref_slice %arg2[%add3A_95, %dma_wait3A_122] : memref<320000x128xf32, #tpu.memory_space<hbm>> -> memref<16x128xf32, #tpu.memory_space<hbm>>
      %dma_wait3A_124 = arith.constant 0 : i32
      %dma_wait3A_125 = arith.constant 0 : i32
      %dma_wait3A_126 = tpu.memref_slice %arg9[%dma_wait3A_124, %dma_wait3A_125] : memref<96x128xf32, #tpu.memory_space<vmem>> -> memref<16x128xf32, #tpu.memory_space<vmem>>
      %dma_wait3A_127 = arith.constant 0 : i32
      %dma_wait3A_128 = tpu.memref_slice %arg2[%add3A_95, %dma_wait3A_127] : memref<320000x128xf32, #tpu.memory_space<hbm>> -> memref<16x128xf32, #tpu.memory_space<hbm>>
      tpu.wait_dma2 semaphore(%run_scoped3A : memref<!tpu.dma_semaphore, #tpu.memory_space<semaphore_mem>>) src(%dma_wait3A_128 : memref<16x128xf32, #tpu.memory_space<hbm>>) dst(%dma_wait3A_126 : memref<16x128xf32, #tpu.memory_space<vmem>>)
      tpu.yield
    }) : () -> ()
    "tpu.region"() ({
      %run_scoped3A = tpu.sem_alloc : memref<!tpu.dma_semaphore, #tpu.memory_space<semaphore_mem>>
      %dma_start3A_109 = arith.constant 0 : i32
      %dma_start3A_110 = arith.constant 0 : i32
      %dma_start3A_111 = tpu.memref_slice %arg9[%dma_start3A_109, %dma_start3A_110] : memref<96x128xf32, #tpu.memory_space<vmem>> -> memref<16x128xf32, #tpu.memory_space<vmem>>
      %dma_start3A_112 = arith.constant 0 : i32
      %dma_start3A_113 = arith.constant 0 : i32
      %dma_start3A_114 = tpu.memref_slice %arg11[%dma_start3A_112, %dma_start3A_113] : memref<10000x128xf32, #tpu.memory_space<vmem_shared>> -> memref<10000x128xf32, #tpu.memory_space<vmem_shared>>
      tpu.enqueue_indirect_dma source(%dma_start3A_111 : memref<16x128xf32, #tpu.memory_space<vmem>>) target(%dma_start3A_114 : memref<10000x128xf32, #tpu.memory_space<vmem_shared>>) offsets(%arg8 : memref<16xi32, #tpu.memory_space<vmem>>) semaphore(%run_scoped3A : memref<!tpu.dma_semaphore, #tpu.memory_space<semaphore_mem>>) {add = true}
      %dma_wait3A_115 = arith.constant 0 : i32
      %dma_wait3A_116 = arith.constant 0 : i32
      %dma_wait3A_117 = tpu.memref_slice %arg9[%dma_wait3A_115, %dma_wait3A_116] : memref<96x128xf32, #tpu.memory_space<vmem>> -> memref<16x128xf32, #tpu.memory_space<vmem>>
      %dma_wait3A_118 = arith.constant 0 : i32
      %dma_wait3A_119 = arith.constant 0 : i32
      %dma_wait3A_120 = tpu.memref_slice %arg11[%dma_wait3A_118, %dma_wait3A_119] : memref<10000x128xf32, #tpu.memory_space<vmem_shared>> -> memref<10000x128xf32, #tpu.memory_space<vmem_shared>>
      tpu.wait_indirect_dma semaphore(%run_scoped3A : memref<!tpu.dma_semaphore, #tpu.memory_space<semaphore_mem>>) src(%dma_wait3A_117 : memref<16x128xf32, #tpu.memory_space<vmem>>) dst(%dma_wait3A_120 : memref<10000x128xf32, #tpu.memory_space<vmem_shared>>)
      tpu.yield
    }) : () -> ()
    %barrier3A_96 = arith.constant 0 : index
    tpu.barrier barrier_id(%barrier3A_96)
    %eq3A_97 = arith.constant 15 : i32
    %eq3A_98 = arith.cmpi eq, %arg1, %eq3A_97 : i32
    %jit3A = arith.constant 5 : i32
    %jit3A_99 = arith.constant 8 : i32
    %select_n3A = arith.select %eq3A_98, %jit3A, %jit3A_99 : i32
    %while3A = arith.constant 0 : i32
    %while3A_100 = arith.constant 0 : i32
    %while3A_101 = arith.subi %select_n3A, %while3A_100 : i32
    %while3A_102 = arith.addi %while3A_100, %while3A_101 : i32
    %while3A_103 = arith.constant 1 : i32
    %while3A_104 = arith.divsi %while3A_101, %while3A_103 : i32
    %while3A_105 = arith.muli %while3A_104, %while3A_103 : i32
    %while3A_106 = arith.addi %while3A_100, %while3A_105 : i32
    %while3A_107 = arith.constant 1 : i32
    scf.for %while3A_109 = %while3A_100 to %while3A_106 step %while3A_107  : i32 {
      %mul3A_110 = arith.constant 640 : i32
      %mul3A_111 = arith.muli %arg1, %mul3A_110 : i32
      %mul3A_112 = arith.constant 80 : i32
      %mul3A_113 = arith.muli %while3A_109, %mul3A_112 : i32
      %add3A_114 = arith.addi %mul3A_111, %mul3A_113 : i32
      "tpu.region"() ({
        %run_scoped3A = tpu.sem_alloc : memref<!tpu.dma_semaphore, #tpu.memory_space<semaphore_mem>>
        %dma_start3A_115 = arith.constant 0 : i32
        %dma_start3A_116 = arith.constant 0 : i32
        %dma_start3A_117 = tpu.memref_slice %arg9[%dma_start3A_115, %dma_start3A_116] : memref<96x128xf32, #tpu.memory_space<vmem>> -> memref<80x128xf32, #tpu.memory_space<vmem>>
        %dma_start3A_118 = arith.constant 0 : i32
        %dma_start3A_119 = tpu.memref_slice %arg11[%add3A_114, %dma_start3A_118] : memref<10000x128xf32, #tpu.memory_space<vmem_shared>> -> memref<80x128xf32, #tpu.memory_space<vmem_shared>>
        %dma_start3A_120 = arith.constant 0 : i32
        %dma_start3A_121 = arith.constant 0 : i32
        %dma_start3A_122 = tpu.memref_slice %arg9[%dma_start3A_120, %dma_start3A_121] : memref<96x128xf32, #tpu.memory_space<vmem>> -> memref<80x128xf32, #tpu.memory_space<vmem>>
        %dma_start3A_123 = arith.constant 0 : i32
        %dma_start3A_124 = tpu.memref_slice %arg11[%add3A_114, %dma_start3A_123] : memref<10000x128xf32, #tpu.memory_space<vmem_shared>> -> memref<80x128xf32, #tpu.memory_space<vmem_shared>>
        tpu.enqueue_dma source(%dma_start3A_124 : memref<80x128xf32, #tpu.memory_space<vmem_shared>>) target(%dma_start3A_122 : memref<80x128xf32, #tpu.memory_space<vmem>>) target_semaphore(%run_scoped3A : memref<!tpu.dma_semaphore, #tpu.memory_space<semaphore_mem>>)
        %dma_wait3A_125 = arith.constant 0 : i32
        %dma_wait3A_126 = arith.constant 0 : i32
        %dma_wait3A_127 = tpu.memref_slice %arg9[%dma_wait3A_125, %dma_wait3A_126] : memref<96x128xf32, #tpu.memory_space<vmem>> -> memref<80x128xf32, #tpu.memory_space<vmem>>
        %dma_wait3A_128 = arith.constant 0 : i32
        %dma_wait3A_129 = tpu.memref_slice %arg11[%add3A_114, %dma_wait3A_128] : memref<10000x128xf32, #tpu.memory_space<vmem_shared>> -> memref<80x128xf32, #tpu.memory_space<vmem_shared>>
        %dma_wait3A_130 = arith.constant 0 : i32
        %dma_wait3A_131 = arith.constant 0 : i32
        %dma_wait3A_132 = tpu.memref_slice %arg9[%dma_wait3A_130, %dma_wait3A_131] : memref<96x128xf32, #tpu.memory_space<vmem>> -> memref<80x128xf32, #tpu.memory_space<vmem>>
        %dma_wait3A_133 = arith.constant 0 : i32
        %dma_wait3A_134 = tpu.memref_slice %arg11[%add3A_114, %dma_wait3A_133] : memref<10000x128xf32, #tpu.memory_space<vmem_shared>> -> memref<80x128xf32, #tpu.memory_space<vmem_shared>>
        tpu.wait_dma2 semaphore(%run_scoped3A : memref<!tpu.dma_semaphore, #tpu.memory_space<semaphore_mem>>) src(%dma_wait3A_134 : memref<80x128xf32, #tpu.memory_space<vmem_shared>>) dst(%dma_wait3A_132 : memref<80x128xf32, #tpu.memory_space<vmem>>)
        tpu.yield
      }) : () -> ()
      "tpu.region"() ({
        %run_scoped3A = tpu.sem_alloc : memref<!tpu.dma_semaphore, #tpu.memory_space<semaphore_mem>>
        %dma_start3A_115 = arith.constant 0 : i32
        %dma_start3A_116 = arith.constant 0 : i32
        %dma_start3A_117 = tpu.memref_slice %arg9[%dma_start3A_115, %dma_start3A_116] : memref<96x128xf32, #tpu.memory_space<vmem>> -> memref<80x128xf32, #tpu.memory_space<vmem>>
        %dma_start3A_118 = arith.constant 0 : i32
        %dma_start3A_119 = tpu.memref_slice %arg5[%arg0, %add3A_114, %dma_start3A_118] : memref<2x10000x128xf32, #tpu.memory_space<hbm>> -> memref<1x80x128xf32, #tpu.memory_space<hbm>>
        %dma_start3A_120 = tpu.memref_squeeze %dma_start3A_119 : memref<1x80x128xf32, #tpu.memory_space<hbm>> -> memref<80x128xf32, #tpu.memory_space<hbm>>
        %dma_start3A_121 = arith.constant 0 : i32
        %dma_start3A_122 = tpu.memref_slice %arg5[%arg0, %add3A_114, %dma_start3A_121] : memref<2x10000x128xf32, #tpu.memory_space<hbm>> -> memref<1x80x128xf32, #tpu.memory_space<hbm>>
        %dma_start3A_123 = tpu.memref_squeeze %dma_start3A_122 : memref<1x80x128xf32, #tpu.memory_space<hbm>> -> memref<80x128xf32, #tpu.memory_space<hbm>>
        %dma_start3A_124 = arith.constant 0 : i32
        %dma_start3A_125 = arith.constant 0 : i32
        %dma_start3A_126 = tpu.memref_slice %arg9[%dma_start3A_124, %dma_start3A_125] : memref<96x128xf32, #tpu.memory_space<vmem>> -> memref<80x128xf32, #tpu.memory_space<vmem>>
        tpu.enqueue_dma source(%dma_start3A_126 : memref<80x128xf32, #tpu.memory_space<vmem>>) target(%dma_start3A_123 : memref<80x128xf32, #tpu.memory_space<hbm>>) target_semaphore(%run_scoped3A : memref<!tpu.dma_semaphore, #tpu.memory_space<semaphore_mem>>)
        %dma_wait3A_127 = arith.constant 0 : i32
        %dma_wait3A_128 = arith.constant 0 : i32
        %dma_wait3A_129 = tpu.memref_slice %arg9[%dma_wait3A_127, %dma_wait3A_128] : memref<96x128xf32, #tpu.memory_space<vmem>> -> memref<80x128xf32, #tpu.memory_space<vmem>>
        %dma_wait3A_130 = arith.constant 0 : i32
        %dma_wait3A_131 = tpu.memref_slice %arg5[%arg0, %add3A_114, %dma_wait3A_130] : memref<2x10000x128xf32, #tpu.memory_space<hbm>> -> memref<1x80x128xf32, #tpu.memory_space<hbm>>
        %dma_wait3A_132 = tpu.memref_squeeze %dma_wait3A_131 : memref<1x80x128xf32, #tpu.memory_space<hbm>> -> memref<80x128xf32, #tpu.memory_space<hbm>>
        %dma_wait3A_133 = arith.constant 0 : i32
        %dma_wait3A_134 = tpu.memref_slice %arg5[%arg0, %add3A_114, %dma_wait3A_133] : memref<2x10000x128xf32, #tpu.memory_space<hbm>> -> memref<1x80x128xf32, #tpu.memory_space<hbm>>
        %dma_wait3A_135 = tpu.memref_squeeze %dma_wait3A_134 : memref<1x80x128xf32, #tpu.memory_space<hbm>> -> memref<80x128xf32, #tpu.memory_space<hbm>>
        %dma_wait3A_136 = arith.constant 0 : i32
        %dma_wait3A_137 = arith.constant 0 : i32
        %dma_wait3A_138 = tpu.memref_slice %arg9[%dma_wait3A_136, %dma_wait3A_137] : memref<96x128xf32, #tpu.memory_space<vmem>> -> memref<80x128xf32, #tpu.memory_space<vmem>>
        tpu.wait_dma2 semaphore(%run_scoped3A : memref<!tpu.dma_semaphore, #tpu.memory_space<semaphore_mem>>) src(%dma_wait3A_138 : memref<80x128xf32, #tpu.memory_space<vmem>>) dst(%dma_wait3A_135 : memref<80x128xf32, #tpu.memory_space<hbm>>)
        tpu.yield
      }) : () -> ()
    }
    %while3A_108 = arith.constant 1 : i32
    scf.for %while3A_109 = %while3A_106 to %while3A_102 step %while3A_108  : i32 {
      %mul3A_110 = arith.constant 640 : i32
      %mul3A_111 = arith.muli %arg1, %mul3A_110 : i32
      %mul3A_112 = arith.constant 80 : i32
      %mul3A_113 = arith.muli %while3A_109, %mul3A_112 : i32
      %add3A_114 = arith.addi %mul3A_111, %mul3A_113 : i32
      "tpu.region"() ({
        %run_scoped3A = tpu.sem_alloc : memref<!tpu.dma_semaphore, #tpu.memory_space<semaphore_mem>>
        %dma_start3A_115 = arith.constant 0 : i32
        %dma_start3A_116 = arith.constant 0 : i32
        %dma_start3A_117 = tpu.memref_slice %arg9[%dma_start3A_115, %dma_start3A_116] : memref<96x128xf32, #tpu.memory_space<vmem>> -> memref<80x128xf32, #tpu.memory_space<vmem>>
        %dma_start3A_118 = arith.constant 0 : i32
        %dma_start3A_119 = tpu.memref_slice %arg11[%add3A_114, %dma_start3A_118] : memref<10000x128xf32, #tpu.memory_space<vmem_shared>> -> memref<80x128xf32, #tpu.memory_space<vmem_shared>>
        %dma_start3A_120 = arith.constant 0 : i32
        %dma_start3A_121 = arith.constant 0 : i32
        %dma_start3A_122 = tpu.memref_slice %arg9[%dma_start3A_120, %dma_start3A_121] : memref<96x128xf32, #tpu.memory_space<vmem>> -> memref<80x128xf32, #tpu.memory_space<vmem>>
        %dma_start3A_123 = arith.constant 0 : i32
        %dma_start3A_124 = tpu.memref_slice %arg11[%add3A_114, %dma_start3A_123] : memref<10000x128xf32, #tpu.memory_space<vmem_shared>> -> memref<80x128xf32, #tpu.memory_space<vmem_shared>>
        tpu.enqueue_dma source(%dma_start3A_124 : memref<80x128xf32, #tpu.memory_space<vmem_shared>>) target(%dma_start3A_122 : memref<80x128xf32, #tpu.memory_space<vmem>>) target_semaphore(%run_scoped3A : memref<!tpu.dma_semaphore, #tpu.memory_space<semaphore_mem>>)
        %dma_wait3A_125 = arith.constant 0 : i32
        %dma_wait3A_126 = arith.constant 0 : i32
        %dma_wait3A_127 = tpu.memref_slice %arg9[%dma_wait3A_125, %dma_wait3A_126] : memref<96x128xf32, #tpu.memory_space<vmem>> -> memref<80x128xf32, #tpu.memory_space<vmem>>
        %dma_wait3A_128 = arith.constant 0 : i32
        %dma_wait3A_129 = tpu.memref_slice %arg11[%add3A_114, %dma_wait3A_128] : memref<10000x128xf32, #tpu.memory_space<vmem_shared>> -> memref<80x128xf32, #tpu.memory_space<vmem_shared>>
        %dma_wait3A_130 = arith.constant 0 : i32
        %dma_wait3A_131 = arith.constant 0 : i32
        %dma_wait3A_132 = tpu.memref_slice %arg9[%dma_wait3A_130, %dma_wait3A_131] : memref<96x128xf32, #tpu.memory_space<vmem>> -> memref<80x128xf32, #tpu.memory_space<vmem>>
        %dma_wait3A_133 = arith.constant 0 : i32
        %dma_wait3A_134 = tpu.memref_slice %arg11[%add3A_114, %dma_wait3A_133] : memref<10000x128xf32, #tpu.memory_space<vmem_shared>> -> memref<80x128xf32, #tpu.memory_space<vmem_shared>>
        tpu.wait_dma2 semaphore(%run_scoped3A : memref<!tpu.dma_semaphore, #tpu.memory_space<semaphore_mem>>) src(%dma_wait3A_134 : memref<80x128xf32, #tpu.memory_space<vmem_shared>>) dst(%dma_wait3A_132 : memref<80x128xf32, #tpu.memory_space<vmem>>)
        tpu.yield
      }) : () -> ()
      "tpu.region"() ({
        %run_scoped3A = tpu.sem_alloc : memref<!tpu.dma_semaphore, #tpu.memory_space<semaphore_mem>>
        %dma_start3A_115 = arith.constant 0 : i32
        %dma_start3A_116 = arith.constant 0 : i32
        %dma_start3A_117 = tpu.memref_slice %arg9[%dma_start3A_115, %dma_start3A_116] : memref<96x128xf32, #tpu.memory_space<vmem>> -> memref<80x128xf32, #tpu.memory_space<vmem>>
        %dma_start3A_118 = arith.constant 0 : i32
        %dma_start3A_119 = tpu.memref_slice %arg5[%arg0, %add3A_114, %dma_start3A_118] : memref<2x10000x128xf32, #tpu.memory_space<hbm>> -> memref<1x80x128xf32, #tpu.memory_space<hbm>>
        %dma_start3A_120 = tpu.memref_squeeze %dma_start3A_119 : memref<1x80x128xf32, #tpu.memory_space<hbm>> -> memref<80x128xf32, #tpu.memory_space<hbm>>
        %dma_start3A_121 = arith.constant 0 : i32
        %dma_start3A_122 = tpu.memref_slice %arg5[%arg0, %add3A_114, %dma_start3A_121] : memref<2x10000x128xf32, #tpu.memory_space<hbm>> -> memref<1x80x128xf32, #tpu.memory_space<hbm>>
        %dma_start3A_123 = tpu.memref_squeeze %dma_start3A_122 : memref<1x80x128xf32, #tpu.memory_space<hbm>> -> memref<80x128xf32, #tpu.memory_space<hbm>>
        %dma_start3A_124 = arith.constant 0 : i32
        %dma_start3A_125 = arith.constant 0 : i32
        %dma_start3A_126 = tpu.memref_slice %arg9[%dma_start3A_124, %dma_start3A_125] : memref<96x128xf32, #tpu.memory_space<vmem>> -> memref<80x128xf32, #tpu.memory_space<vmem>>
        tpu.enqueue_dma source(%dma_start3A_126 : memref<80x128xf32, #tpu.memory_space<vmem>>) target(%dma_start3A_123 : memref<80x128xf32, #tpu.memory_space<hbm>>) target_semaphore(%run_scoped3A : memref<!tpu.dma_semaphore, #tpu.memory_space<semaphore_mem>>)
        %dma_wait3A_127 = arith.constant 0 : i32
        %dma_wait3A_128 = arith.constant 0 : i32
        %dma_wait3A_129 = tpu.memref_slice %arg9[%dma_wait3A_127, %dma_wait3A_128] : memref<96x128xf32, #tpu.memory_space<vmem>> -> memref<80x128xf32, #tpu.memory_space<vmem>>
        %dma_wait3A_130 = arith.constant 0 : i32
        %dma_wait3A_131 = tpu.memref_slice %arg5[%arg0, %add3A_114, %dma_wait3A_130] : memref<2x10000x128xf32, #tpu.memory_space<hbm>> -> memref<1x80x128xf32, #tpu.memory_space<hbm>>
        %dma_wait3A_132 = tpu.memref_squeeze %dma_wait3A_131 : memref<1x80x128xf32, #tpu.memory_space<hbm>> -> memref<80x128xf32, #tpu.memory_space<hbm>>
        %dma_wait3A_133 = arith.constant 0 : i32
        %dma_wait3A_134 = tpu.memref_slice %arg5[%arg0, %add3A_114, %dma_wait3A_133] : memref<2x10000x128xf32, #tpu.memory_space<hbm>> -> memref<1x80x128xf32, #tpu.memory_space<hbm>>
        %dma_wait3A_135 = tpu.memref_squeeze %dma_wait3A_134 : memref<1x80x128xf32, #tpu.memory_space<hbm>> -> memref<80x128xf32, #tpu.memory_space<hbm>>
        %dma_wait3A_136 = arith.constant 0 : i32
        %dma_wait3A_137 = arith.constant 0 : i32
        %dma_wait3A_138 = tpu.memref_slice %arg9[%dma_wait3A_136, %dma_wait3A_137] : memref<96x128xf32, #tpu.memory_space<vmem>> -> memref<80x128xf32, #tpu.memory_space<vmem>>
        tpu.wait_dma2 semaphore(%run_scoped3A : memref<!tpu.dma_semaphore, #tpu.memory_space<semaphore_mem>>) src(%dma_wait3A_138 : memref<80x128xf32, #tpu.memory_space<vmem>>) dst(%dma_wait3A_135 : memref<80x128xf32, #tpu.memory_space<hbm>>)
        tpu.yield
      }) : () -> ()
    }
    return
  }
}

module attributes {stable_mosaic.version = 14 : i64} {
  func.func @_tables_body(%arg0: i32, %arg1: memref<2000x128xf32, #tpu.memory_space<vmem>>, %arg2: memref<128x256xf32, #tpu.memory_space<vmem>>, %arg3: memref<128x256xf32, #tpu.memory_space<vmem>>, %arg4: memref<2000x256xf32, #tpu.memory_space<vmem>>, %arg5: memref<2000x256xf32, #tpu.memory_space<vmem>>) attributes {dimension_semantics = [#tpu.dimension_semantics<arbitrary>], iteration_bounds = array<i64: 5>, scalar_prefetch = 0 : i64, scratch_operands = 0 : i64, tpu.core_type = #tpu.core_type<tc>, window_params = [{transform_indices = @transform_0, window_bounds = array<i64: 2000, 128>}, {pipeline_mode = #tpu.pipeline_mode<synchronous>, transform_indices = @transform_1, window_bounds = array<i64: 128, 256>}, {pipeline_mode = #tpu.pipeline_mode<synchronous>, transform_indices = @transform_2, window_bounds = array<i64: 128, 256>}, {transform_indices = @transform_3, window_bounds = array<i64: 2000, 256>}, {transform_indices = @transform_4, window_bounds = array<i64: 2000, 256>}]} {
    %get3A = arith.constant 0 : index
    %get3A_0 = arith.constant 0 : index
    %get3A_1 = vector.load %arg1[%get3A, %get3A_0] : memref<2000x128xf32, #tpu.memory_space<vmem>>, vector<2000x128xf32>
    %get3A_2 = arith.constant 0 : index
    %get3A_3 = arith.constant 0 : index
    %get3A_4 = vector.load %arg2[%get3A_2, %get3A_3] : memref<128x256xf32, #tpu.memory_space<vmem>>, vector<128x256xf32>
    %dot_general3A = arith.constant dense<0.000000e+00> : vector<2000x256xf32>
    %dot_general3A_5 = tpu.matmul %get3A_1, %get3A_4, %dot_general3A {dimension_numbers = #tpu.dot_dimension_numbers<[1], [0], [0], [1], [0, 0, 1, 1], [], []>, transpose_lhs_hint = false} : vector<2000x128xf32>, vector<128x256xf32>, vector<2000x256xf32> -> vector<2000x256xf32>
    %swap3A = arith.constant 0 : index
    %swap3A_6 = arith.constant 0 : index
    %swap3A_7 = vector.load %arg4[%swap3A, %swap3A_6] : memref<2000x256xf32, #tpu.memory_space<vmem>>, vector<2000x256xf32>
    tpu.vector_store %arg4[%swap3A, %swap3A_6], %dot_general3A_5 {strides = array<i32>} : memref<2000x256xf32, #tpu.memory_space<vmem>>, vector<2000x256xf32>,
    %get3A_8 = arith.constant 0 : index
    %get3A_9 = arith.constant 0 : index
    %get3A_10 = vector.load %arg3[%get3A_8, %get3A_9] : memref<128x256xf32, #tpu.memory_space<vmem>>, vector<128x256xf32>
    %dot_general3A_11 = arith.constant dense<0.000000e+00> : vector<2000x256xf32>
    %dot_general3A_12 = tpu.matmul %get3A_1, %get3A_10, %dot_general3A_11 {dimension_numbers = #tpu.dot_dimension_numbers<[1], [0], [0], [1], [0, 0, 1, 1], [], []>, transpose_lhs_hint = false} : vector<2000x128xf32>, vector<128x256xf32>, vector<2000x256xf32> -> vector<2000x256xf32>
    %swap3A_13 = arith.constant 0 : index
    %swap3A_14 = arith.constant 0 : index
    %swap3A_15 = vector.load %arg5[%swap3A_13, %swap3A_14] : memref<2000x256xf32, #tpu.memory_space<vmem>>, vector<2000x256xf32>
    tpu.vector_store %arg5[%swap3A_13, %swap3A_14], %dot_general3A_12 {strides = array<i32>} : memref<2000x256xf32, #tpu.memory_space<vmem>>, vector<2000x256xf32>,
    return
  }
  func.func @transform_0(%arg0: i32) -> (i32, i32) {
    %c0_i32 = arith.constant 0 : i32
    %c0_i32_0 = arith.constant 0 : i32
    return %arg0, %c0_i32 : i32, i32
  }
  func.func @transform_1(%arg0: i32) -> (i32, i32) {
    %c0_i32 = arith.constant 0 : i32
    %c0_i32_0 = arith.constant 0 : i32
    %c0_i32_1 = arith.constant 0 : i32
    return %c0_i32, %c0_i32_0 : i32, i32
  }
  func.func @transform_2(%arg0: i32) -> (i32, i32) {
    %c0_i32 = arith.constant 0 : i32
    %c0_i32_0 = arith.constant 0 : i32
    %c0_i32_1 = arith.constant 0 : i32
    return %c0_i32, %c0_i32_0 : i32, i32
  }
  func.func @transform_3(%arg0: i32) -> (i32, i32) {
    %c0_i32 = arith.constant 0 : i32
    %c0_i32_0 = arith.constant 0 : i32
    return %arg0, %c0_i32 : i32, i32
  }
  func.func @transform_4(%arg0: i32) -> (i32, i32) {
    %c0_i32 = arith.constant 0 : i32
    %c0_i32_0 = arith.constant 0 : i32
    return %arg0, %c0_i32 : i32, i32
  }
}

module attributes {stable_mosaic.version = 14 : i64} {
  func.func @_act_body(%arg0: i32, %arg1: memref<4000x256xf32, #tpu.memory_space<vmem>>, %arg2: memref<4000x16xf32, #tpu.memory_space<vmem>>, %arg3: memref<16x256xf32, #tpu.memory_space<vmem>>, %arg4: memref<1x256xf32, #tpu.memory_space<vmem>>, %arg5: memref<4000x128xf32, #tpu.memory_space<vmem>>) attributes {dimension_semantics = [#tpu.dimension_semantics<arbitrary>], iteration_bounds = array<i64: 80>, scalar_prefetch = 0 : i64, scratch_operands = 0 : i64, tpu.core_type = #tpu.core_type<tc>, window_params = [{transform_indices = @transform_0, window_bounds = array<i64: 4000, 256>}, {transform_indices = @transform_1, window_bounds = array<i64: 4000, 16>}, {pipeline_mode = #tpu.pipeline_mode<synchronous>, transform_indices = @transform_2, window_bounds = array<i64: 16, 256>}, {pipeline_mode = #tpu.pipeline_mode<synchronous>, transform_indices = @transform_3, window_bounds = array<i64: 1, 256>}, {transform_indices = @transform_4, window_bounds = array<i64: 4000, 128>}]} {
    %get3A = arith.constant 0 : index
    %get3A_0 = arith.constant 0 : index
    %get3A_1 = vector.load %arg1[%get3A, %get3A_0] : memref<4000x256xf32, #tpu.memory_space<vmem>>, vector<4000x256xf32>
    %get3A_2 = arith.constant 0 : index
    %get3A_3 = arith.constant 0 : index
    %get3A_4 = vector.load %arg2[%get3A_2, %get3A_3] : memref<4000x16xf32, #tpu.memory_space<vmem>>, vector<4000x16xf32>
    %get3A_5 = arith.constant 0 : index
    %get3A_6 = arith.constant 0 : index
    %get3A_7 = vector.load %arg3[%get3A_5, %get3A_6] : memref<16x256xf32, #tpu.memory_space<vmem>>, vector<16x256xf32>
    %dot_general3A = arith.constant dense<0.000000e+00> : vector<4000x256xf32>
    %dot_general3A_8 = tpu.matmul %get3A_4, %get3A_7, %dot_general3A {dimension_numbers = #tpu.dot_dimension_numbers<[1], [0], [0], [1], [0, 0, 1, 1], [], []>, transpose_lhs_hint = false} : vector<4000x16xf32>, vector<16x256xf32>, vector<4000x256xf32> -> vector<4000x256xf32>
    %add3A = arith.addf %get3A_1, %dot_general3A_8 : vector<4000x256xf32>
    %get3A_9 = arith.constant 0 : index
    %get3A_10 = arith.constant 0 : index
    %get3A_11 = vector.load %arg4[%get3A_9, %get3A_10] : memref<1x256xf32, #tpu.memory_space<vmem>>, vector<1x256xf32>
    %add3A_12 = vector.broadcast %get3A_11 : vector<1x256xf32> to vector<4000x256xf32>
    %add3A_13 = arith.addf %add3A, %add3A_12 : vector<4000x256xf32>
    %slice3A = vector.extract_strided_slice %add3A_13 {offsets = [0, 0], sizes = [4000, 128], strides = [1, 1]} : vector<4000x256xf32> to vector<4000x128xf32>
    %logistic3A = arith.negf %slice3A : vector<4000x128xf32>
    %logistic3A_14 = math.exp %logistic3A : vector<4000x128xf32>
    %logistic3A_15 = arith.constant 1.000000e+00 : f32
    %logistic3A_16 = vector.broadcast %logistic3A_15 : f32 to vector<4000x128xf32>
    %logistic3A_17 = arith.addf %logistic3A_16, %logistic3A_14 : vector<4000x128xf32>
    %logistic3A_18 = arith.divf %logistic3A_16, %logistic3A_17 : vector<4000x128xf32>
    %slice3A_19 = vector.extract_strided_slice %add3A_13 {offsets = [0, 128], sizes = [4000, 128], strides = [1, 1]} : vector<4000x256xf32> to vector<4000x128xf32>
    %custom_jvp_call3A = arith.constant 0.000000e+00 : f32
    %max3A = vector.broadcast %custom_jvp_call3A : f32 to vector<4000x128xf32>
    %max3A_20 = arith.maximumf %slice3A_19, %max3A : vector<4000x128xf32>
    %sub3A = vector.broadcast %custom_jvp_call3A : f32 to vector<4000x128xf32>
    %sub3A_21 = arith.subf %slice3A_19, %sub3A : vector<4000x128xf32>
    %ne3A = arith.cmpf one, %sub3A_21, %sub3A_21 : vector<4000x128xf32>
    %add3A_22 = vector.broadcast %custom_jvp_call3A : f32 to vector<4000x128xf32>
    %add3A_23 = arith.addf %slice3A_19, %add3A_22 : vector<4000x128xf32>
    %abs3A = math.absf %sub3A_21 : vector<4000x128xf32>
    %neg3A = arith.constant 0.000000e+00 : f32
    %neg3A_24 = vector.broadcast %neg3A : f32 to vector<4000x128xf32>
    %neg3A_25 = arith.subf %neg3A_24, %abs3A : vector<4000x128xf32>
    %exp3A = math.exp %neg3A_25 : vector<4000x128xf32>
    %log1p3A = math.log1p %exp3A : vector<4000x128xf32>
    %add3A_26 = arith.addf %max3A_20, %log1p3A : vector<4000x128xf32>
    %select_n3A = arith.select %ne3A, %add3A_23, %add3A_26 : vector<4000x128xi1>, vector<4000x128xf32>
    %mul3A = arith.mulf %logistic3A_18, %select_n3A : vector<4000x128xf32>
    %swap3A = arith.constant 0 : index
    %swap3A_27 = arith.constant 0 : index
    %swap3A_28 = vector.load %arg5[%swap3A, %swap3A_27] : memref<4000x128xf32, #tpu.memory_space<vmem>>, vector<4000x128xf32>
    tpu.vector_store %arg5[%swap3A, %swap3A_27], %mul3A {strides = array<i32>} : memref<4000x128xf32, #tpu.memory_space<vmem>>, vector<4000x128xf32>,
    return
  }
  func.func @transform_0(%arg0: i32) -> (i32, i32) {
    %c0_i32 = arith.constant 0 : i32
    %c0_i32_0 = arith.constant 0 : i32
    return %arg0, %c0_i32 : i32, i32
  }
  func.func @transform_1(%arg0: i32) -> (i32, i32) {
    %c0_i32 = arith.constant 0 : i32
    %c0_i32_0 = arith.constant 0 : i32
    return %arg0, %c0_i32 : i32, i32
  }
  func.func @transform_2(%arg0: i32) -> (i32, i32) {
    %c0_i32 = arith.constant 0 : i32
    %c0_i32_0 = arith.constant 0 : i32
    %c0_i32_1 = arith.constant 0 : i32
    return %c0_i32, %c0_i32_0 : i32, i32
  }
  func.func @transform_3(%arg0: i32) -> (i32, i32) {
    %c0_i32 = arith.constant 0 : i32
    %c0_i32_0 = arith.constant 0 : i32
    %c0_i32_1 = arith.constant 0 : i32
    return %c0_i32, %c0_i32_0 : i32, i32
  }
  func.func @transform_4(%arg0: i32) -> (i32, i32) {
    %c0_i32 = arith.constant 0 : i32
    %c0_i32_0 = arith.constant 0 : i32
    return %arg0, %c0_i32 : i32, i32
  }
}

module attributes {stable_mosaic.version = 14 : i64} {
  func.func @_final_body(%arg0: i32, %arg1: memref<1000x128xf32, #tpu.memory_space<vmem>>, %arg2: memref<2x1000x128xf32, #tpu.memory_space<vmem>>, %arg3: memref<1x128xf32, #tpu.memory_space<vmem>>, %arg4: memref<1x128xf32, #tpu.memory_space<vmem>>, %arg5: memref<1x128xf32, #tpu.memory_space<vmem>>, %arg6: memref<1x128xf32, #tpu.memory_space<vmem>>) attributes {dimension_semantics = [#tpu.dimension_semantics<arbitrary>], iteration_bounds = array<i64: 10>, scalar_prefetch = 0 : i64, scratch_operands = 1 : i64, tpu.core_type = #tpu.core_type<tc>, window_params = [{transform_indices = @transform_0, window_bounds = array<i64: 1000, 128>}, {transform_indices = @transform_1, window_bounds = array<i64: 2, 1000, 128>}, {pipeline_mode = #tpu.pipeline_mode<synchronous>, transform_indices = @transform_2, window_bounds = array<i64: 1, 128>}, {pipeline_mode = #tpu.pipeline_mode<synchronous>, transform_indices = @transform_3, window_bounds = array<i64: 1, 128>}, {pipeline_mode = #tpu.pipeline_mode<synchronous>, transform_indices = @transform_4, window_bounds = array<i64: 1, 128>}]} {
    %eq3A = arith.constant 0 : i32
    %eq3A_0 = arith.cmpi eq, %arg0, %eq3A : i32
    %convert_element_type3A = arith.extui %eq3A_0 : i1 to i32
    %cond3A = arith.constant 0 : i32
    %cond3A_1 = arith.cmpi ne, %convert_element_type3A, %cond3A : i32
    scf.if %cond3A_1 {
      %broadcast_in_dim3A_29 = arith.constant 0.000000e+00 : f32
      %broadcast_in_dim3A_30 = vector.broadcast %broadcast_in_dim3A_29 : f32 to vector<1x128xf32>
      %swap3A_31 = arith.constant 0 : index
      %swap3A_32 = arith.constant 0 : index
      %swap3A_33 = vector.load %arg6[%swap3A_31, %swap3A_32] : memref<1x128xf32, #tpu.memory_space<vmem>>, vector<1x128xf32>
      tpu.vector_store %arg6[%swap3A_31, %swap3A_32], %broadcast_in_dim3A_30 {strides = array<i32>} : memref<1x128xf32, #tpu.memory_space<vmem>>, vector<1x128xf32>,
    } else {
    }
    %get3A = arith.constant 0 : index
    %get3A_2 = arith.constant 0 : index
    %get3A_3 = vector.load %arg1[%get3A, %get3A_2] : memref<1000x128xf32, #tpu.memory_space<vmem>>, vector<1000x128xf32>
    %get3A_4 = arith.constant 0 : index
    %get3A_5 = arith.constant 0 : index
    %get3A_6 = arith.constant 0 : index
    %get3A_7 = vector.load %arg2[%get3A_4, %get3A_5, %get3A_6] : memref<2x1000x128xf32, #tpu.memory_space<vmem>>, vector<1x1000x128xf32>
    %get3A_8 = vector.shape_cast %get3A_7 : vector<1x1000x128xf32> to vector<1000x128xf32>
    %add3A = arith.addf %get3A_3, %get3A_8 : vector<1000x128xf32>
    %get3A_9 = arith.constant 1 : index
    %get3A_10 = arith.constant 0 : index
    %get3A_11 = arith.constant 0 : index
    %get3A_12 = vector.load %arg2[%get3A_9, %get3A_10, %get3A_11] : memref<2x1000x128xf32, #tpu.memory_space<vmem>>, vector<1x1000x128xf32>
    %get3A_13 = vector.shape_cast %get3A_12 : vector<1x1000x128xf32> to vector<1000x128xf32>
    %add3A_14 = arith.addf %add3A, %get3A_13 : vector<1000x128xf32>
    %max3A = arith.constant 0.000000e+00 : f32
    %max3A_15 = vector.broadcast %max3A : f32 to vector<1000x128xf32>
    %max3A_16 = arith.maximumf %add3A_14, %max3A_15 : vector<1000x128xf32>
    %get3A_17 = arith.constant 0 : index
    %get3A_18 = arith.constant 0 : index
    %get3A_19 = vector.load %arg6[%get3A_17, %get3A_18] : memref<1x128xf32, #tpu.memory_space<vmem>>, vector<1x128xf32>
    %reduce_sum3A = arith.constant dense<0.000000e+00> : vector<128xf32>
    %reduce_sum3A_20 = vector.multi_reduction <add>, %max3A_16, %reduce_sum3A [0] : vector<1000x128xf32> to vector<128xf32>
    %broadcast_in_dim3A = vector.shape_cast %reduce_sum3A_20 : vector<128xf32> to vector<1x128xf32>
    %add3A_21 = arith.addf %get3A_19, %broadcast_in_dim3A : vector<1x128xf32>
    %swap3A = arith.constant 0 : index
    %swap3A_22 = arith.constant 0 : index
    %swap3A_23 = vector.load %arg6[%swap3A, %swap3A_22] : memref<1x128xf32, #tpu.memory_space<vmem>>, vector<1x128xf32>
    tpu.vector_store %arg6[%swap3A, %swap3A_22], %add3A_21 {strides = array<i32>} : memref<1x128xf32, #tpu.memory_space<vmem>>, vector<1x128xf32>,
    %eq3A_24 = arith.constant 9 : i32
    %eq3A_25 = arith.cmpi eq, %arg0, %eq3A_24 : i32
    %convert_element_type3A_26 = arith.extui %eq3A_25 : i1 to i32
    %cond3A_27 = arith.constant 0 : i32
    %cond3A_28 = arith.cmpi ne, %convert_element_type3A_26, %cond3A_27 : i32
    scf.if %cond3A_28 {
      %get3A_29 = arith.constant 0 : index
      %get3A_30 = arith.constant 0 : index
      %get3A_31 = vector.load %arg6[%get3A_29, %get3A_30] : memref<1x128xf32, #tpu.memory_space<vmem>>, vector<1x128xf32>
      %get3A_32 = arith.constant 0 : index
      %get3A_33 = arith.constant 0 : index
      %get3A_34 = vector.load %arg3[%get3A_32, %get3A_33] : memref<1x128xf32, #tpu.memory_space<vmem>>, vector<1x128xf32>
      %mul3A = arith.mulf %get3A_31, %get3A_34 : vector<1x128xf32>
      %reduce_sum3A_35 = vector.shape_cast %mul3A : vector<1x128xf32> to vector<1x1x128xf32>
      %reduce_sum3A_36 = arith.constant dense<0.000000e+00> : vector<1xf32>
      %reduce_sum3A_37 = vector.multi_reduction <add>, %reduce_sum3A_35, %reduce_sum3A_36 [1, 2] : vector<1x1x128xf32> to vector<1xf32>
      %reduce_sum3A_38 = vector.shape_cast %reduce_sum3A_37 : vector<1xf32> to vector<1x1x1xf32>
      %reduce_sum3A_39 = vector.extract %reduce_sum3A_38[0, 0, 0] : f32 from vector<1x1x1xf32>
      %get3A_40 = arith.constant 0 : index
      %get3A_41 = arith.constant 0 : index
      %get3A_42 = vector.load %arg4[%get3A_40, %get3A_41] : memref<1x128xf32, #tpu.memory_space<vmem>>, vector<1x128xf32>
      %add3A_43 = vector.broadcast %reduce_sum3A_39 : f32 to vector<1x128xf32>
      %add3A_44 = arith.addf %add3A_43, %get3A_42 : vector<1x128xf32>
      %swap3A_45 = arith.constant 0 : index
      %swap3A_46 = arith.constant 0 : index
      %swap3A_47 = vector.load %arg5[%swap3A_45, %swap3A_46] : memref<1x128xf32, #tpu.memory_space<vmem>>, vector<1x128xf32>
      tpu.vector_store %arg5[%swap3A_45, %swap3A_46], %add3A_44 {strides = array<i32>} : memref<1x128xf32, #tpu.memory_space<vmem>>, vector<1x128xf32>,
    } else {
    }
    return
  }
  func.func @transform_0(%arg0: i32) -> (i32, i32) {
    %c0_i32 = arith.constant 0 : i32
    %c0_i32_0 = arith.constant 0 : i32
    return %arg0, %c0_i32 : i32, i32
  }
  func.func @transform_1(%arg0: i32) -> (i32, i32, i32) {
    %c0_i32 = arith.constant 0 : i32
    %c0_i32_0 = arith.constant 0 : i32
    %c0_i32_1 = arith.constant 0 : i32
    return %c0_i32, %arg0, %c0_i32_0 : i32, i32, i32
  }
  func.func @transform_2(%arg0: i32) -> (i32, i32) {
    %c0_i32 = arith.constant 0 : i32
    %c0_i32_0 = arith.constant 0 : i32
    %c0_i32_1 = arith.constant 0 : i32
    return %c0_i32, %c0_i32_0 : i32, i32
  }
  func.func @transform_3(%arg0: i32) -> (i32, i32) {
    %c0_i32 = arith.constant 0 : i32
    %c0_i32_0 = arith.constant 0 : i32
    %c0_i32_1 = arith.constant 0 : i32
    return %c0_i32, %c0_i32_0 : i32, i32
  }
  func.func @transform_4(%arg0: i32) -> (i32, i32) {
    %c0_i32 = arith.constant 0 : i32
    %c0_i32_0 = arith.constant 0 : i32
    %c0_i32_1 = arith.constant 0 : i32
    return %c0_i32, %c0_i32_0 : i32, i32
  }
}

</mosaic_0001>

<sc_bundles>
// kernel: kernel.10.cloned.1.call-start
scs
__scs_entry_jumppad:
0x0: {  	(pc) =	sbr.rel $0x88, $3  }
0x1: {  	(tag) =	ssettag $0x0;
	lr =	simm.s32 $0x1  }
0x2: {  	[smem:$0x3F98] =	sst lr;
	_ =	strace $0xD0000000  }
0x3: {  	_ = 	snop  }
0x4: {  	_ = 	snop  }
0x5: {  	_ = 	snop  }
0x6: {  	_ = 	snop  }
0x7: {  	_ = 	snop  }
__scs_overlays_trampoline_lowered:
0x8: {  	[smem:$0x3FA7] =	sst s0  }
0x9: {  	[smem:$0x3FA8] =	sst s1  }
0xa: {  	[smem:$0x3FA9] =	sst s2  }
0xb: {  	[smem:$0x3FAA] =	sst s3  }
0xc: {  	[smem:$0x3FAB] =	sst s4  }
0xd: {  	[smem:$0x3FAC] =	sst s5  }
0xe: {  	[smem:$0x3FAD] =	sst s6  }
0xf: {  	[smem:$0x3FAE] =	sst s7  }
0x10: {  	[smem:$0x3FAF] =	sst s8  }
0x11: {  	[smem:$0x3FB0] =	sst s9;
	s0 =	simm.s32 @!p0 $0x0  }
0x12: {  	s1 =	sld [smem:$0x3F96];
	s0 =	simm.s32 @p0 $0x1  }
0x13: {  	[smem:$0x3FB1] =	sst s0;
	s0 =	simm.s32 @!p1 $0x0  }
0x14: {  	s2 =	sld [smem:$0x3F95];
	s0 =	simm.s32 @p1 $0x1  }
0x15: {  	[smem:$0x3FB2] =	sst s0;
	s0 =	simm.s32 @!p2 $0x0  }
0x16: {  	s3 =	sld [smem:$0x3FDB];
	s0 =	simm.s32 @p2 $0x1  }
0x17: {  	s4 =	simm.s32 $0x1BF5;
	[smem:$0x3FB4] =	sst s0  }
0x18: {  	s0 =	sld [smem:$0x3F97];
	_ =	swait.ge [sflag:s4], $0x0  }
0x19: {  	s7 =	sld [smem:$0x3F98]  }
0x1a: {  	s8 =	sadd.s32 $0xFFFFE003, lr  }
0x1b: {  	s9 =	sadd.s32 $0xFFFFFEF7, lr;
	s5 =	simm.s32 $0xFFFFFFFF;
	p2 =	slt.u32 s8, $0xFFFFF086  }
0x1c: {  	p1 =	slt.u32 s9, $0xF7A;
	s5 =	simm.s32 @!p2 $0x0  }
0x1d: {  	s5 =	simm.s32 @p1 $0x1;
	p0 =	seq.s32 s7, s2  }
0x1e: {  	s7 =	smul.u32 @!p0 $0xF7A, s2;
	p2 =	seq.s32 @!p0 s5, $0x0  }
0x1f: {  	s9 =	smul.u32 $0xF7A, s1;
	s8 =	simm.s32 @!p0 $0x1BF5;
	p2 =	por !p2, p0  }
0x20: {  	[sflag:s8] =	ssyncset.s32 @!p0 $0xFFFFF086;
	s6 =	sadd.s32 @!p0 s3, s7;
	s7 =	simm.s32 @!p0 $0x108  }
0x21: {  	s3 =	sadd.s32 s3, s9;
	s6 =	sadd.s32 @!p0 $0x88, s6;
	s7 =	simm.s32 @p2 $0x1082  }
0x22: {  	[simem:s7], [sflag:s8] =	dma.local @!p0 [hbm:s6], $0xF7A  }
0x23: {  	s9 =	sor.u32 $0xD0000000, s2;
	s6 =	simm.s32 $0x108;
	_ =	swait.ge @!p0 [sflag:s8], $0x0  }
0x24: {  	s3 =	sadd.s32 $0x88, s3;
	s6 =	simm.s32 @!p1 $0x1082;
	[sflag:s4] =	ssyncset.s32 $0xFFFFF086  }
0x25: {  	[simem:s6], [sflag:s4] =	dma.local [hbm:s3], $0xF7A  }
0x26: {  	[smem:$0x3F98] =	sst s1;
	(tag) =	ssettag s2;
	_ =	strace s9  }
0x27: {  	s1 =	sld [smem:$0x3FA8]  }
0x28: {  	s2 =	sld [smem:$0x3FA9]  }
0x29: {  	s4 =	sld [smem:$0x3FAB]  }
0x2a: {  	p0 =	seq.s32 s5, $0x0;
	s5 =	sld [smem:$0x3FAC]  }
0x2b: {  	s6 =	sld [smem:$0x3FAD]  }
0x2c: {  	s7 =	sld [smem:$0x3FAE]  }
0x2d: {  	s3 =	simm.s32 $0x108;
	s8 =	sld [smem:$0x3FAF]  }
0x2e: {  	s3 =	simm.s32 @!p0 $0x1082;
	s9 =	sld [smem:$0x3FB0]  }
0x2f: {  	lr =	sadd.s32 s0, s3;
	s0 =	sld [smem:$0x3FA7]  }
0x30: {  	s3 =	sld [smem:$0x3FAA]  }
0x31: {  	[smem:$0x3FB3] =	sst s10  }
0x32: {  	s10 =	sld [smem:$0x3FB1];
	_ =	sdelay $0x3  }
0x33: {  	p0 =	seq.s32 s10, $0x1;
	s10 =	sld [smem:$0x3FB3];
	_ =	sdelay $0x3  }
0x34: {  	[smem:$0x3FB3] =	sst s10  }
0x35: {  	s10 =	sld [smem:$0x3FB2];
	_ =	sdelay $0x3  }
0x36: {  	p1 =	seq.s32 s10, $0x1;
	s10 =	sld [smem:$0x3FB3];
	_ =	sdelay $0x3  }
0x37: {  	[smem:$0x3FB3] =	sst s10  }
0x38: {  	s10 =	sld [smem:$0x3FB4]  }
0x39: {  	_ = 	snop;
	(pc) =	sbr.ind lr, $3  }
0x3a: {  	_ = 	snop  }
0x3b: {  	_ = 	snop  }
0x3c: {  	p2 =	seq.s32 s10, $0x1;
	s10 =	sld [smem:$0x3FB3]  }
0x3d: {  	_ =	shalt  }
0x3e: {  	_ =	shalt  }
0x3f: {  	_ =	shalt  }
0x40: {  	_ =	shalt  }
0x41: {  	_ =	shalt  }
0x42: {  	_ =	shalt  }
0x43: {  	_ =	shalt  }
0x44: {  	_ =	shalt  }
0x45: {  	_ =	shalt  }
0x46: {  	_ =	shalt  }
0x47: {  	_ =	shalt  }
0x48: {  	_ =	shalt  }
0x49: {  	_ =	shalt  }
0x4a: {  	_ =	shalt  }
0x4b: {  	_ =	shalt  }
0x4c: {  	_ =	shalt  }
0x4d: {  	_ =	shalt  }
0x4e: {  	_ =	shalt  }
0x4f: {  	_ =	shalt  }
0x50: {  	_ =	shalt  }
0x51: {  	_ =	shalt  }
0x52: {  	_ =	shalt  }
0x53: {  	_ =	shalt  }
0x54: {  	_ =	shalt  }
0x55: {  	_ =	shalt  }
0x56: {  	_ =	shalt  }
0x57: {  	_ =	shalt  }
0x58: {  	_ =	shalt  }
0x59: {  	_ =	shalt  }
0x5a: {  	_ =	shalt  }
0x5b: {  	_ =	shalt  }
0x5c: {  	_ =	shalt  }
0x5d: {  	_ =	shalt  }
0x5e: {  	_ =	shalt  }
0x5f: {  	_ =	shalt  }
0x60: {  	_ =	shalt  }
0x61: {  	_ =	shalt  }
0x62: {  	_ =	shalt  }
0x63: {  	_ =	shalt  }
0x64: {  	_ =	shalt  }
0x65: {  	_ =	shalt  }
0x66: {  	_ =	shalt  }
0x67: {  	_ =	shalt  }
0x68: {  	_ =	shalt  }
0x69: {  	_ =	shalt  }
0x6a: {  	_ =	shalt  }
0x6b: {  	_ =	shalt  }
0x6c: {  	_ =	shalt  }
0x6d: {  	_ =	shalt  }
0x6e: {  	_ =	shalt  }
0x6f: {  	_ =	shalt  }
0x70: {  	_ =	shalt  }
0x71: {  	_ =	shalt  }
0x72: {  	_ =	shalt  }
0x73: {  	_ =	shalt  }
0x74: {  	_ =	shalt  }
0x75: {  	_ =	shalt  }
0x76: {  	_ =	shalt  }
0x77: {  	_ =	shalt  }
0x78: {  	_ =	shalt  }
0x79: {  	_ =	shalt  }
0x7a: {  	_ =	shalt  }
0x7b: {  	_ =	shalt  }
0x7c: {  	_ =	shalt  }
0x7d: {  	_ =	shalt  }
0x7e: {  	_ =	shalt  }
0x7f: {  	_ =	shalt  }
0x80: {  	_ =	shalt  }
0x81: {  	_ =	shalt  }
0x82: {  	_ =	shalt  }
0x83: {  	_ =	shalt  }
0x84: {  	_ =	shalt  }
0x85: {  	_ =	shalt  }
0x86: {  	_ =	shalt  }
0x87: {  	_ =	shalt  }
.Lfunc_end0:
.L_simem_size_0:
called_computation.1_lowered:
.L_overlay_start_0:
0x88: {  	s2 =	sld [smem:$0x3FD9]  }
0x89: {  	s3 =	sld [smem:$0x3FFE];
	_ =	sdelay $0x1  }
0x8a: {  	s1 =	srdreg.scid  }
0x8b: {  	s0 =	sand.u32 $0x1, s1  }
0x8c: {  	s16 =	sshll.u32 s0, $0xA;
	s2 =	sadd.s32 s3, s2  }
0x8d: {  	s2 =	sadd.s32 s2, s16  }
0x8e: {  	[smem:$0x3FBF] =	sst s2  }
0x8f: {  	_ = 	snop  }
0x90: {  	(tm) =	ssettm $0x1  }
0x91: {  	s17 =	sld [smem:$0x3FFB];
	_ =	sdelay $0x3  }
0x92: {  	_ =	strace s17  }
0x93: {  	s2 =	sld [smem:$0x3FFC];
	_ =	sdelay $0x3  }
0x94: {  	_ =	strace s2  }
0x95: {  	s2 =	sld [smem:$0x3FFD];
	_ =	sdelay $0x3  }
0x96: {  	_ =	strace s2  }
0x97: {  	_ =	strace $0x8FFFFFFF  }
0x98: {  	s18 =	sld [smem:$0x3FDB];
	_ =	sdelay $0x1  }
0x99: {  	s19 =	simm.s32 $_scs_section_size  }
0x9a: {  	s4 =	simm.s32 $_size__tile_overlayer_lowered;
	s5 =	simm.s32 $_tile_overlayer_lowered  }
0x9b: {  	s22 =	simm.s32 $0x1BFF;
	s21 =	sshll.u32 s5, $0x1;
	s2 =	sadd.s32 s19, s18  }
0x9c: {  	s6 =	simm.s32 $0x0;
	s20 =	sshll.u32 s4, $0x1;
	s4 =	sadd.s32 s21, s2  }
0x9d: {  	[timem:s6], [sflag:s22] =	dma.local [hbm:s4], s20  }
0x9e: {  	_ =	swait.ge [sflag:s22], s20  }
0x9f: {  	s3 =	ssub.s32 $0x0, s20;
	[sflag:s22] =	ssyncset.done $0x0  }
0xa0: {  	[sflag:s22] =	ssyncadd.s32 s3;
	_ =	sdelay $0x1  }
0xa1: {  	s23 =	simm.s32 $0x1B8B  }
0xa2: {  	_ =	swait.ge [sflag:s23], $0x1  }
0xa3: {  	[sflag:s23] =	ssyncset.done $0x0  }
0xa4: {  	s25 =	simm.s32 $0x1B8E;
	s24 =	sld [smem:$0x3FFE];
	[sflag:s23] =	ssyncadd.s32 $0xFFFFFFFF  }
0xa5: {  	s26 =	simm.s32 $execute0_lowered;
	[smem:$0x3FD2] =	sst s25  }
0xa6: {  	s4 =	sshll.u32 s26, $0x1;
	_ =	strace $0x80000049;
	[dreg:$0x1] =	wrdreg $0xFFFFFFFF  }
0xa7: {  	s28 =	simm.s32 $_size_execute0_lowered;
	s2 =	sadd.s32 s2, s4;
	[dreg:$0x0] =	wrdreg $0x0  }
0xa8: {  	s4 =	sshll.u32 s28, $0x1;
	[dreg:$0x2] =	wrdreg s2  }
0xa9: {  	[dreg:$0x3] =	wrdreg s4  }
0xaa: {  	[dreg:$0x4] =	wrdreg $0xC0  }
0xab: {  	_ =	task [dreg:s6], $0x5FFFF  }
0xac: {  	[dreg:$0x1] =	wrdreg $0xFFFFFFFF  }
0xad: {  	[dreg:$0x0] =	wrdreg $0x60  }
0xae: {  	[dreg:$0x2] =	wrdreg s24  }
0xaf: {  	[dreg:$0x3] =	wrdreg $0x61800  }
0xb0: {  	[dreg:$0x4] =	wrdreg $0x9  }
0xb1: {  	_ =	task.clear_ibuf [dreg:s6], $0x5FFFF;
	_ =	strace $0x90000049  }
0xb2: {  	s29 =	simm.s32 $0x9;
	_ =	strace $0x8000004B  }
0xb3: {  	_ =	swait.ge [sflag:s29], $0x1  }
0xb4: {  	[sflag:s29] =	ssyncadd.s32 $0xFFFFFFFF  }
0xb5: {  	_ =	strace $0x9000004B  }
0xb6: {  	_ =	sfence  }
0xb7: {  	s30 =	sld [smem:$0x0];
	_ =	sdelay $0x2  }
0xb8: {  	s31 =	sshll.u32 s1, $0xD;
	s1 =	sshrl.u32 s1, $0x2  }
0xb9: {  	s3 =	sand.u32 $0x4000, s31;
	s1 =	sadd.s32 s1, s30  }
0xba: {  	s0 =	sor.u32 s3, s0;
	s1 =	sshll.u32 s1, $0x11  }
0xbb: {  	s0 =	sor.u32 s1, s0  }
0xbc: {  	s0 =	sadd.s32 $0x8F2B, s0  }
0xbd: {  	[sflag:s0] =	ssyncadd.remote.s32 $0x1  }
0xbe: {  	_ =	sfence.sel $0xFFFF  }
0xbf: {  	[dreg:$0x0] =	wrdreg $0xFFFFFFFF;
	(pc) =	sbr.abs _section_cstart, $3  }
0xc0: {  	[dreg:$0x1] =	wrdreg $0xFFFFFFFF  }
0xc1: {  	_ =	task.clear_ibuf [dreg:s6], $0x2FFFF;
	_ =	strace $0x9FFFFFFF  }
0xc2: {  	(tm) =	ssettm $0x7FFFFFFF  }
0xc3: {  	_ =	shalt  }
tec
execute0_lowered:
.L_overlay_start_1:
0x0: {  	(tag) =	ssettag $0x1  }
0x1: {  	s0 =	rddreg [dreg:$0x0]  }
0x2: {  	s2 =	rddreg [dreg:$0x1];
	s3 =	simm.s32 $0x0  }
0x3: {  	s20 =	stileid.u32;
	s5 =	srdreg.scid;
	s15 =	simm.s32 $0x5  }
0x4: {  	s28 =	simm.s32 $0x3;
	s29 =	simm.s32 $0x2;
	s30 =	simm.s32 $0x100  }
0x5: {  	[smem:$0x7FF] =	sst s3;
	s1 =	smul.u32 $0x2800, s20;
	s7 =	sadd.s32 $0xF57E00, s0  }
0x6: {  	s4 =	sadd.s32 $0xBC00, s0;
	s8 =	sand.u32 $0x1, s5;
	s9 =	sshll.u32 s20, $0x1  }
0x7: {  	s10 =	smul.u32 $0x50000, s20;
	s5 =	sadd.s32 $0x3CC00, s0;
	p0 =	seq.s32 s20, $0xF  }
0x8: {  	s26 =	smul.u32 $0x4E200, s20;
	_ =	strace $0x8000004A;
	s6 =	ssub.s32 $0x2, s8  }
0x9: {  	s9 =	sor.u32 s8, s9;
	s15 =	simm.s32 @!p0 $0x8;
	s1 =	sadd.s32 s1, s0  }
0xa: {  	s11 =	sshrl.u32 s6, $0x1;
	s12 =	smul.u32 $0x2710, s9;
	s17 =	sshrl.u32 s10, $0x2  }
0xb: {  	s18 =	smul.u32 $0x27100, s9;
	s0 =	sadd.s32 $0x3B200, s0;
	s16 =	ssub.s32 s6, s11  }
0xc: {  	s6 =	sadd.s32 s17, s2;
	s1 =	sadd.s32 $0x15A00, s1;
	[dreg:$0x4] =	wrdreg s0  }
0xd: {  	s17 =	smul.u32 $0x138800, s8;
	[dreg:$0x3] =	wrdreg s1;
	s1 =	sadd.s32 $0x12C000, s2  }
0xe: {  	s13 =	sadd.s32 $0x60, s12;
	s19 =	sshrl.u32 s12, $0x3;
	s22 =	sadd.s32 s7, s18  }
0xf: {  	s14 =	sadd.s32 $0x2700, s12;
	s18 =	smul.u32 $0x4E20, s20;
	s16 =	smax.u32 s16, $0x1  }
0x10: {  	s20 =	smul.u32 $0x14000, s20;
	s21 =	sshrl.u32 s13, $0x3;
	s0 =	sadd.s32 s4, s19  }
0x11: {  	[dreg:$0x6] =	wrdreg s22;
	s23 =	sshll.u32 s13, $0x4;
	s19 =	smul.u32 $0x2710, s8  }
0x12: {  	s24 =	sshrl.u32 s14, $0x3;
	s25 =	sshll.u32 s14, $0x4;
	s8 =	smul.u32 $0x27100, s8  }
0x13: {  	s22 =	simm.s32 $0x180;
	[dreg:$0x5] =	wrdreg s0;
	s11 =	sadd.s32 s4, s21  }
0x14: {  	s12 =	sadd.s32 s7, s23;
	s13 =	sadd.s32 s4, s24;
	s14 =	sadd.s32 s7, s25  }
0x15: {  	s0 =	sadd.s32 s26, s7;
	s20 =	sadd.s32 s20, s17;
	s21 =	sshrl.u32 @p0 s1, $0x3  }
0x16: {  	s23 =	simm.s32 $0x80;
	s24 =	simm.s32 $0x3180;
	s19 =	sadd.s32 s19, s18  }
0x17: {  	s25 =	simm.s32 $0x1;
	s0 =	sadd.s32 s8, s0;
	s31 =	sadd.s32 $0x120, s19  }
0x18: {  	s26 =	simm.s32 $0x60;
	s8 =	sadd.s32 $0x1200, s0;
	s7 =	sshrl.u32 s31, $0x3  }
0x19: {  	s19 =	sadd.s32 $0xC0, s19;
	s0 =	simm.s32 $0x0;
	s18 =	sadd.s32 s7, s4  }
.LBB2_1:
0x1a: {  	s1 =	simm.s32 @p0 $0x1FC3;
	s7 =	rddreg [dreg:$0x4]  }
0x1b: {  	[spmem:s21], [sflag:s1] =	dma.local @p0 [hbm:s7], $0x1900  }
0x1c: {  	s1 =	simm.s32 @p0 $0x3  }
0x1d: {  	s7 =	stileid.u32;
	_ =	swait.ge @p0 [sflag:s1], $0x1900  }
0x1e: {  	s7 =	sshll.u32 @!p0 s7, $0x6;
	[sflag:s1] =	ssyncset.done @p0 $0x0;
	s9 =	rddreg [dreg:$0x3]  }
0x1f: {  	[sflag:s1] =	ssyncadd.s32 @p0 $0xFFFFE700;
	s1 =	sor.u32 @!p0 $0x1C03, s7;
	s7 =	sshrl.u32 @!p0 s6, $0x3  }
0x20: {  	[spmem:s7], [sflag:s1] =	dma.local @!p0 [hbm:s9], $0x2800  }
0x21: {  	s1 =	simm.s32 @!p0 $0x3  }
0x22: {  	_ =	swait.ge @!p0 [sflag:s1], $0x2800  }
0x23: {  	[sflag:s1] =	ssyncset.done @!p0 $0x0  }
0x24: {  	[sflag:s1] =	ssyncadd.s32 @!p0 $0xFFFFD800  }
0x25: {  	[bflag:$0x0] =	sbarrier.arrive $0xFFFF  }
0x26: {  	s17 =	rddreg [dreg:$0x5]  }
0x27: {  	[tilespmem:s3], [sflag:$0x1] =	stream.linear.gather [hbm4b:s17+s3], $0x60, $0x38;
	[tilespmem:$0x19A00] =	vst v63  }
0x28: {  	s7 =	rddreg [dreg:$0x6]  }
0x29: {  	[tilespmem:s22], [sflag:$0x1] =	stream.linear.gather [hbm4b:s7+s3], $0x3000, $0x38;
	[tilespmem:$0x19A00] =	vst v63  }
0x2a: {  	_ = 	snop  }
0x2b: {  	[tilespmem:s23], [sflag:$0x2] =	stream.linear.gather [hbm4b:s11+s3], $0x60, $0x38;
	[tilespmem:$0x19A00] =	vst v63  }
0x2c: {  	_ = 	snop  }
0x2d: {  	[tilespmem:s24], [sflag:$0x2] =	stream.linear.gather [hbm4b:s12+s3], $0x3000, $0x38;
	[tilespmem:$0x19A00] =	vst v63  }
0x2e: {  	_ =	swait.ge [sflag:s25], $0x60  }
0x2f: {  	[sflag:s25] =	ssyncset.done $0x0  }
0x30: {  	[sflag:s25] =	ssyncadd.s32 $0xFFFFFFA0  }
0x31: {  	_ =	swait.ge [sflag:s25], $0x3000  }
0x32: {  	[sflag:s25] =	ssyncset.done $0x0  }
0x33: {  	[sflag:s25] =	ssyncadd.s32 $0xFFFFD000  }
0x34: {  	[spmem:s2] =	stream.indirect.scatter.add.f32 [tilespmem:s22], [sflag:$0x3], $0x80, s3, s26, $0xb8;
	[tilespmem:$0x19A00] =	vst v63  }
0x35: {  	_ =	swait.ge [sflag:s28], $0x3000  }
0x36: {  	s9 =	sshrl.u32 s19, $0x3;
	[sflag:s28] =	ssyncset.done $0x0  }
0x37: {  	s1 =	sadd.s32 s4, s9;
	[sflag:s28] =	ssyncadd.s32 $0xFFFFD000  }
0x38: {  	[tilespmem:s3], [sflag:$0x1] =	stream.linear.gather [hbm4b:s1+s3], $0x60, $0x38;
	[tilespmem:$0x19A00] =	vst v63  }
0x39: {  	s10 =	sadd.s32 $0xFFFFFA00, s8  }
0x3a: {  	[tilespmem:s22], [sflag:$0x1] =	stream.linear.gather [hbm4b:s10+s3], $0x3000, $0x38;
	[tilespmem:$0x19A00] =	vst v63  }
0x3b: {  	_ =	swait.ge [sflag:s29], $0x60  }
0x3c: {  	[sflag:s29] =	ssyncset.done $0x0  }
0x3d: {  	[sflag:s29] =	ssyncadd.s32 $0xFFFFFFA0  }
0x3e: {  	_ =	swait.ge [sflag:s29], $0x3000  }
0x3f: {  	[sflag:s29] =	ssyncset.done $0x0  }
0x40: {  	[sflag:s29] =	ssyncadd.s32 $0xFFFFD000  }
0x41: {  	[spmem:s2] =	stream.indirect.scatter.add.f32 [tilespmem:s24], [sflag:$0x3], $0x80, s23, s26, $0xb8;
	[tilespmem:$0x19A00] =	vst v63  }
0x42: {  	_ =	swait.ge [sflag:s28], $0x3000  }
0x43: {  	[sflag:s28] =	ssyncset.done $0x0  }
0x44: {  	s31 =	sadd.s32 $0xC00, s8;
	s17 =	sadd.s32 $0x0, s18;
	[sflag:s28] =	ssyncadd.s32 $0xFFFFD000  }
0x45: {  	[tilespmem:s23], [sflag:$0x2] =	stream.linear.gather [hbm4b:s17+s3], $0x60, $0x38;
	[tilespmem:$0x19A00] =	vst v63  }
0x46: {  	s7 =	sadd.s32 $0xC0, s19;
	s1 =	simm.s32 $0x18;
	s17 =	smov.u32 s8  }
.LBB2_2:
0x47: {  	[tilespmem:s24], [sflag:$0x2] =	stream.linear.gather [hbm4b:s17+s3], $0x3000, $0x38;
	[tilespmem:$0x19A00] =	vst v63  }
0x48: {  	s9 =	smov.u32 s1;
	s17 =	smov.u32 s31  }
0x49: {  	p1 =	sne.s32 s1, $0x4B0;
	s1 =	sadd.s32 $0x18, s1;
	_ =	swait.ge [sflag:s25], $0x60  }
0x4a: {  	[sflag:s25] =	ssyncset.done $0x0  }
0x4b: {  	[sflag:s25] =	ssyncadd.s32 $0xFFFFFFA0  }
0x4c: {  	_ =	swait.ge [sflag:s25], $0x3000  }
0x4d: {  	[sflag:s25] =	ssyncset.done $0x0  }
0x4e: {  	[sflag:s25] =	ssyncadd.s32 $0xFFFFD000  }
0x4f: {  	[spmem:s2] =	stream.indirect.scatter.add.f32 [tilespmem:s22], [sflag:$0x3], $0x80, s3, s26, $0xb8;
	[tilespmem:$0x19A00] =	vst v63  }
0x50: {  	_ =	swait.ge [sflag:s28], $0x3000  }
0x51: {  	s10 =	sshrl.u32 s7, $0x3;
	[sflag:s28] =	ssyncset.done $0x0  }
0x52: {  	s10 =	sadd.s32 s4, s10;
	[sflag:s28] =	ssyncadd.s32 $0xFFFFD000  }
0x53: {  	[tilespmem:s3], [sflag:$0x1] =	stream.linear.gather [hbm4b:s10+s3], $0x60, $0x38;
	[tilespmem:$0x19A00] =	vst v63  }
0x54: {  	s10 =	sadd.s32 $0xFFFFFA00, s31  }
0x55: {  	[tilespmem:s22], [sflag:$0x1] =	stream.linear.gather [hbm4b:s10+s3], $0x3000, $0x38;
	[tilespmem:$0x19A00] =	vst v63  }
0x56: {  	_ =	swait.ge [sflag:s29], $0x60  }
0x57: {  	[sflag:s29] =	ssyncset.done $0x0  }
0x58: {  	[sflag:s29] =	ssyncadd.s32 $0xFFFFFFA0  }
0x59: {  	_ =	swait.ge [sflag:s29], $0x3000  }
0x5a: {  	[sflag:s29] =	ssyncset.done $0x0  }
0x5b: {  	[sflag:s29] =	ssyncadd.s32 $0xFFFFD000  }
0x5c: {  	[spmem:s2] =	stream.indirect.scatter.add.f32 [tilespmem:s24], [sflag:$0x3], $0x80, s23, s26, $0xb8;
	[tilespmem:$0x19A00] =	vst v63  }
.Ltmp0:
0x5d: {  	_ =	swait.ge [sflag:s28], $0x3000;
	(pc) =	sbr.rel @p1 .LBB2_2-.Ltmp0, $4  }
0x5e: {  	[sflag:s28] =	ssyncset.done $0x0  }
0x5f: {  	s9 =	sadd.s32 s9, s18;
	[sflag:s28] =	ssyncadd.s32 $0xFFFFD000  }
0x60: {  	[tilespmem:s23], [sflag:$0x2] =	stream.linear.gather [hbm4b:s9+s3], $0x60, $0x38;
	[tilespmem:$0x19A00] =	vst v63  }
0x61: {  	s7 =	sadd.s32 $0xC0, s7;
	s31 =	sadd.s32 $0xC00, s31  }
0x62: {  	[tilespmem:s24], [sflag:$0x2] =	stream.linear.gather [hbm4b:s17+s3], $0x3000, $0x38;
	[tilespmem:$0x19A00] =	vst v63  }
0x63: {  	_ =	swait.ge [sflag:s25], $0x60  }
0x64: {  	[sflag:s25] =	ssyncset.done $0x0  }
0x65: {  	[sflag:s25] =	ssyncadd.s32 $0xFFFFFFA0  }
0x66: {  	_ =	swait.ge [sflag:s25], $0x3000  }
0x67: {  	[sflag:s25] =	ssyncset.done $0x0  }
0x68: {  	[sflag:s25] =	ssyncadd.s32 $0xFFFFD000  }
0x69: {  	[spmem:s2] =	stream.indirect.scatter.add.f32 [tilespmem:s22], [sflag:$0x3], $0x80, s3, s26, $0xb8;
	[tilespmem:$0x19A00] =	vst v63  }
0x6a: {  	_ =	swait.ge [sflag:s28], $0x3000  }
0x6b: {  	[sflag:s28] =	ssyncset.done $0x0  }
0x6c: {  	[sflag:s28] =	ssyncadd.s32 $0xFFFFD000  }
0x6d: {  	_ =	swait.ge [sflag:s29], $0x60  }
0x6e: {  	[sflag:s29] =	ssyncset.done $0x0  }
0x6f: {  	[sflag:s29] =	ssyncadd.s32 $0xFFFFFFA0  }
0x70: {  	_ =	swait.ge [sflag:s29], $0x3000  }
0x71: {  	[sflag:s29] =	ssyncset.done $0x0  }
0x72: {  	[sflag:s29] =	ssyncadd.s32 $0xFFFFD000  }
0x73: {  	[spmem:s2] =	stream.indirect.scatter.add.f32 [tilespmem:s24], [sflag:$0x3], $0x80, s23, s26, $0xb8;
	[tilespmem:$0x19A00] =	vst v63  }
0x74: {  	_ =	swait.ge [sflag:s28], $0x3000  }
0x75: {  	[sflag:s28] =	ssyncset.done $0x0  }
0x76: {  	[sflag:s28] =	ssyncadd.s32 $0xFFFFD000  }
0x77: {  	[tilespmem:s30], [sflag:$0x3] =	stream.linear.gather [hbm4b:s13+s3], $0x10, $0x38;
	[tilespmem:$0x19A00] =	vst v63  }
0x78: {  	_ =	swait.ge [sflag:s28], $0x10  }
0x79: {  	[sflag:s28] =	ssyncset.done $0x0  }
0x7a: {  	[sflag:s28] =	ssyncadd.s32 $0xFFFFFFF0  }
0x7b: {  	[tilespmem:s22], [sflag:$0x3] =	stream.linear.gather [hbm4b:s14+s3], $0x800, $0x38;
	[tilespmem:$0x19A00] =	vst v63  }
0x7c: {  	_ =	swait.ge [sflag:s28], $0x800  }
0x7d: {  	[sflag:s28] =	ssyncset.done $0x0  }
0x7e: {  	s1 =	simm.s32 $0x10;
	[sflag:s28] =	ssyncadd.s32 $0xFFFFF800  }
0x7f: {  	[spmem:s2] =	stream.indirect.scatter.add.f32 [tilespmem:s22], [sflag:$0x3], $0x80, s30, s1, $0xb8;
	[tilespmem:$0x19A00] =	vst v63  }
0x80: {  	_ =	swait.ge [sflag:s28], $0x800  }
0x81: {  	[sflag:s28] =	ssyncset.done $0x0  }
0x82: {  	[sflag:s28] =	ssyncadd.s32 $0xFFFFF800  }
0x83: {  	[bflag:$0x0] =	sbarrier.arrive $0xFFFF  }
0x84: {  	[tilespmem:s22], [sflag:$0x3] =	stream.linear.gather [spmem:s6], $0x2800, $0x38;
	[tilespmem:$0x19A00] =	vst v63  }
0x85: {  	p1 =	sne.s32 s15, $0x1;
	_ =	swait.ge [sflag:s28], $0x2800  }
.Ltmp1:
0x86: {  	s31 =	sshrl.u32 s20, $0x3;
	[sflag:s28] =	ssyncset.done $0x0;
	(pc) =	sbr.rel @!p1 .LBB2_5-.Ltmp1, $4  }
0x87: {  	s1 =	sadd.s32 s5, s31;
	[sflag:s28] =	ssyncadd.s32 $0xFFFFD800  }
0x88: {  	[hbm4b:s1+s3] =	stream.linear.scatter [tilespmem:s22], [sflag:$0x3], $0x2800, $0x38;
	[tilespmem:$0x19A00] =	vst v63  }
0x89: {  	s7 =	smov.u32 s20;
	_ =	swait.ge [sflag:s28], $0x2800  }
0x8a: {  	s17 =	smov.u32 s6;
	s1 =	sadd.s32 $0xFFFFFFFF, s15;
	[sflag:s28] =	ssyncset.done $0x0  }
.LBB2_4:
0x8b: {  	[sflag:s28] =	ssyncadd.s32 $0xFFFFD800;
	s7 =	sadd.s32 $0x2800, s7;
	s17 =	sadd.s32 $0x2800, s17  }
0x8c: {  	[tilespmem:s22], [sflag:$0x3] =	stream.linear.gather [spmem:s17], $0x2800, $0x38;
	[tilespmem:$0x19A00] =	vst v63  }
0x8d: {  	p1 =	sne.s32 s1, $0x1;
	s1 =	sadd.s32 $0xFFFFFFFF, s1;
	_ =	swait.ge [sflag:s28], $0x2800  }
.Ltmp2:
0x8e: {  	s9 =	sshrl.u32 s7, $0x3;
	[sflag:s28] =	ssyncset.done $0x0;
	(pc) =	sbr.rel @p1 .LBB2_4-.Ltmp2, $4  }
0x8f: {  	s9 =	sadd.s32 s5, s9;
	[sflag:s28] =	ssyncadd.s32 $0xFFFFD800  }
0x90: {  	[hbm4b:s9+s3] =	stream.linear.scatter [tilespmem:s22], [sflag:$0x3], $0x2800, $0x38;
	[tilespmem:$0x19A00] =	vst v63  }
0x91: {  	_ =	swait.ge [sflag:s28], $0x2800  }
0x92: {  	[sflag:s28] =	ssyncset.done $0x0  }
.LBB2_5:
0x93: {  	s0 =	sadd.s32 $0x1, s0  }
0x94: {  	p1 =	sne.s32 s0, s16  }
.Ltmp3:
0x95: {  	_ = 	snop;
	(pc) =	sbr.rel @p1 .LBB2_1-.Ltmp3, $2  }
0x96: {  	_ =	sdelay $0x2  }
0x97: {  	[sflag:s28] =	ssyncadd.s32 $0xFFFFD800  }
0x98: {  	_ =	sfence.sel $0x180000  }
0x99: {  	[bflag:$0x0] =	sbarrier.arrive $0xFFFF  }
0x9a: {  	_ =	strace $0x9000004A  }
0x9b: {  	s0 =	stileid.u32;
	[bflag:$0x2] =	sbarrier.arrive $0xFFFF  }
0x9c: {  	p0 =	sne.s32 s0, $0x0;
	s0 =	rddreg [dreg:$0x2]  }
0x9d: {  	s0 =	sadd.s32 @!p0 $0x100000, s0  }
0x9e: {  	[sflag:s0] =	ssyncadd.tile.s32 @!p0 $0x1;
	_ =	shalt  }
.Lfunc_end2:
_tile_overlayer_lowered:
.L_overlay_start_2:
0x9f: {  	(tag) =	ssettag $0x2  }
0xa0: {  	s0 =	rddreg [dreg:$0x0];
	s2 =	stileid.u32  }
0xa1: {  	s1 =	rddreg [dreg:$0x1];
	p0 =	sne.s32 s2, $0x0  }
0xa2: {  	s3 =	rddreg [dreg:$0x2];
	[bflag:$0x3] =	sbarrier.arrive $0xFFFF;
	s2 =	simm.s32 @!p0 $0x1C03  }
0xa3: {  	[timem:s3], [sflag:s2] =	dma.local @!p0 [hbm:s0], s1  }
0xa4: {  	s0 =	simm.s32 @!p0 $0x3  }
0xa5: {  	_ =	swait.ge @!p0 [sflag:s0], s1  }
0xa6: {  	s1 =	ssub.s32 @!p0 $0x0, s1;
	[sflag:s0] =	ssyncset.done @!p0 $0x0  }
0xa7: {  	[sflag:s0] =	ssyncadd.s32 @!p0 s1  }
0xa8: {  	[bflag:$0x3] =	sbarrier.arrive $0xFFFF  }
0xa9: {  	_ =	shalt  }

// kernel: kernel.7.cloned.1.call-start
scs
__scs_entry_jumppad:
0x0: {  	(pc) =	sbr.rel $0x88, $3  }
0x1: {  	(tag) =	ssettag $0x0;
	lr =	simm.s32 $0x1  }
0x2: {  	[smem:$0x3F98] =	sst lr;
	_ =	strace $0xD0000000  }
0x3: {  	_ = 	snop  }
0x4: {  	_ = 	snop  }
0x5: {  	_ = 	snop  }
0x6: {  	_ = 	snop  }
0x7: {  	_ = 	snop  }
__scs_overlays_trampoline_lowered:
0x8: {  	[smem:$0x3FA7] =	sst s0  }
0x9: {  	[smem:$0x3FA8] =	sst s1  }
0xa: {  	[smem:$0x3FA9] =	sst s2  }
0xb: {  	[smem:$0x3FAA] =	sst s3  }
0xc: {  	[smem:$0x3FAB] =	sst s4  }
0xd: {  	[smem:$0x3FAC] =	sst s5  }
0xe: {  	[smem:$0x3FAD] =	sst s6  }
0xf: {  	[smem:$0x3FAE] =	sst s7  }
0x10: {  	[smem:$0x3FAF] =	sst s8  }
0x11: {  	[smem:$0x3FB0] =	sst s9;
	s0 =	simm.s32 @!p0 $0x0  }
0x12: {  	s1 =	sld [smem:$0x3F96];
	s0 =	simm.s32 @p0 $0x1  }
0x13: {  	[smem:$0x3FB1] =	sst s0;
	s0 =	simm.s32 @!p1 $0x0  }
0x14: {  	s2 =	sld [smem:$0x3F95];
	s0 =	simm.s32 @p1 $0x1  }
0x15: {  	[smem:$0x3FB2] =	sst s0;
	s0 =	simm.s32 @!p2 $0x0  }
0x16: {  	s3 =	sld [smem:$0x3FDB];
	s0 =	simm.s32 @p2 $0x1  }
0x17: {  	s4 =	simm.s32 $0x1BF5;
	[smem:$0x3FB4] =	sst s0  }
0x18: {  	s0 =	sld [smem:$0x3F97];
	_ =	swait.ge [sflag:s4], $0x0  }
0x19: {  	s7 =	sld [smem:$0x3F98]  }
0x1a: {  	s8 =	sadd.s32 $0xFFFFE003, lr  }
0x1b: {  	s9 =	sadd.s32 $0xFFFFFEF7, lr;
	s5 =	simm.s32 $0xFFFFFFFF;
	p2 =	slt.u32 s8, $0xFFFFF086  }
0x1c: {  	p1 =	slt.u32 s9, $0xF7A;
	s5 =	simm.s32 @!p2 $0x0  }
0x1d: {  	s5 =	simm.s32 @p1 $0x1;
	p0 =	seq.s32 s7, s2  }
0x1e: {  	s7 =	smul.u32 @!p0 $0xF7A, s2;
	p2 =	seq.s32 @!p0 s5, $0x0  }
0x1f: {  	s9 =	smul.u32 $0xF7A, s1;
	s8 =	simm.s32 @!p0 $0x1BF5;
	p2 =	por !p2, p0  }
0x20: {  	[sflag:s8] =	ssyncset.s32 @!p0 $0xFFFFF086;
	s6 =	sadd.s32 @!p0 s3, s7;
	s7 =	simm.s32 @!p0 $0x108  }
0x21: {  	s3 =	sadd.s32 s3, s9;
	s6 =	sadd.s32 @!p0 $0x88, s6;
	s7 =	simm.s32 @p2 $0x1082  }
0x22: {  	[simem:s7], [sflag:s8] =	dma.local @!p0 [hbm:s6], $0xF7A  }
0x23: {  	s9 =	sor.u32 $0xD0000000, s2;
	s6 =	simm.s32 $0x108;
	_ =	swait.ge @!p0 [sflag:s8], $0x0  }
0x24: {  	s3 =	sadd.s32 $0x88, s3;
	s6 =	simm.s32 @!p1 $0x1082;
	[sflag:s4] =	ssyncset.s32 $0xFFFFF086  }
0x25: {  	[simem:s6], [sflag:s4] =	dma.local [hbm:s3], $0xF7A  }
0x26: {  	[smem:$0x3F98] =	sst s1;
	(tag) =	ssettag s2;
	_ =	strace s9  }
0x27: {  	s1 =	sld [smem:$0x3FA8]  }
0x28: {  	s2 =	sld [smem:$0x3FA9]  }
0x29: {  	s4 =	sld [smem:$0x3FAB]  }
0x2a: {  	p0 =	seq.s32 s5, $0x0;
	s5 =	sld [smem:$0x3FAC]  }
0x2b: {  	s6 =	sld [smem:$0x3FAD]  }
0x2c: {  	s7 =	sld [smem:$0x3FAE]  }
0x2d: {  	s3 =	simm.s32 $0x108;
	s8 =	sld [smem:$0x3FAF]  }
0x2e: {  	s3 =	simm.s32 @!p0 $0x1082;
	s9 =	sld [smem:$0x3FB0]  }
0x2f: {  	lr =	sadd.s32 s0, s3;
	s0 =	sld [smem:$0x3FA7]  }
0x30: {  	s3 =	sld [smem:$0x3FAA]  }
0x31: {  	[smem:$0x3FB3] =	sst s10  }
0x32: {  	s10 =	sld [smem:$0x3FB1];
	_ =	sdelay $0x3  }
0x33: {  	p0 =	seq.s32 s10, $0x1;
	s10 =	sld [smem:$0x3FB3];
	_ =	sdelay $0x3  }
0x34: {  	[smem:$0x3FB3] =	sst s10  }
0x35: {  	s10 =	sld [smem:$0x3FB2];
	_ =	sdelay $0x3  }
0x36: {  	p1 =	seq.s32 s10, $0x1;
	s10 =	sld [smem:$0x3FB3];
	_ =	sdelay $0x3  }
0x37: {  	[smem:$0x3FB3] =	sst s10  }
0x38: {  	s10 =	sld [smem:$0x3FB4]  }
0x39: {  	_ = 	snop;
	(pc) =	sbr.ind lr, $3  }
0x3a: {  	_ = 	snop  }
0x3b: {  	_ = 	snop  }
0x3c: {  	p2 =	seq.s32 s10, $0x1;
	s10 =	sld [smem:$0x3FB3]  }
0x3d: {  	_ =	shalt  }
0x3e: {  	_ =	shalt  }
0x3f: {  	_ =	shalt  }
0x40: {  	_ =	shalt  }
0x41: {  	_ =	shalt  }
0x42: {  	_ =	shalt  }
0x43: {  	_ =	shalt  }
0x44: {  	_ =	shalt  }
0x45: {  	_ =	shalt  }
0x46: {  	_ =	shalt  }
0x47: {  	_ =	shalt  }
0x48: {  	_ =	shalt  }
0x49: {  	_ =	shalt  }
0x4a: {  	_ =	shalt  }
0x4b: {  	_ =	shalt  }
0x4c: {  	_ =	shalt  }
0x4d: {  	_ =	shalt  }
0x4e: {  	_ =	shalt  }
0x4f: {  	_ =	shalt  }
0x50: {  	_ =	shalt  }
0x51: {  	_ =	shalt  }
0x52: {  	_ =	shalt  }
0x53: {  	_ =	shalt  }
0x54: {  	_ =	shalt  }
0x55: {  	_ =	shalt  }
0x56: {  	_ =	shalt  }
0x57: {  	_ =	shalt  }
0x58: {  	_ =	shalt  }
0x59: {  	_ =	shalt  }
0x5a: {  	_ =	shalt  }
0x5b: {  	_ =	shalt  }
0x5c: {  	_ =	shalt  }
0x5d: {  	_ =	shalt  }
0x5e: {  	_ =	shalt  }
0x5f: {  	_ =	shalt  }
0x60: {  	_ =	shalt  }
0x61: {  	_ =	shalt  }
0x62: {  	_ =	shalt  }
0x63: {  	_ =	shalt  }
0x64: {  	_ =	shalt  }
0x65: {  	_ =	shalt  }
0x66: {  	_ =	shalt  }
0x67: {  	_ =	shalt  }
0x68: {  	_ =	shalt  }
0x69: {  	_ =	shalt  }
0x6a: {  	_ =	shalt  }
0x6b: {  	_ =	shalt  }
0x6c: {  	_ =	shalt  }
0x6d: {  	_ =	shalt  }
0x6e: {  	_ =	shalt  }
0x6f: {  	_ =	shalt  }
0x70: {  	_ =	shalt  }
0x71: {  	_ =	shalt  }
0x72: {  	_ =	shalt  }
0x73: {  	_ =	shalt  }
0x74: {  	_ =	shalt  }
0x75: {  	_ =	shalt  }
0x76: {  	_ =	shalt  }
0x77: {  	_ =	shalt  }
0x78: {  	_ =	shalt  }
0x79: {  	_ =	shalt  }
0x7a: {  	_ =	shalt  }
0x7b: {  	_ =	shalt  }
0x7c: {  	_ =	shalt  }
0x7d: {  	_ =	shalt  }
0x7e: {  	_ =	shalt  }
0x7f: {  	_ =	shalt  }
0x80: {  	_ =	shalt  }
0x81: {  	_ =	shalt  }
0x82: {  	_ =	shalt  }
0x83: {  	_ =	shalt  }
0x84: {  	_ =	shalt  }
0x85: {  	_ =	shalt  }
0x86: {  	_ =	shalt  }
0x87: {  	_ =	shalt  }
.Lfunc_end0:
.L_simem_size_0:
called_computation_lowered:
.L_overlay_start_0:
0x88: {  	s2 =	sld [smem:$0x3FD9]  }
0x89: {  	s3 =	sld [smem:$0x3FFE];
	_ =	sdelay $0x1  }
0x8a: {  	s1 =	srdreg.scid  }
0x8b: {  	s0 =	sand.u32 $0x1, s1  }
0x8c: {  	s16 =	sshll.u32 s0, $0xA;
	s2 =	sadd.s32 s3, s2  }
0x8d: {  	s2 =	sadd.s32 s2, s16  }
0x8e: {  	[smem:$0x3FBF] =	sst s2  }
0x8f: {  	_ = 	snop  }
0x90: {  	(tm) =	ssettm $0x1  }
0x91: {  	s17 =	sld [smem:$0x3FFB];
	_ =	sdelay $0x3  }
0x92: {  	_ =	strace s17  }
0x93: {  	s2 =	sld [smem:$0x3FFC];
	_ =	sdelay $0x3  }
0x94: {  	_ =	strace s2  }
0x95: {  	s2 =	sld [smem:$0x3FFD];
	_ =	sdelay $0x3  }
0x96: {  	_ =	strace s2  }
0x97: {  	_ =	strace $0x8FFFFFFF  }
0x98: {  	s18 =	sld [smem:$0x3FDB];
	_ =	sdelay $0x1  }
0x99: {  	s19 =	simm.s32 $_scs_section_size  }
0x9a: {  	s4 =	simm.s32 $_size__tile_overlayer_lowered;
	s5 =	simm.s32 $_tile_overlayer_lowered  }
0x9b: {  	s22 =	simm.s32 $0x1BFF;
	s21 =	sshll.u32 s5, $0x1;
	s2 =	sadd.s32 s19, s18  }
0x9c: {  	s6 =	simm.s32 $0x0;
	s20 =	sshll.u32 s4, $0x1;
	s4 =	sadd.s32 s21, s2  }
0x9d: {  	[timem:s6], [sflag:s22] =	dma.local [hbm:s4], s20  }
0x9e: {  	_ =	swait.ge [sflag:s22], s20  }
0x9f: {  	s3 =	ssub.s32 $0x0, s20;
	[sflag:s22] =	ssyncset.done $0x0  }
0xa0: {  	[sflag:s22] =	ssyncadd.s32 s3;
	_ =	sdelay $0x1  }
0xa1: {  	s23 =	simm.s32 $0x1B8B  }
0xa2: {  	_ =	swait.ge [sflag:s23], $0x1  }
0xa3: {  	[sflag:s23] =	ssyncset.done $0x0  }
0xa4: {  	s25 =	simm.s32 $0x1B8E;
	s24 =	sld [smem:$0x3FFE];
	[sflag:s23] =	ssyncadd.s32 $0xFFFFFFFF  }
0xa5: {  	s26 =	simm.s32 $execute0_lowered;
	[smem:$0x3FD2] =	sst s25  }
0xa6: {  	s4 =	sshll.u32 s26, $0x1;
	_ =	strace $0x80000046;
	[dreg:$0x1] =	wrdreg $0xFFFFFFFF  }
0xa7: {  	s28 =	simm.s32 $_size_execute0_lowered;
	s2 =	sadd.s32 s2, s4;
	[dreg:$0x0] =	wrdreg $0x0  }
0xa8: {  	s4 =	sshll.u32 s28, $0x1;
	[dreg:$0x2] =	wrdreg s2  }
0xa9: {  	[dreg:$0x3] =	wrdreg s4  }
0xaa: {  	[dreg:$0x4] =	wrdreg $0xC0  }
0xab: {  	_ =	task [dreg:s6], $0x5FFFF  }
0xac: {  	[dreg:$0x1] =	wrdreg $0xFFFFFFFF  }
0xad: {  	[dreg:$0x0] =	wrdreg $0x60  }
0xae: {  	[dreg:$0x2] =	wrdreg s24  }
0xaf: {  	[dreg:$0x3] =	wrdreg $0x9  }
0xb0: {  	_ =	task.clear_ibuf [dreg:s6], $0x4FFFF;
	_ =	strace $0x90000046  }
0xb1: {  	s29 =	simm.s32 $0x9;
	_ =	strace $0x80000048  }
0xb2: {  	_ =	swait.ge [sflag:s29], $0x1  }
0xb3: {  	[sflag:s29] =	ssyncadd.s32 $0xFFFFFFFF  }
0xb4: {  	_ =	strace $0x90000048  }
0xb5: {  	_ =	sfence  }
0xb6: {  	s30 =	sld [smem:$0x0];
	_ =	sdelay $0x2  }
0xb7: {  	s31 =	sshll.u32 s1, $0xD;
	s1 =	sshrl.u32 s1, $0x2  }
0xb8: {  	s3 =	sand.u32 $0x4000, s31;
	s1 =	sadd.s32 s1, s30  }
0xb9: {  	s0 =	sor.u32 s3, s0;
	s1 =	sshll.u32 s1, $0x11  }
0xba: {  	s0 =	sor.u32 s1, s0  }
0xbb: {  	s0 =	sadd.s32 $0x8F2B, s0  }
0xbc: {  	[sflag:s0] =	ssyncadd.remote.s32 $0x1  }
0xbd: {  	_ =	sfence.sel $0xFFFF  }
0xbe: {  	[dreg:$0x0] =	wrdreg $0xFFFFFFFF;
	(pc) =	sbr.abs _section_cstart, $3  }
0xbf: {  	[dreg:$0x1] =	wrdreg $0xFFFFFFFF  }
0xc0: {  	_ =	task.clear_ibuf [dreg:s6], $0x2FFFF;
	_ =	strace $0x9FFFFFFF  }
0xc1: {  	(tm) =	ssettm $0x7FFFFFFF  }
tec
execute0_lowered:
.L_overlay_start_1:
0x0: {  	(tag) =	ssettag $0x1  }
0x1: {  	s0 =	srdreg.scid  }
0x2: {  	s2 =	stileid.u32;
	s1 =	rddreg [dreg:$0x0]  }
0x3: {  	s16 =	simm.s32 $0x4F00;
	s17 =	simm.s32 $0x5700;
	s29 =	simm.s32 $0xAF00  }
0x4: {  	s30 =	simm.s32 $0xB700;
	s14 =	simm.s32 $0x10F00;
	s10 =	simm.s32 $0x19700  }
0x5: {  	s11 =	simm.s32 $0x19F00;
	s12 =	simm.s32 $0x1A700;
	s13 =	simm.s32 $0x1AF00  }
0x6: {  	s18 =	simm.s32 $0x1B700;
	s19 =	simm.s32 $0x1BF00;
	s20 =	simm.s32 $0x1C700  }
0x7: {  	s21 =	simm.s32 $0x1;
	s0 =	sand.u32 $0x1, s0;
	s3 =	sshll.u32 s2, $0x1  }
0x8: {  	s22 =	simm.s32 $0x2;
	s2 =	simm.s32 $0x0;
	s4 =	sor.u32 s0, s3  }
0x9: {  	s23 =	simm.s32 $0x3;
	[smem:$0x7FF] =	sst s2;
	s6 =	smul.u32 $0x2710, s4  }
0xa: {  	s3 =	sadd.s32 $0x63C00, s1;
	s0 =	ssub.s32 $0x2, s0;
	s7 =	smul.u32 $0x271000, s4  }
0xb: {  	_ =	strace $0x80000047;
	s4 =	sadd.s32 $0x15A00, s1;
	s9 =	sshrl.u32 s0, $0x1  }
0xc: {  	s0 =	ssub.s32 s0, s9;
	s5 =	sshrl.u32 s6, $0x3;
	s24 =	sshrl.u32 s7, $0x3  }
0xd: {  	s9 =	sadd.s32 $0xFFFFFFA0, s6;
	s0 =	smax.u32 s0, $0x1;
	s8 =	sadd.s32 s5, s1  }
0xe: {  	s5 =	sadd.s32 $0xB1E00, s1;
	[dreg:$0x7] =	wrdreg s0;
	s25 =	sadd.s32 $0xBC00, s8  }
0xf: {  	s26 =	sadd.s32 $0x1E00, s8;
	s1 =	sadd.s32 s5, s24;
	[dreg:$0x2] =	wrdreg s25  }
0x10: {  	s8 =	sadd.s32 $0xFFFFFF40, s6;
	[dreg:$0x3] =	wrdreg s26;
	s28 =	sadd.s32 $0x4C800, s1  }
0x11: {  	v2 =	vlaneseq.u32;
	s24 =	simm.s32 $0x4;
	s31 =	sadd.s32 $0x4D400, s1;
	[dreg:$0x4] =	wrdreg s28  }
0x12: {  	vm0 =	vmmov $0xffff;
	v1 =	vshrl.u32 v2, $0x3;
	s1 =	sadd.s32 $0x4E000, s1;
	s25 =	simm.s32 $0x5;
	[dreg:$0x5] =	wrdreg s31  }
0x13: {  	v0 =	vand.u32 $0x7, v2;
	v2 =	vor.u32 $0x8, v2;
	v1 =	vmul.u32 $0x8, v1;
	s26 =	simm.s32 $0x6;
	[dreg:$0x6] =	wrdreg s1;
	s1 =	simm.s32 $0x0  }
.LBB2_1:
0x14: {  	[dreg:$0x8] =	wrdreg s1  }
0x15: {  	s0 =	rddreg [dreg:$0x2];
	s7 =	simm.s32 $0x7  }
0x16: {  	[tilespmem:s2], [sflag:$0x7] =	stream.linear.gather [hbm4b:s0+s2], $0x2710, $0x38;
	[tilespmem:$0x1CF00] =	vst v63  }
0x17: {  	_ =	swait.ge [sflag:s7], $0x2710  }
0x18: {  	[sflag:s7] =	ssyncset.done $0x0  }
0x19: {  	s6 =	simm.s32 $0x2780;
	s15 =	rddreg [dreg:$0x3];
	[sflag:s7] =	ssyncadd.s32 $0xFFFFD8F0  }
0x1a: {  	[tilespmem:s6], [sflag:$0x7] =	stream.linear.gather [hbm4b:s15+s2], $0x2710, $0x38;
	[tilespmem:$0x1CF00] =	vst v63  }
0x1b: {  	_ =	swait.ge [sflag:s7], $0x2710  }
0x1c: {  	[sflag:s7] =	ssyncset.done $0x0  }
0x1d: {  	[sflag:s7] =	ssyncadd.s32 $0xFFFFD8F0  }
0x1e: {  	v3 =	vld [tilespmem:$0x0];
	_ =	sdelay $0x4  }
0x1f: {  	v4 =	vshll.u32 v3, $0x1  }
0x20: {  	v3 =	vand.u32 $0x7, v3;
	v4 =	vand.u32 $0xFFFFFFF0, v4  }
0x21: {  	v3 =	vor.u32 v3, v4  }
0x22: {  	v4 =	vperm.xlane v3, v0;
	_ =	sdelay $0x1  }
0x23: {  	v3 =	vperm.xlane v3, v2;
	v4 =	vadd.s32 v1, v4;
	_ =	sdelay $0x1  }
0x24: {  	v3 =	vadd.s32 v1, v3;
	_ =	sdelay $0x2  }
0x25: {  	[tilespmem:s16], [sflag:$0x1] =	stream.indirect_vreg.gather [hbm4b:s3+s2], $0x80, v4, vm0, $0xb8;
	[tilespmem:$0x1CF00] =	vst v63  }
0x26: {  	_ = 	snop  }
0x27: {  	[tilespmem:s17], [sflag:$0x1] =	stream.indirect_vreg.gather [hbm4b:s3+s2], $0x80, v3, vm0, $0xb8;
	[tilespmem:$0x1CF00] =	vst v63  }
0x28: {  	v3 =	vld [tilespmem:$0x10];
	_ =	sdelay $0x4  }
0x29: {  	v41 =	vshll.u32 v3, $0x1  }
0x2a: {  	v3 =	vand.u32 $0x7, v3;
	v4 =	vand.u32 $0xFFFFFFF0, v41  }
0x2b: {  	v3 =	vor.u32 v3, v4  }
0x2c: {  	v4 =	vperm.xlane v3, v0;
	_ =	sdelay $0x1  }
0x2d: {  	v3 =	vperm.xlane v3, v2;
	v4 =	vadd.s32 v1, v4;
	_ =	sdelay $0x1  }
0x2e: {  	v3 =	vadd.s32 v1, v3;
	_ =	sdelay $0x1  }
0x2f: {  	s31 =	simm.s32 $0x5F00  }
0x30: {  	[tilespmem:s31], [sflag:$0x1] =	stream.indirect_vreg.gather [hbm4b:s3+s2], $0x80, v4, vm0, $0xb8;
	[tilespmem:$0x1CF00] =	vst v63  }
0x31: {  	s1 =	simm.s32 $0x6700  }
0x32: {  	[tilespmem:s1], [sflag:$0x1] =	stream.indirect_vreg.gather [hbm4b:s3+s2], $0x80, v3, vm0, $0xb8;
	[tilespmem:$0x1CF00] =	vst v63  }
0x33: {  	v3 =	vld [tilespmem:$0x20];
	_ =	sdelay $0x4  }
0x34: {  	v42 =	vshll.u32 v3, $0x1  }
0x35: {  	v3 =	vand.u32 $0x7, v3;
	v4 =	vand.u32 $0xFFFFFFF0, v42  }
0x36: {  	v3 =	vor.u32 v3, v4  }
0x37: {  	v4 =	vperm.xlane v3, v0;
	_ =	sdelay $0x1  }
0x38: {  	v3 =	vperm.xlane v3, v2;
	v4 =	vadd.s32 v1, v4;
	_ =	sdelay $0x1  }
0x39: {  	v3 =	vadd.s32 v1, v3;
	_ =	sdelay $0x1  }
0x3a: {  	s6 =	simm.s32 $0x6F00  }
0x3b: {  	[tilespmem:s6], [sflag:$0x1] =	stream.indirect_vreg.gather [hbm4b:s3+s2], $0x80, v4, vm0, $0xb8;
	[tilespmem:$0x1CF00] =	vst v63  }
0x3c: {  	s7 =	simm.s32 $0x7700  }
0x3d: {  	[tilespmem:s7], [sflag:$0x1] =	stream.indirect_vreg.gather [hbm4b:s3+s2], $0x80, v3, vm0, $0xb8;
	[tilespmem:$0x1CF00] =	vst v63  }
0x3e: {  	v3 =	vld [tilespmem:$0x30];
	_ =	sdelay $0x4  }
0x3f: {  	v43 =	vshll.u32 v3, $0x1  }
0x40: {  	v3 =	vand.u32 $0x7, v3;
	v4 =	vand.u32 $0xFFFFFFF0, v43  }
0x41: {  	v3 =	vor.u32 v3, v4  }
0x42: {  	v4 =	vperm.xlane v3, v0;
	_ =	sdelay $0x1  }
0x43: {  	v3 =	vperm.xlane v3, v2;
	v4 =	vadd.s32 v1, v4;
	_ =	sdelay $0x1  }
0x44: {  	v3 =	vadd.s32 v1, v3;
	_ =	sdelay $0x1  }
0x45: {  	s15 =	simm.s32 $0x7F00  }
0x46: {  	[tilespmem:s15], [sflag:$0x1] =	stream.indirect_vreg.gather [hbm4b:s3+s2], $0x80, v4, vm0, $0xb8;
	[tilespmem:$0x1CF00] =	vst v63  }
0x47: {  	s31 =	simm.s32 $0x8700  }
0x48: {  	[tilespmem:s31], [sflag:$0x1] =	stream.indirect_vreg.gather [hbm4b:s3+s2], $0x80, v3, vm0, $0xb8;
	[tilespmem:$0x1CF00] =	vst v63  }
0x49: {  	v3 =	vld [tilespmem:$0x40];
	_ =	sdelay $0x4  }
0x4a: {  	v44 =	vshll.u32 v3, $0x1  }
0x4b: {  	v3 =	vand.u32 $0x7, v3;
	v4 =	vand.u32 $0xFFFFFFF0, v44  }
0x4c: {  	v3 =	vor.u32 v3, v4  }
0x4d: {  	v4 =	vperm.xlane v3, v0;
	_ =	sdelay $0x1  }
0x4e: {  	v3 =	vperm.xlane v3, v2;
	v4 =	vadd.s32 v1, v4;
	_ =	sdelay $0x1  }
0x4f: {  	v3 =	vadd.s32 v1, v3;
	_ =	sdelay $0x1  }
0x50: {  	s1 =	simm.s32 $0x8F00  }
0x51: {  	[tilespmem:s1], [sflag:$0x1] =	stream.indirect_vreg.gather [hbm4b:s3+s2], $0x80, v4, vm0, $0xb8;
	[tilespmem:$0x1CF00] =	vst v63  }
0x52: {  	s6 =	simm.s32 $0x9700  }
0x53: {  	[tilespmem:s6], [sflag:$0x1] =	stream.indirect_vreg.gather [hbm4b:s3+s2], $0x80, v3, vm0, $0xb8;
	[tilespmem:$0x1CF00] =	vst v63  }
0x54: {  	v3 =	vld [tilespmem:$0x50];
	_ =	sdelay $0x4  }
0x55: {  	v45 =	vshll.u32 v3, $0x1  }
0x56: {  	v3 =	vand.u32 $0x7, v3;
	v4 =	vand.u32 $0xFFFFFFF0, v45  }
0x57: {  	v3 =	vor.u32 v3, v4  }
0x58: {  	v4 =	vperm.xlane v3, v0;
	_ =	sdelay $0x1  }
0x59: {  	v3 =	vperm.xlane v3, v2;
	v4 =	vadd.s32 v1, v4;
	_ =	sdelay $0x1  }
0x5a: {  	v3 =	vadd.s32 v1, v3;
	_ =	sdelay $0x1  }
0x5b: {  	s7 =	simm.s32 $0x9F00  }
0x5c: {  	[tilespmem:s7], [sflag:$0x1] =	stream.indirect_vreg.gather [hbm4b:s3+s2], $0x80, v4, vm0, $0xb8;
	[tilespmem:$0x1CF00] =	vst v63  }
0x5d: {  	s15 =	simm.s32 $0xA700  }
0x5e: {  	[tilespmem:s15], [sflag:$0x1] =	stream.indirect_vreg.gather [hbm4b:s3+s2], $0x80, v3, vm0, $0xb8;
	[tilespmem:$0x1CF00] =	vst v63  }
0x5f: {  	v3 =	vld [tilespmem:$0x2780];
	_ =	sdelay $0x4  }
0x60: {  	v46 =	vshll.u32 v3, $0x1  }
0x61: {  	v3 =	vand.u32 $0x7, v3;
	v4 =	vand.u32 $0xFFFFFFF0, v46  }
0x62: {  	v3 =	vor.u32 v3, v4  }
0x63: {  	v4 =	vperm.xlane v3, v0;
	_ =	sdelay $0x1  }
0x64: {  	v3 =	vperm.xlane v3, v2;
	v4 =	vadd.s32 v1, v4;
	_ =	sdelay $0x1  }
0x65: {  	v3 =	vadd.s32 v1, v3;
	_ =	sdelay $0x2  }
0x66: {  	[tilespmem:s29], [sflag:$0x2] =	stream.indirect_vreg.gather [hbm4b:s4+s2], $0x80, v4, vm0, $0xb8;
	[tilespmem:$0x1CF00] =	vst v63  }
0x67: {  	_ = 	snop  }
0x68: {  	[tilespmem:s30], [sflag:$0x2] =	stream.indirect_vreg.gather [hbm4b:s4+s2], $0x80, v3, vm0, $0xb8;
	[tilespmem:$0x1CF00] =	vst v63  }
0x69: {  	v3 =	vld [tilespmem:$0x2790];
	_ =	sdelay $0x4  }
0x6a: {  	v47 =	vshll.u32 v3, $0x1  }
0x6b: {  	v3 =	vand.u32 $0x7, v3;
	v4 =	vand.u32 $0xFFFFFFF0, v47  }
0x6c: {  	v3 =	vor.u32 v3, v4  }
0x6d: {  	v4 =	vperm.xlane v3, v0;
	_ =	sdelay $0x1  }
0x6e: {  	v3 =	vperm.xlane v3, v2;
	v4 =	vadd.s32 v1, v4;
	_ =	sdelay $0x1  }
0x6f: {  	v3 =	vadd.s32 v1, v3;
	_ =	sdelay $0x1  }
0x70: {  	s31 =	simm.s32 $0xBF00  }
0x71: {  	[tilespmem:s31], [sflag:$0x2] =	stream.indirect_vreg.gather [hbm4b:s4+s2], $0x80, v4, vm0, $0xb8;
	[tilespmem:$0x1CF00] =	vst v63  }
0x72: {  	s1 =	simm.s32 $0xC700  }
0x73: {  	[tilespmem:s1], [sflag:$0x2] =	stream.indirect_vreg.gather [hbm4b:s4+s2], $0x80, v3, vm0, $0xb8;
	[tilespmem:$0x1CF00] =	vst v63  }
0x74: {  	v3 =	vld [tilespmem:$0x27A0];
	_ =	sdelay $0x4  }
0x75: {  	v48 =	vshll.u32 v3, $0x1  }
0x76: {  	v3 =	vand.u32 $0x7, v3;
	v4 =	vand.u32 $0xFFFFFFF0, v48  }
0x77: {  	v3 =	vor.u32 v3, v4  }
0x78: {  	v4 =	vperm.xlane v3, v0;
	_ =	sdelay $0x1  }
0x79: {  	v3 =	vperm.xlane v3, v2;
	v4 =	vadd.s32 v1, v4;
	_ =	sdelay $0x1  }
0x7a: {  	v3 =	vadd.s32 v1, v3;
	_ =	sdelay $0x1  }
0x7b: {  	s6 =	simm.s32 $0xCF00  }
0x7c: {  	[tilespmem:s6], [sflag:$0x2] =	stream.indirect_vreg.gather [hbm4b:s4+s2], $0x80, v4, vm0, $0xb8;
	[tilespmem:$0x1CF00] =	vst v63  }
0x7d: {  	s7 =	simm.s32 $0xD700  }
0x7e: {  	[tilespmem:s7], [sflag:$0x2] =	stream.indirect_vreg.gather [hbm4b:s4+s2], $0x80, v3, vm0, $0xb8;
	[tilespmem:$0x1CF00] =	vst v63  }
0x7f: {  	v3 =	vld [tilespmem:$0x27B0];
	_ =	sdelay $0x4  }
0x80: {  	v49 =	vshll.u32 v3, $0x1  }
0x81: {  	v3 =	vand.u32 $0x7, v3;
	v4 =	vand.u32 $0xFFFFFFF0, v49  }
0x82: {  	v3 =	vor.u32 v3, v4  }
0x83: {  	v4 =	vperm.xlane v3, v0;
	_ =	sdelay $0x1  }
0x84: {  	v3 =	vperm.xlane v3, v2;
	v4 =	vadd.s32 v1, v4;
	_ =	sdelay $0x1  }
0x85: {  	v3 =	vadd.s32 v1, v3;
	_ =	sdelay $0x1  }
0x86: {  	s15 =	simm.s32 $0xDF00  }
0x87: {  	[tilespmem:s15], [sflag:$0x2] =	stream.indirect_vreg.gather [hbm4b:s4+s2], $0x80, v4, vm0, $0xb8;
	[tilespmem:$0x1CF00] =	vst v63  }
0x88: {  	s31 =	simm.s32 $0xE700  }
0x89: {  	[tilespmem:s31], [sflag:$0x2] =	stream.indirect_vreg.gather [hbm4b:s4+s2], $0x80, v3, vm0, $0xb8;
	[tilespmem:$0x1CF00] =	vst v63  }
0x8a: {  	v3 =	vld [tilespmem:$0x27C0];
	_ =	sdelay $0x4  }
0x8b: {  	v50 =	vshll.u32 v3, $0x1  }
0x8c: {  	v3 =	vand.u32 $0x7, v3;
	v4 =	vand.u32 $0xFFFFFFF0, v50  }
0x8d: {  	v3 =	vor.u32 v3, v4  }
0x8e: {  	v4 =	vperm.xlane v3, v0;
	_ =	sdelay $0x1  }
0x8f: {  	v3 =	vperm.xlane v3, v2;
	v4 =	vadd.s32 v1, v4;
	_ =	sdelay $0x1  }
0x90: {  	v3 =	vadd.s32 v1, v3;
	_ =	sdelay $0x1  }
0x91: {  	s1 =	simm.s32 $0xEF00  }
0x92: {  	[tilespmem:s1], [sflag:$0x2] =	stream.indirect_vreg.gather [hbm4b:s4+s2], $0x80, v4, vm0, $0xb8;
	[tilespmem:$0x1CF00] =	vst v63  }
0x93: {  	s6 =	simm.s32 $0xF700  }
0x94: {  	[tilespmem:s6], [sflag:$0x2] =	stream.indirect_vreg.gather [hbm4b:s4+s2], $0x80, v3, vm0, $0xb8;
	[tilespmem:$0x1CF00] =	vst v63  }
0x95: {  	v3 =	vld [tilespmem:$0x27D0];
	_ =	sdelay $0x4  }
0x96: {  	v51 =	vshll.u32 v3, $0x1  }
0x97: {  	v3 =	vand.u32 $0x7, v3;
	v4 =	vand.u32 $0xFFFFFFF0, v51  }
0x98: {  	v3 =	vor.u32 v3, v4  }
0x99: {  	v4 =	vperm.xlane v3, v0;
	_ =	sdelay $0x1  }
0x9a: {  	v3 =	vperm.xlane v3, v2;
	v4 =	vadd.s32 v1, v4;
	_ =	sdelay $0x1  }
0x9b: {  	v3 =	vadd.s32 v1, v3;
	_ =	sdelay $0x1  }
0x9c: {  	s7 =	simm.s32 $0xFF00  }
0x9d: {  	[tilespmem:s7], [sflag:$0x2] =	stream.indirect_vreg.gather [hbm4b:s4+s2], $0x80, v4, vm0, $0xb8;
	[tilespmem:$0x1CF00] =	vst v63  }
0x9e: {  	s15 =	simm.s32 $0x10700  }
0x9f: {  	[tilespmem:s15], [sflag:$0x2] =	stream.indirect_vreg.gather [hbm4b:s4+s2], $0x80, v3, vm0, $0xb8;
	[tilespmem:$0x1CF00] =	vst v63  }
0xa0: {  	v3 =	vld [tilespmem:$0x60];
	_ =	sdelay $0x4  }
0xa1: {  	v52 =	vshll.u32 v3, $0x1  }
0xa2: {  	v3 =	vand.u32 $0x7, v3;
	v4 =	vand.u32 $0xFFFFFFF0, v52  }
0xa3: {  	v3 =	vor.u32 v3, v4  }
0xa4: {  	v4 =	vperm.xlane v3, v0;
	_ =	sdelay $0x1  }
0xa5: {  	v3 =	vperm.xlane v3, v2;
	v4 =	vadd.s32 v1, v4;
	_ =	sdelay $0x1  }
0xa6: {  	v3 =	vadd.s32 v1, v3;
	_ =	sdelay $0x2  }
0xa7: {  	[tilespmem:s14], [sflag:$0x3] =	stream.indirect_vreg.gather [hbm4b:s3+s2], $0x80, v4, vm0, $0xb8;
	[tilespmem:$0x1CF00] =	vst v63  }
0xa8: {  	s31 =	simm.s32 $0x11700  }
0xa9: {  	[tilespmem:s31], [sflag:$0x3] =	stream.indirect_vreg.gather [hbm4b:s3+s2], $0x80, v3, vm0, $0xb8;
	[tilespmem:$0x1CF00] =	vst v63  }
0xaa: {  	v3 =	vld [tilespmem:$0x70];
	_ =	sdelay $0x4  }
0xab: {  	v53 =	vshll.u32 v3, $0x1  }
0xac: {  	v3 =	vand.u32 $0x7, v3;
	v4 =	vand.u32 $0xFFFFFFF0, v53  }
0xad: {  	v3 =	vor.u32 v3, v4  }
0xae: {  	v4 =	vperm.xlane v3, v0;
	_ =	sdelay $0x1  }
0xaf: {  	v3 =	vperm.xlane v3, v2;
	v4 =	vadd.s32 v1, v4;
	_ =	sdelay $0x1  }
0xb0: {  	v3 =	vadd.s32 v1, v3;
	_ =	sdelay $0x1  }
0xb1: {  	s1 =	simm.s32 $0x11F00  }
0xb2: {  	[tilespmem:s1], [sflag:$0x3] =	stream.indirect_vreg.gather [hbm4b:s3+s2], $0x80, v4, vm0, $0xb8;
	[tilespmem:$0x1CF00] =	vst v63  }
0xb3: {  	s6 =	simm.s32 $0x12700  }
0xb4: {  	[tilespmem:s6], [sflag:$0x3] =	stream.indirect_vreg.gather [hbm4b:s3+s2], $0x80, v3, vm0, $0xb8;
	[tilespmem:$0x1CF00] =	vst v63  }
0xb5: {  	v3 =	vld [tilespmem:$0x80];
	_ =	sdelay $0x4  }
0xb6: {  	v54 =	vshll.u32 v3, $0x1  }
0xb7: {  	v3 =	vand.u32 $0x7, v3;
	v4 =	vand.u32 $0xFFFFFFF0, v54  }
0xb8: {  	v3 =	vor.u32 v3, v4  }
0xb9: {  	v4 =	vperm.xlane v3, v0;
	_ =	sdelay $0x1  }
0xba: {  	v3 =	vperm.xlane v3, v2;
	v4 =	vadd.s32 v1, v4;
	_ =	sdelay $0x1  }
0xbb: {  	v3 =	vadd.s32 v1, v3;
	_ =	sdelay $0x1  }
0xbc: {  	s7 =	simm.s32 $0x12F00  }
0xbd: {  	[tilespmem:s7], [sflag:$0x3] =	stream.indirect_vreg.gather [hbm4b:s3+s2], $0x80, v4, vm0, $0xb8;
	[tilespmem:$0x1CF00] =	vst v63  }
0xbe: {  	s15 =	simm.s32 $0x13700  }
0xbf: {  	[tilespmem:s15], [sflag:$0x3] =	stream.indirect_vreg.gather [hbm4b:s3+s2], $0x80, v3, vm0, $0xb8;
	[tilespmem:$0x1CF00] =	vst v63  }
0xc0: {  	v3 =	vld [tilespmem:$0x90];
	_ =	sdelay $0x4  }
0xc1: {  	v55 =	vshll.u32 v3, $0x1  }
0xc2: {  	v3 =	vand.u32 $0x7, v3;
	v4 =	vand.u32 $0xFFFFFFF0, v55  }
0xc3: {  	v3 =	vor.u32 v3, v4  }
0xc4: {  	v4 =	vperm.xlane v3, v0;
	_ =	sdelay $0x1  }
0xc5: {  	v3 =	vperm.xlane v3, v2;
	v4 =	vadd.s32 v1, v4;
	_ =	sdelay $0x1  }
0xc6: {  	v3 =	vadd.s32 v1, v3;
	_ =	sdelay $0x1  }
0xc7: {  	s31 =	simm.s32 $0x13F00  }
0xc8: {  	[tilespmem:s31], [sflag:$0x3] =	stream.indirect_vreg.gather [hbm4b:s3+s2], $0x80, v4, vm0, $0xb8;
	[tilespmem:$0x1CF00] =	vst v63  }
0xc9: {  	s1 =	simm.s32 $0x14700  }
0xca: {  	[tilespmem:s1], [sflag:$0x3] =	stream.indirect_vreg.gather [hbm4b:s3+s2], $0x80, v3, vm0, $0xb8;
	[tilespmem:$0x1CF00] =	vst v63  }
0xcb: {  	v3 =	vld [tilespmem:$0xA0];
	_ =	sdelay $0x4  }
0xcc: {  	v56 =	vshll.u32 v3, $0x1  }
0xcd: {  	v3 =	vand.u32 $0x7, v3;
	v4 =	vand.u32 $0xFFFFFFF0, v56  }
0xce: {  	v3 =	vor.u32 v3, v4  }
0xcf: {  	v4 =	vperm.xlane v3, v0;
	_ =	sdelay $0x1  }
0xd0: {  	v3 =	vperm.xlane v3, v2;
	v4 =	vadd.s32 v1, v4;
	_ =	sdelay $0x1  }
0xd1: {  	v3 =	vadd.s32 v1, v3;
	_ =	sdelay $0x1  }
0xd2: {  	s6 =	simm.s32 $0x14F00  }
0xd3: {  	[tilespmem:s6], [sflag:$0x3] =	stream.indirect_vreg.gather [hbm4b:s3+s2], $0x80, v4, vm0, $0xb8;
	[tilespmem:$0x1CF00] =	vst v63  }
0xd4: {  	s7 =	simm.s32 $0x15700  }
0xd5: {  	[tilespmem:s7], [sflag:$0x3] =	stream.indirect_vreg.gather [hbm4b:s3+s2], $0x80, v3, vm0, $0xb8;
	[tilespmem:$0x1CF00] =	vst v63  }
0xd6: {  	v3 =	vld [tilespmem:$0xB0];
	_ =	sdelay $0x4  }
0xd7: {  	v57 =	vshll.u32 v3, $0x1  }
0xd8: {  	v3 =	vand.u32 $0x7, v3;
	v4 =	vand.u32 $0xFFFFFFF0, v57  }
0xd9: {  	v3 =	vor.u32 v3, v4  }
0xda: {  	v4 =	vperm.xlane v3, v0;
	_ =	sdelay $0x1  }
0xdb: {  	v3 =	vperm.xlane v3, v2;
	v4 =	vadd.s32 v1, v4;
	_ =	sdelay $0x1  }
0xdc: {  	v3 =	vadd.s32 v1, v3;
	_ =	sdelay $0x1  }
0xdd: {  	s15 =	simm.s32 $0x15F00  }
0xde: {  	[tilespmem:s15], [sflag:$0x3] =	stream.indirect_vreg.gather [hbm4b:s3+s2], $0x80, v4, vm0, $0xb8;
	[tilespmem:$0x1CF00] =	vst v63  }
0xdf: {  	s31 =	simm.s32 $0x16700  }
0xe0: {  	[tilespmem:s31], [sflag:$0x3] =	stream.indirect_vreg.gather [hbm4b:s3+s2], $0x80, v3, vm0, $0xb8;
	[tilespmem:$0x1CF00] =	vst v63  }
0xe1: {  	v3 =	vld [tilespmem:$0x27E0];
	_ =	sdelay $0x4  }
0xe2: {  	v58 =	vshll.u32 v3, $0x1  }
0xe3: {  	v3 =	vand.u32 $0x7, v3;
	v4 =	vand.u32 $0xFFFFFFF0, v58  }
0xe4: {  	v3 =	vor.u32 v3, v4  }
0xe5: {  	v4 =	vperm.xlane v3, v0;
	_ =	sdelay $0x1  }
0xe6: {  	v3 =	vperm.xlane v3, v2;
	v4 =	vadd.s32 v1, v4;
	_ =	sdelay $0x1  }
0xe7: {  	v3 =	vadd.s32 v1, v3;
	_ =	sdelay $0x1  }
0xe8: {  	s1 =	simm.s32 $0x16F00  }
0xe9: {  	[tilespmem:s1], [sflag:$0x4] =	stream.indirect_vreg.gather [hbm4b:s4+s2], $0x80, v4, vm0, $0xb8;
	[tilespmem:$0x1CF00] =	vst v63  }
0xea: {  	s6 =	simm.s32 $0x17700  }
0xeb: {  	[tilespmem:s6], [sflag:$0x4] =	stream.indirect_vreg.gather [hbm4b:s4+s2], $0x80, v3, vm0, $0xb8;
	[tilespmem:$0x1CF00] =	vst v63  }
0xec: {  	v3 =	vld [tilespmem:$0x27F0];
	_ =	sdelay $0x4  }
0xed: {  	v59 =	vshll.u32 v3, $0x1  }
0xee: {  	v3 =	vand.u32 $0x7, v3;
	v4 =	vand.u32 $0xFFFFFFF0, v59  }
0xef: {  	v3 =	vor.u32 v3, v4  }
0xf0: {  	v4 =	vperm.xlane v3, v0;
	_ =	sdelay $0x1  }
0xf1: {  	v3 =	vperm.xlane v3, v2;
	v4 =	vadd.s32 v1, v4;
	_ =	sdelay $0x1  }
0xf2: {  	v3 =	vadd.s32 v1, v3;
	_ =	sdelay $0x1  }
0xf3: {  	s7 =	simm.s32 $0x17F00  }
0xf4: {  	[tilespmem:s7], [sflag:$0x4] =	stream.indirect_vreg.gather [hbm4b:s4+s2], $0x80, v4, vm0, $0xb8;
	[tilespmem:$0x1CF00] =	vst v63  }
0xf5: {  	s15 =	simm.s32 $0x18700  }
0xf6: {  	[tilespmem:s15], [sflag:$0x4] =	stream.indirect_vreg.gather [hbm4b:s4+s2], $0x80, v3, vm0, $0xb8;
	[tilespmem:$0x1CF00] =	vst v63  }
0xf7: {  	v3 =	vld [tilespmem:$0x2800];
	_ =	sdelay $0x4  }
0xf8: {  	v60 =	vshll.u32 v3, $0x1  }
0xf9: {  	v3 =	vand.u32 $0x7, v3;
	v4 =	vand.u32 $0xFFFFFFF0, v60  }
0xfa: {  	v3 =	vor.u32 v3, v4  }
0xfb: {  	v4 =	vperm.xlane v3, v0;
	_ =	sdelay $0x1  }
0xfc: {  	v3 =	vperm.xlane v3, v2;
	v4 =	vadd.s32 v1, v4;
	_ =	sdelay $0x1  }
0xfd: {  	v3 =	vadd.s32 v1, v3;
	_ =	sdelay $0x1  }
0xfe: {  	s31 =	simm.s32 $0x18F00  }
0xff: {  	[tilespmem:s31], [sflag:$0x4] =	stream.indirect_vreg.gather [hbm4b:s4+s2], $0x80, v4, vm0, $0xb8;
	[tilespmem:$0x1CF00] =	vst v63  }
0x100: {  	_ = 	snop  }
0x101: {  	[tilespmem:s10], [sflag:$0x4] =	stream.indirect_vreg.gather [hbm4b:s4+s2], $0x80, v3, vm0, $0xb8;
	[tilespmem:$0x1CF00] =	vst v63  }
0x102: {  	v3 =	vld [tilespmem:$0x2810];
	_ =	sdelay $0x4  }
0x103: {  	v61 =	vshll.u32 v3, $0x1  }
0x104: {  	v3 =	vand.u32 $0x7, v3;
	v4 =	vand.u32 $0xFFFFFFF0, v61  }
0x105: {  	v3 =	vor.u32 v3, v4  }
0x106: {  	v4 =	vperm.xlane v3, v0;
	_ =	sdelay $0x1  }
0x107: {  	v3 =	vperm.xlane v3, v2;
	v4 =	vadd.s32 v1, v4;
	_ =	sdelay $0x1  }
0x108: {  	v3 =	vadd.s32 v1, v3;
	_ =	sdelay $0x2  }
0x109: {  	[tilespmem:s11], [sflag:$0x4] =	stream.indirect_vreg.gather [hbm4b:s4+s2], $0x80, v4, vm0, $0xb8;
	[tilespmem:$0x1CF00] =	vst v63  }
0x10a: {  	_ = 	snop  }
0x10b: {  	[tilespmem:s12], [sflag:$0x4] =	stream.indirect_vreg.gather [hbm4b:s4+s2], $0x80, v3, vm0, $0xb8;
	[tilespmem:$0x1CF00] =	vst v63  }
0x10c: {  	v3 =	vld [tilespmem:$0x2820];
	_ =	sdelay $0x4  }
0x10d: {  	v62 =	vshll.u32 v3, $0x1  }
0x10e: {  	v3 =	vand.u32 $0x7, v3;
	v4 =	vand.u32 $0xFFFFFFF0, v62  }
0x10f: {  	v3 =	vor.u32 v3, v4  }
0x110: {  	v4 =	vperm.xlane v3, v0;
	_ =	sdelay $0x1  }
0x111: {  	v3 =	vperm.xlane v3, v2;
	v4 =	vadd.s32 v1, v4;
	_ =	sdelay $0x1  }
0x112: {  	v3 =	vadd.s32 v1, v3;
	_ =	sdelay $0x2  }
0x113: {  	[tilespmem:s13], [sflag:$0x4] =	stream.indirect_vreg.gather [hbm4b:s4+s2], $0x80, v4, vm0, $0xb8;
	[tilespmem:$0x1CF00] =	vst v63  }
0x114: {  	_ = 	snop  }
0x115: {  	[tilespmem:s18], [sflag:$0x4] =	stream.indirect_vreg.gather [hbm4b:s4+s2], $0x80, v3, vm0, $0xb8;
	[tilespmem:$0x1CF00] =	vst v63  }
0x116: {  	v3 =	vld [tilespmem:$0x2830];
	_ =	sdelay $0x4  }
0x117: {  	v63 =	vshll.u32 v3, $0x1  }
0x118: {  	v3 =	vand.u32 $0x7, v3;
	v4 =	vand.u32 $0xFFFFFFF0, v63  }
0x119: {  	v3 =	vor.u32 v3, v4  }
0x11a: {  	v4 =	vperm.xlane v3, v0;
	_ =	sdelay $0x1  }
0x11b: {  	v3 =	vperm.xlane v3, v2;
	v4 =	vadd.s32 v1, v4;
	_ =	sdelay $0x1  }
0x11c: {  	v3 =	vadd.s32 v1, v3;
	_ =	sdelay $0x2  }
0x11d: {  	[tilespmem:s19], [sflag:$0x4] =	stream.indirect_vreg.gather [hbm4b:s4+s2], $0x80, v4, vm0, $0xb8;
	[tilespmem:$0x1CF00] =	vst v63  }
0x11e: {  	s28 =	simm.s32 $0x1  }
0x11f: {  	[tilespmem:s20], [sflag:$0x4] =	stream.indirect_vreg.gather [hbm4b:s4+s2], $0x80, v3, vm0, $0xb8;
	[tilespmem:$0x1CF00] =	vst v63  }
.LBB2_2:
0x120: {  	_ =	swait.ge [sflag:s21], $0x6000  }
0x121: {  	[sflag:s21] =	ssyncset.done $0x0  }
0x122: {  	[sflag:s21] =	ssyncadd.s32 $0xFFFFA000  }
0x123: {  	s0 =	simm.s32 $0x0;
	_ =	swait.ge [sflag:s22], $0x6000  }
0x124: {  	s1 =	sand.u32 $0x7800, s0;
	s0 =	sand.u32 $0x380, s0;
	[sflag:s22] =	ssyncset.done $0x0  }
0x125: {  	s31 =	sor.u32 s0, s1;
	[sflag:s22] =	ssyncadd.s32 $0xFFFFA000  }
0x126: {  	v3 =	vld [tilespmem:s31+$0xB370]  }
0x127: {  	v4 =	vld [tilespmem:s31+$0xAF00]  }
0x128: {  	v5 =	vld [tilespmem:s31+$0xAF10]  }
0x129: {  	v6 =	vld [tilespmem:s31+$0xAF20]  }
0x12a: {  	v7 =	vld [tilespmem:s31+$0xAF30]  }
0x12b: {  	v8 =	vld [tilespmem:s31+$0xAF40]  }
0x12c: {  	v9 =	vld [tilespmem:s31+$0xAF50]  }
0x12d: {  	v10 =	vld [tilespmem:s31+$0xAF60]  }
0x12e: {  	v11 =	vld [tilespmem:s31+$0xAF70]  }
0x12f: {  	v12 =	vld [tilespmem:s31+$0xB300]  }
0x130: {  	v13 =	vld [tilespmem:s31+$0xB310]  }
0x131: {  	v14 =	vld [tilespmem:s31+$0xB320]  }
0x132: {  	v15 =	vld [tilespmem:s31+$0xB330]  }
0x133: {  	v16 =	vld [tilespmem:s31+$0xB340]  }
0x134: {  	v17 =	vld [tilespmem:s31+$0xB350]  }
0x135: {  	[tilespmem:s31+$0x5370] =	vst.add.f32.msk $0xffff, v3  }
0x136: {  	v3 =	vld [tilespmem:s31+$0xB360]  }
0x137: {  	[tilespmem:s31+$0x4F00] =	vst.add.f32.msk $0xffff, v4  }
0x138: {  	[tilespmem:s31+$0x4F10] =	vst.add.f32.msk $0xffff, v5  }
0x139: {  	[tilespmem:s31+$0x4F20] =	vst.add.f32.msk $0xffff, v6  }
0x13a: {  	[tilespmem:s31+$0x4F30] =	vst.add.f32.msk $0xffff, v7  }
0x13b: {  	[tilespmem:s31+$0x4F40] =	vst.add.f32.msk $0xffff, v8  }
0x13c: {  	[tilespmem:s31+$0x4F50] =	vst.add.f32.msk $0xffff, v9  }
0x13d: {  	[tilespmem:s31+$0x4F60] =	vst.add.f32.msk $0xffff, v10  }
0x13e: {  	[tilespmem:s31+$0x4F70] =	vst.add.f32.msk $0xffff, v11  }
0x13f: {  	[tilespmem:s31+$0x5300] =	vst.add.f32.msk $0xffff, v12  }
0x140: {  	[tilespmem:s31+$0x5310] =	vst.add.f32.msk $0xffff, v13  }
0x141: {  	[tilespmem:s31+$0x5320] =	vst.add.f32.msk $0xffff, v14  }
0x142: {  	[tilespmem:s31+$0x5330] =	vst.add.f32.msk $0xffff, v15  }
0x143: {  	s15 =	simm.s32 $0x100;
	s1 =	simm.s32 $0x80;
	[tilespmem:s31+$0x5340] =	vst.add.f32.msk $0xffff, v16  }
0x144: {  	s15 =	sand.u32 $0x7800, s15;
	s0 =	simm.s32 $0x200;
	s6 =	sand.u32 $0x380, s1;
	[tilespmem:s31+$0x5350] =	vst.add.f32.msk $0xffff, v17  }
.LBB2_3:
0x145: {  	p0 =	sne.s32 s0, $0x5F00;
	[tilespmem:s31+$0x5360] =	vst.add.f32.msk $0xffff, v3;
	s31 =	sor.u32 s6, s15  }
0x146: {  	v3 =	vld [tilespmem:s31+$0xB370]  }
0x147: {  	v4 =	vld [tilespmem:s31+$0xAF00]  }
0x148: {  	v5 =	vld [tilespmem:s31+$0xAF10]  }
0x149: {  	v6 =	vld [tilespmem:s31+$0xAF20]  }
0x14a: {  	v7 =	vld [tilespmem:s31+$0xAF30]  }
0x14b: {  	[tilespmem:s31+$0x5370] =	vst.add.f32.msk $0xffff, v3  }
0x14c: {  	v8 =	vld [tilespmem:s31+$0xAF40]  }
0x14d: {  	v9 =	vld [tilespmem:s31+$0xAF50]  }
0x14e: {  	v10 =	vld [tilespmem:s31+$0xAF60]  }
0x14f: {  	v11 =	vld [tilespmem:s31+$0xAF70]  }
0x150: {  	v12 =	vld [tilespmem:s31+$0xB300]  }
0x151: {  	v13 =	vld [tilespmem:s31+$0xB310]  }
0x152: {  	v14 =	vld [tilespmem:s31+$0xB320]  }
0x153: {  	v15 =	vld [tilespmem:s31+$0xB330]  }
0x154: {  	v16 =	vld [tilespmem:s31+$0xB340]  }
0x155: {  	v17 =	vld [tilespmem:s31+$0xB350]  }
0x156: {  	v3 =	vld [tilespmem:s31+$0xB360]  }
0x157: {  	[tilespmem:s31+$0x4F00] =	vst.add.f32.msk $0xffff, v4  }
0x158: {  	[tilespmem:s31+$0x4F10] =	vst.add.f32.msk $0xffff, v5  }
0x159: {  	[tilespmem:s31+$0x4F20] =	vst.add.f32.msk $0xffff, v6  }
0x15a: {  	[tilespmem:s31+$0x4F30] =	vst.add.f32.msk $0xffff, v7  }
0x15b: {  	[tilespmem:s31+$0x4F40] =	vst.add.f32.msk $0xffff, v8  }
0x15c: {  	[tilespmem:s31+$0x4F50] =	vst.add.f32.msk $0xffff, v9  }
0x15d: {  	[tilespmem:s31+$0x4F60] =	vst.add.f32.msk $0xffff, v10  }
0x15e: {  	[tilespmem:s31+$0x4F70] =	vst.add.f32.msk $0xffff, v11  }
0x15f: {  	[tilespmem:s31+$0x5300] =	vst.add.f32.msk $0xffff, v12  }
.Ltmp0:
0x160: {  	[tilespmem:s31+$0x5310] =	vst.add.f32.msk $0xffff, v13;
	(pc) =	sbr.rel @p0 .LBB2_3-.Ltmp0, $4  }
0x161: {  	[tilespmem:s31+$0x5320] =	vst.add.f32.msk $0xffff, v14  }
0x162: {  	[tilespmem:s31+$0x5330] =	vst.add.f32.msk $0xffff, v15  }
0x163: {  	s1 =	sadd.s32 $0x80, s1;
	[tilespmem:s31+$0x5340] =	vst.add.f32.msk $0xffff, v16  }
0x164: {  	s15 =	sand.u32 $0x7800, s0;
	s0 =	sadd.s32 $0x100, s0;
	s6 =	sand.u32 $0x380, s1;
	[tilespmem:s31+$0x5350] =	vst.add.f32.msk $0xffff, v17  }
0x165: {  	s0 =	sor.u32 s6, s15;
	[tilespmem:s31+$0x5360] =	vst.add.f32.msk $0xffff, v3  }
0x166: {  	v3 =	vld [tilespmem:s0+$0xB370]  }
0x167: {  	v4 =	vld [tilespmem:s0+$0xAF00]  }
0x168: {  	v5 =	vld [tilespmem:s0+$0xAF10]  }
0x169: {  	v6 =	vld [tilespmem:s0+$0xAF20]  }
0x16a: {  	v7 =	vld [tilespmem:s0+$0xAF30]  }
0x16b: {  	v8 =	vld [tilespmem:s0+$0xAF50]  }
0x16c: {  	v9 =	vld [tilespmem:s0+$0xAF60]  }
0x16d: {  	v10 =	vld [tilespmem:s0+$0xAF70]  }
0x16e: {  	v11 =	vld [tilespmem:s0+$0xB300]  }
0x16f: {  	v12 =	vld [tilespmem:s0+$0xB310]  }
0x170: {  	v13 =	vld [tilespmem:s0+$0xB320]  }
0x171: {  	v14 =	vld [tilespmem:s0+$0xB330]  }
0x172: {  	v15 =	vld [tilespmem:s0+$0xB340]  }
0x173: {  	v16 =	vld [tilespmem:s0+$0xB350]  }
0x174: {  	v17 =	vld [tilespmem:s0+$0xB360]  }
0x175: {  	[tilespmem:s0+$0x5370] =	vst.add.f32.msk $0xffff, v3  }
0x176: {  	v3 =	vld [tilespmem:s0+$0xAF40]  }
0x177: {  	[tilespmem:s0+$0x4F00] =	vst.add.f32.msk $0xffff, v4  }
0x178: {  	[tilespmem:s0+$0x4F10] =	vst.add.f32.msk $0xffff, v5  }
0x179: {  	[tilespmem:s0+$0x4F20] =	vst.add.f32.msk $0xffff, v6  }
0x17a: {  	[tilespmem:s0+$0x4F30] =	vst.add.f32.msk $0xffff, v7  }
0x17b: {  	[tilespmem:s0+$0x4F50] =	vst.add.f32.msk $0xffff, v8  }
0x17c: {  	[tilespmem:s0+$0x4F60] =	vst.add.f32.msk $0xffff, v9  }
0x17d: {  	[tilespmem:s0+$0x4F70] =	vst.add.f32.msk $0xffff, v10  }
0x17e: {  	[tilespmem:s0+$0x5300] =	vst.add.f32.msk $0xffff, v11  }
0x17f: {  	[tilespmem:s0+$0x5310] =	vst.add.f32.msk $0xffff, v12  }
0x180: {  	[tilespmem:s0+$0x5320] =	vst.add.f32.msk $0xffff, v13  }
0x181: {  	s31 =	smul.u32 $0xC0, s28;
	[tilespmem:s0+$0x5330] =	vst.add.f32.msk $0xffff, v14  }
0x182: {  	[tilespmem:s0+$0x5340] =	vst.add.f32.msk $0xffff, v15  }
0x183: {  	s1 =	sadd.s32 s31, s8;
	[tilespmem:s0+$0x5350] =	vst.add.f32.msk $0xffff, v16  }
0x184: {  	s1 =	sshll.u32 s1, $0x5;
	[tilespmem:s0+$0x5360] =	vst.add.f32.msk $0xffff, v17  }
0x185: {  	s6 =	simm.s32 $0x0;
	s1 =	sadd.s32 s5, s1;
	[tilespmem:s0+$0x4F40] =	vst.add.f32.msk $0xffff, v3  }
0x186: {  	[hbm4b:s1+s6] =	stream.linear.scatter [tilespmem:s16], [sflag:$0x5], $0x6000, $0x38;
	[tilespmem:$0x1CF00] =	vst v63  }
0x187: {  	_ =	swait.ge [sflag:s23], $0x6000  }
0x188: {  	[sflag:s23] =	ssyncset.done $0x0  }
0x189: {  	[sflag:s23] =	ssyncadd.s32 $0xFFFFA000  }
0x18a: {  	_ =	swait.ge [sflag:s24], $0x6000  }
0x18b: {  	s7 =	sand.u32 $0x7800, s6;
	s1 =	sand.u32 $0x380, s6;
	[sflag:s24] =	ssyncset.done $0x0  }
0x18c: {  	s1 =	sor.u32 s1, s7;
	[sflag:s24] =	ssyncadd.s32 $0xFFFFA000  }
0x18d: {  	v3 =	vld [tilespmem:s1+$0x17370]  }
0x18e: {  	v4 =	vld [tilespmem:s1+$0x16F00]  }
0x18f: {  	v5 =	vld [tilespmem:s1+$0x16F10]  }
0x190: {  	v52 =	vld [tilespmem:s1+$0x16F20]  }
0x191: {  	v53 =	vld [tilespmem:s1+$0x16F30]  }
0x192: {  	v54 =	vld [tilespmem:s1+$0x16F40]  }
0x193: {  	v55 =	vld [tilespmem:s1+$0x16F50]  }
0x194: {  	v56 =	vld [tilespmem:s1+$0x16F60]  }
0x195: {  	v57 =	vld [tilespmem:s1+$0x16F70]  }
0x196: {  	v58 =	vld [tilespmem:s1+$0x17300]  }
0x197: {  	v59 =	vld [tilespmem:s1+$0x17310]  }
0x198: {  	v60 =	vld [tilespmem:s1+$0x17320]  }
0x199: {  	v61 =	vld [tilespmem:s1+$0x17330]  }
0x19a: {  	v62 =	vld [tilespmem:s1+$0x17340]  }
0x19b: {  	v63 =	vld [tilespmem:s1+$0x17350]  }
0x19c: {  	[tilespmem:s1+$0x11370] =	vst.add.f32.msk $0xffff, v3  }
0x19d: {  	v3 =	vld [tilespmem:s1+$0x17360]  }
0x19e: {  	[tilespmem:s1+$0x10F00] =	vst.add.f32.msk $0xffff, v4  }
0x19f: {  	[tilespmem:s1+$0x10F10] =	vst.add.f32.msk $0xffff, v5  }
0x1a0: {  	[tilespmem:s1+$0x10F20] =	vst.add.f32.msk $0xffff, v52  }
0x1a1: {  	[tilespmem:s1+$0x10F30] =	vst.add.f32.msk $0xffff, v53  }
0x1a2: {  	[tilespmem:s1+$0x10F40] =	vst.add.f32.msk $0xffff, v54  }
0x1a3: {  	[tilespmem:s1+$0x10F50] =	vst.add.f32.msk $0xffff, v55  }
0x1a4: {  	[tilespmem:s1+$0x10F60] =	vst.add.f32.msk $0xffff, v56  }
0x1a5: {  	[tilespmem:s1+$0x10F70] =	vst.add.f32.msk $0xffff, v57  }
0x1a6: {  	[tilespmem:s1+$0x11300] =	vst.add.f32.msk $0xffff, v58  }
0x1a7: {  	[tilespmem:s1+$0x11310] =	vst.add.f32.msk $0xffff, v59  }
0x1a8: {  	[tilespmem:s1+$0x11320] =	vst.add.f32.msk $0xffff, v60  }
0x1a9: {  	[tilespmem:s1+$0x11330] =	vst.add.f32.msk $0xffff, v61  }
0x1aa: {  	s15 =	simm.s32 $0x100;
	s0 =	simm.s32 $0x80;
	[tilespmem:s1+$0x11340] =	vst.add.f32.msk $0xffff, v62  }
0x1ab: {  	s6 =	sand.u32 $0x7800, s15;
	s15 =	simm.s32 $0x200;
	s7 =	sand.u32 $0x380, s0;
	[tilespmem:s1+$0x11350] =	vst.add.f32.msk $0xffff, v63  }
.LBB2_5:
0x1ac: {  	p0 =	sne.s32 s15, $0x5F00;
	[tilespmem:s1+$0x11360] =	vst.add.f32.msk $0xffff, v3;
	s1 =	sor.u32 s7, s6  }
0x1ad: {  	v3 =	vld [tilespmem:s1+$0x17370]  }
0x1ae: {  	v4 =	vld [tilespmem:s1+$0x16F00]  }
0x1af: {  	v5 =	vld [tilespmem:s1+$0x16F10]  }
0x1b0: {  	v6 =	vld [tilespmem:s1+$0x16F20]  }
0x1b1: {  	v7 =	vld [tilespmem:s1+$0x16F30]  }
0x1b2: {  	[tilespmem:s1+$0x11370] =	vst.add.f32.msk $0xffff, v3  }
0x1b3: {  	v8 =	vld [tilespmem:s1+$0x16F40]  }
0x1b4: {  	v9 =	vld [tilespmem:s1+$0x16F50]  }
0x1b5: {  	v10 =	vld [tilespmem:s1+$0x16F60]  }
0x1b6: {  	v11 =	vld [tilespmem:s1+$0x16F70]  }
0x1b7: {  	v12 =	vld [tilespmem:s1+$0x17300]  }
0x1b8: {  	v13 =	vld [tilespmem:s1+$0x17310]  }
0x1b9: {  	v14 =	vld [tilespmem:s1+$0x17320]  }
0x1ba: {  	v15 =	vld [tilespmem:s1+$0x17330]  }
0x1bb: {  	v16 =	vld [tilespmem:s1+$0x17340]  }
0x1bc: {  	v17 =	vld [tilespmem:s1+$0x17350]  }
0x1bd: {  	v3 =	vld [tilespmem:s1+$0x17360]  }
0x1be: {  	[tilespmem:s1+$0x10F00] =	vst.add.f32.msk $0xffff, v4  }
0x1bf: {  	[tilespmem:s1+$0x10F10] =	vst.add.f32.msk $0xffff, v5  }
0x1c0: {  	[tilespmem:s1+$0x10F20] =	vst.add.f32.msk $0xffff, v6  }
0x1c1: {  	[tilespmem:s1+$0x10F30] =	vst.add.f32.msk $0xffff, v7  }
0x1c2: {  	[tilespmem:s1+$0x10F40] =	vst.add.f32.msk $0xffff, v8  }
0x1c3: {  	[tilespmem:s1+$0x10F50] =	vst.add.f32.msk $0xffff, v9  }
0x1c4: {  	[tilespmem:s1+$0x10F60] =	vst.add.f32.msk $0xffff, v10  }
0x1c5: {  	[tilespmem:s1+$0x10F70] =	vst.add.f32.msk $0xffff, v11  }
0x1c6: {  	[tilespmem:s1+$0x11300] =	vst.add.f32.msk $0xffff, v12  }
.Ltmp1:
0x1c7: {  	[tilespmem:s1+$0x11310] =	vst.add.f32.msk $0xffff, v13;
	(pc) =	sbr.rel @p0 .LBB2_5-.Ltmp1, $4  }
0x1c8: {  	[tilespmem:s1+$0x11320] =	vst.add.f32.msk $0xffff, v14  }
0x1c9: {  	[tilespmem:s1+$0x11330] =	vst.add.f32.msk $0xffff, v15  }
0x1ca: {  	s0 =	sadd.s32 $0x80, s0;
	[tilespmem:s1+$0x11340] =	vst.add.f32.msk $0xffff, v16  }
0x1cb: {  	s6 =	sand.u32 $0x7800, s15;
	s15 =	sadd.s32 $0x100, s15;
	s7 =	sand.u32 $0x380, s0;
	[tilespmem:s1+$0x11350] =	vst.add.f32.msk $0xffff, v17  }
0x1cc: {  	s0 =	sor.u32 s7, s6;
	[tilespmem:s1+$0x11360] =	vst.add.f32.msk $0xffff, v3  }
0x1cd: {  	v3 =	vld [tilespmem:s0+$0x17370]  }
0x1ce: {  	v4 =	vld [tilespmem:s0+$0x16F00]  }
0x1cf: {  	v5 =	vld [tilespmem:s0+$0x16F10]  }
0x1d0: {  	v6 =	vld [tilespmem:s0+$0x16F20]  }
0x1d1: {  	v7 =	vld [tilespmem:s0+$0x16F30]  }
0x1d2: {  	v8 =	vld [tilespmem:s0+$0x16F50]  }
0x1d3: {  	v9 =	vld [tilespmem:s0+$0x16F60]  }
0x1d4: {  	v10 =	vld [tilespmem:s0+$0x16F70]  }
0x1d5: {  	v11 =	vld [tilespmem:s0+$0x17300]  }
0x1d6: {  	v12 =	vld [tilespmem:s0+$0x17310]  }
0x1d7: {  	v13 =	vld [tilespmem:s0+$0x17320]  }
0x1d8: {  	v14 =	vld [tilespmem:s0+$0x17330]  }
0x1d9: {  	v15 =	vld [tilespmem:s0+$0x17340]  }
0x1da: {  	v16 =	vld [tilespmem:s0+$0x17350]  }
0x1db: {  	v17 =	vld [tilespmem:s0+$0x17360]  }
0x1dc: {  	[tilespmem:s0+$0x11370] =	vst.add.f32.msk $0xffff, v3  }
0x1dd: {  	v3 =	vld [tilespmem:s0+$0x16F40]  }
0x1de: {  	[tilespmem:s0+$0x10F00] =	vst.add.f32.msk $0xffff, v4  }
0x1df: {  	[tilespmem:s0+$0x10F10] =	vst.add.f32.msk $0xffff, v5  }
0x1e0: {  	[tilespmem:s0+$0x10F20] =	vst.add.f32.msk $0xffff, v6  }
0x1e1: {  	[tilespmem:s0+$0x10F30] =	vst.add.f32.msk $0xffff, v7  }
0x1e2: {  	[tilespmem:s0+$0x10F50] =	vst.add.f32.msk $0xffff, v8  }
0x1e3: {  	[tilespmem:s0+$0x10F60] =	vst.add.f32.msk $0xffff, v9  }
0x1e4: {  	[tilespmem:s0+$0x10F70] =	vst.add.f32.msk $0xffff, v10  }
0x1e5: {  	[tilespmem:s0+$0x11300] =	vst.add.f32.msk $0xffff, v11  }
0x1e6: {  	[tilespmem:s0+$0x11310] =	vst.add.f32.msk $0xffff, v12  }
0x1e7: {  	[tilespmem:s0+$0x11320] =	vst.add.f32.msk $0xffff, v13  }
0x1e8: {  	[tilespmem:s0+$0x11330] =	vst.add.f32.msk $0xffff, v14  }
0x1e9: {  	[tilespmem:s0+$0x11340] =	vst.add.f32.msk $0xffff, v15  }
0x1ea: {  	s7 =	sadd.s32 s31, s9;
	[tilespmem:s0+$0x11350] =	vst.add.f32.msk $0xffff, v16  }
0x1eb: {  	s1 =	sshll.u32 s7, $0x5;
	[tilespmem:s0+$0x11360] =	vst.add.f32.msk $0xffff, v17  }
0x1ec: {  	s15 =	sadd.s32 s5, s1;
	[tilespmem:s0+$0x10F40] =	vst.add.f32.msk $0xffff, v3  }
0x1ed: {  	[hbm4b:s15+s2] =	stream.linear.scatter [tilespmem:s14], [sflag:$0x6], $0x6000, $0x38;
	[tilespmem:$0x1CF00] =	vst v63  }
0x1ee: {  	_ =	swait.ge [sflag:s25], $0x6000  }
0x1ef: {  	[sflag:s25] =	ssyncset.done $0x0  }
0x1f0: {  	[sflag:s25] =	ssyncadd.s32 $0xFFFFA000  }
0x1f1: {  	v3 =	vld [tilespmem:s31+$0x0];
	_ =	sdelay $0x4  }
0x1f2: {  	v40 =	vshll.u32 v3, $0x1  }
0x1f3: {  	v3 =	vand.u32 $0x7, v3;
	v4 =	vand.u32 $0xFFFFFFF0, v40  }
0x1f4: {  	v3 =	vor.u32 v3, v4  }
0x1f5: {  	v4 =	vperm.xlane v3, v0;
	_ =	sdelay $0x1  }
0x1f6: {  	v3 =	vperm.xlane v3, v2;
	v4 =	vadd.s32 v1, v4;
	_ =	sdelay $0x1  }
0x1f7: {  	v3 =	vadd.s32 v1, v3;
	_ =	sdelay $0x2  }
0x1f8: {  	[tilespmem:s16], [sflag:$0x1] =	stream.indirect_vreg.gather [hbm4b:s3+s2], $0x80, v4, vm0, $0xb8;
	[tilespmem:$0x1CF00] =	vst v63  }
0x1f9: {  	_ = 	snop  }
0x1fa: {  	[tilespmem:s17], [sflag:$0x1] =	stream.indirect_vreg.gather [hbm4b:s3+s2], $0x80, v3, vm0, $0xb8;
	[tilespmem:$0x1CF00] =	vst v63  }
0x1fb: {  	v3 =	vld [tilespmem:s31+$0x10];
	_ =	sdelay $0x4  }
0x1fc: {  	v41 =	vshll.u32 v3, $0x1  }
0x1fd: {  	v3 =	vand.u32 $0x7, v3;
	v4 =	vand.u32 $0xFFFFFFF0, v41  }
0x1fe: {  	v3 =	vor.u32 v3, v4  }
0x1ff: {  	v4 =	vperm.xlane v3, v0;
	_ =	sdelay $0x1  }
0x200: {  	v3 =	vperm.xlane v3, v2;
	v4 =	vadd.s32 v1, v4;
	_ =	sdelay $0x1  }
0x201: {  	v3 =	vadd.s32 v1, v3;
	_ =	sdelay $0x1  }
0x202: {  	s1 =	simm.s32 $0x5F00  }
0x203: {  	[tilespmem:s1], [sflag:$0x1] =	stream.indirect_vreg.gather [hbm4b:s3+s2], $0x80, v4, vm0, $0xb8;
	[tilespmem:$0x1CF00] =	vst v63  }
0x204: {  	s6 =	simm.s32 $0x6700  }
0x205: {  	[tilespmem:s6], [sflag:$0x1] =	stream.indirect_vreg.gather [hbm4b:s3+s2], $0x80, v3, vm0, $0xb8;
	[tilespmem:$0x1CF00] =	vst v63  }
0x206: {  	v3 =	vld [tilespmem:s31+$0x20];
	_ =	sdelay $0x4  }
0x207: {  	v42 =	vshll.u32 v3, $0x1  }
0x208: {  	v3 =	vand.u32 $0x7, v3;
	v4 =	vand.u32 $0xFFFFFFF0, v42  }
0x209: {  	v3 =	vor.u32 v3, v4  }
0x20a: {  	v4 =	vperm.xlane v3, v0;
	_ =	sdelay $0x1  }
0x20b: {  	v3 =	vperm.xlane v3, v2;
	v4 =	vadd.s32 v1, v4;
	_ =	sdelay $0x1  }
0x20c: {  	v3 =	vadd.s32 v1, v3;
	_ =	sdelay $0x1  }
0x20d: {  	s7 =	simm.s32 $0x6F00  }
0x20e: {  	[tilespmem:s7], [sflag:$0x1] =	stream.indirect_vreg.gather [hbm4b:s3+s2], $0x80, v4, vm0, $0xb8;
	[tilespmem:$0x1CF00] =	vst v63  }
0x20f: {  	s15 =	simm.s32 $0x7700  }
0x210: {  	[tilespmem:s15], [sflag:$0x1] =	stream.indirect_vreg.gather [hbm4b:s3+s2], $0x80, v3, vm0, $0xb8;
	[tilespmem:$0x1CF00] =	vst v63  }
0x211: {  	v3 =	vld [tilespmem:s31+$0x30];
	_ =	sdelay $0x4  }
0x212: {  	v43 =	vshll.u32 v3, $0x1  }
0x213: {  	v3 =	vand.u32 $0x7, v3;
	v4 =	vand.u32 $0xFFFFFFF0, v43  }
0x214: {  	v3 =	vor.u32 v3, v4  }
0x215: {  	v4 =	vperm.xlane v3, v0;
	_ =	sdelay $0x1  }
0x216: {  	v3 =	vperm.xlane v3, v2;
	v4 =	vadd.s32 v1, v4;
	_ =	sdelay $0x1  }
0x217: {  	v3 =	vadd.s32 v1, v3;
	_ =	sdelay $0x1  }
0x218: {  	s1 =	simm.s32 $0x7F00  }
0x219: {  	[tilespmem:s1], [sflag:$0x1] =	stream.indirect_vreg.gather [hbm4b:s3+s2], $0x80, v4, vm0, $0xb8;
	[tilespmem:$0x1CF00] =	vst v63  }
0x21a: {  	s6 =	simm.s32 $0x8700  }
0x21b: {  	[tilespmem:s6], [sflag:$0x1] =	stream.indirect_vreg.gather [hbm4b:s3+s2], $0x80, v3, vm0, $0xb8;
	[tilespmem:$0x1CF00] =	vst v63  }
0x21c: {  	v3 =	vld [tilespmem:s31+$0x40];
	_ =	sdelay $0x4  }
0x21d: {  	v44 =	vshll.u32 v3, $0x1  }
0x21e: {  	v3 =	vand.u32 $0x7, v3;
	v4 =	vand.u32 $0xFFFFFFF0, v44  }
0x21f: {  	v3 =	vor.u32 v3, v4  }
0x220: {  	v4 =	vperm.xlane v3, v0;
	_ =	sdelay $0x1  }
0x221: {  	v3 =	vperm.xlane v3, v2;
	v4 =	vadd.s32 v1, v4;
	_ =	sdelay $0x1  }
0x222: {  	v3 =	vadd.s32 v1, v3;
	_ =	sdelay $0x1  }
0x223: {  	s7 =	simm.s32 $0x8F00  }
0x224: {  	[tilespmem:s7], [sflag:$0x1] =	stream.indirect_vreg.gather [hbm4b:s3+s2], $0x80, v4, vm0, $0xb8;
	[tilespmem:$0x1CF00] =	vst v63  }
0x225: {  	s15 =	simm.s32 $0x9700  }
0x226: {  	[tilespmem:s15], [sflag:$0x1] =	stream.indirect_vreg.gather [hbm4b:s3+s2], $0x80, v3, vm0, $0xb8;
	[tilespmem:$0x1CF00] =	vst v63  }
0x227: {  	v3 =	vld [tilespmem:s31+$0x50];
	_ =	sdelay $0x4  }
0x228: {  	v45 =	vshll.u32 v3, $0x1  }
0x229: {  	v3 =	vand.u32 $0x7, v3;
	v4 =	vand.u32 $0xFFFFFFF0, v45  }
0x22a: {  	v3 =	vor.u32 v3, v4  }
0x22b: {  	v4 =	vperm.xlane v3, v0;
	_ =	sdelay $0x1  }
0x22c: {  	v3 =	vperm.xlane v3, v2;
	v4 =	vadd.s32 v1, v4;
	_ =	sdelay $0x1  }
0x22d: {  	v3 =	vadd.s32 v1, v3;
	_ =	sdelay $0x1  }
0x22e: {  	s1 =	simm.s32 $0x9F00  }
0x22f: {  	[tilespmem:s1], [sflag:$0x1] =	stream.indirect_vreg.gather [hbm4b:s3+s2], $0x80, v4, vm0, $0xb8;
	[tilespmem:$0x1CF00] =	vst v63  }
0x230: {  	s6 =	simm.s32 $0xA700  }
0x231: {  	[tilespmem:s6], [sflag:$0x1] =	stream.indirect_vreg.gather [hbm4b:s3+s2], $0x80, v3, vm0, $0xb8;
	[tilespmem:$0x1CF00] =	vst v63  }
0x232: {  	v3 =	vld [tilespmem:s31+$0x2780];
	_ =	sdelay $0x4  }
0x233: {  	v46 =	vshll.u32 v3, $0x1  }
0x234: {  	v3 =	vand.u32 $0x7, v3;
	v4 =	vand.u32 $0xFFFFFFF0, v46  }
0x235: {  	v3 =	vor.u32 v3, v4  }
0x236: {  	v4 =	vperm.xlane v3, v0;
	_ =	sdelay $0x1  }
0x237: {  	v3 =	vperm.xlane v3, v2;
	v4 =	vadd.s32 v1, v4;
	_ =	sdelay $0x1  }
0x238: {  	v3 =	vadd.s32 v1, v3;
	_ =	sdelay $0x2  }
0x239: {  	[tilespmem:s29], [sflag:$0x2] =	stream.indirect_vreg.gather [hbm4b:s4+s2], $0x80, v4, vm0, $0xb8;
	[tilespmem:$0x1CF00] =	vst v63  }
0x23a: {  	_ = 	snop  }
0x23b: {  	[tilespmem:s30], [sflag:$0x2] =	stream.indirect_vreg.gather [hbm4b:s4+s2], $0x80, v3, vm0, $0xb8;
	[tilespmem:$0x1CF00] =	vst v63  }
0x23c: {  	v3 =	vld [tilespmem:s31+$0x2790];
	_ =	sdelay $0x4  }
0x23d: {  	v47 =	vshll.u32 v3, $0x1  }
0x23e: {  	v3 =	vand.u32 $0x7, v3;
	v4 =	vand.u32 $0xFFFFFFF0, v47  }
0x23f: {  	v3 =	vor.u32 v3, v4  }
0x240: {  	v4 =	vperm.xlane v3, v0;
	_ =	sdelay $0x1  }
0x241: {  	v3 =	vperm.xlane v3, v2;
	v4 =	vadd.s32 v1, v4;
	_ =	sdelay $0x1  }
0x242: {  	v3 =	vadd.s32 v1, v3;
	_ =	sdelay $0x1  }
0x243: {  	s7 =	simm.s32 $0xBF00  }
0x244: {  	[tilespmem:s7], [sflag:$0x2] =	stream.indirect_vreg.gather [hbm4b:s4+s2], $0x80, v4, vm0, $0xb8;
	[tilespmem:$0x1CF00] =	vst v63  }
0x245: {  	s15 =	simm.s32 $0xC700  }
0x246: {  	[tilespmem:s15], [sflag:$0x2] =	stream.indirect_vreg.gather [hbm4b:s4+s2], $0x80, v3, vm0, $0xb8;
	[tilespmem:$0x1CF00] =	vst v63  }
0x247: {  	v3 =	vld [tilespmem:s31+$0x27A0];
	_ =	sdelay $0x4  }
0x248: {  	v48 =	vshll.u32 v3, $0x1  }
0x249: {  	v3 =	vand.u32 $0x7, v3;
	v4 =	vand.u32 $0xFFFFFFF0, v48  }
0x24a: {  	v3 =	vor.u32 v3, v4  }
0x24b: {  	v4 =	vperm.xlane v3, v0;
	_ =	sdelay $0x1  }
0x24c: {  	v3 =	vperm.xlane v3, v2;
	v4 =	vadd.s32 v1, v4;
	_ =	sdelay $0x1  }
0x24d: {  	v3 =	vadd.s32 v1, v3;
	_ =	sdelay $0x1  }
0x24e: {  	s1 =	simm.s32 $0xCF00  }
0x24f: {  	[tilespmem:s1], [sflag:$0x2] =	stream.indirect_vreg.gather [hbm4b:s4+s2], $0x80, v4, vm0, $0xb8;
	[tilespmem:$0x1CF00] =	vst v63  }
0x250: {  	s6 =	simm.s32 $0xD700  }
0x251: {  	[tilespmem:s6], [sflag:$0x2] =	stream.indirect_vreg.gather [hbm4b:s4+s2], $0x80, v3, vm0, $0xb8;
	[tilespmem:$0x1CF00] =	vst v63  }
0x252: {  	v3 =	vld [tilespmem:s31+$0x27B0];
	_ =	sdelay $0x4  }
0x253: {  	v49 =	vshll.u32 v3, $0x1  }
0x254: {  	v3 =	vand.u32 $0x7, v3;
	v4 =	vand.u32 $0xFFFFFFF0, v49  }
0x255: {  	v3 =	vor.u32 v3, v4  }
0x256: {  	v4 =	vperm.xlane v3, v0;
	_ =	sdelay $0x1  }
0x257: {  	v3 =	vperm.xlane v3, v2;
	v4 =	vadd.s32 v1, v4;
	_ =	sdelay $0x1  }
0x258: {  	v3 =	vadd.s32 v1, v3;
	_ =	sdelay $0x1  }
0x259: {  	s7 =	simm.s32 $0xDF00  }
0x25a: {  	[tilespmem:s7], [sflag:$0x2] =	stream.indirect_vreg.gather [hbm4b:s4+s2], $0x80, v4, vm0, $0xb8;
	[tilespmem:$0x1CF00] =	vst v63  }
0x25b: {  	s15 =	simm.s32 $0xE700  }
0x25c: {  	[tilespmem:s15], [sflag:$0x2] =	stream.indirect_vreg.gather [hbm4b:s4+s2], $0x80, v3, vm0, $0xb8;
	[tilespmem:$0x1CF00] =	vst v63  }
0x25d: {  	v3 =	vld [tilespmem:s31+$0x27C0];
	_ =	sdelay $0x4  }
0x25e: {  	v50 =	vshll.u32 v3, $0x1  }
0x25f: {  	v3 =	vand.u32 $0x7, v3;
	v4 =	vand.u32 $0xFFFFFFF0, v50  }
0x260: {  	v3 =	vor.u32 v3, v4  }
0x261: {  	v4 =	vperm.xlane v3, v0;
	_ =	sdelay $0x1  }
0x262: {  	v3 =	vperm.xlane v3, v2;
	v4 =	vadd.s32 v1, v4;
	_ =	sdelay $0x1  }
0x263: {  	v3 =	vadd.s32 v1, v3;
	_ =	sdelay $0x1  }
0x264: {  	s1 =	simm.s32 $0xEF00  }
0x265: {  	[tilespmem:s1], [sflag:$0x2] =	stream.indirect_vreg.gather [hbm4b:s4+s2], $0x80, v4, vm0, $0xb8;
	[tilespmem:$0x1CF00] =	vst v63  }
0x266: {  	s6 =	simm.s32 $0xF700  }
0x267: {  	[tilespmem:s6], [sflag:$0x2] =	stream.indirect_vreg.gather [hbm4b:s4+s2], $0x80, v3, vm0, $0xb8;
	[tilespmem:$0x1CF00] =	vst v63  }
0x268: {  	v3 =	vld [tilespmem:s31+$0x27D0];
	_ =	sdelay $0x4  }
0x269: {  	v51 =	vshll.u32 v3, $0x1  }
0x26a: {  	v3 =	vand.u32 $0x7, v3;
	v4 =	vand.u32 $0xFFFFFFF0, v51  }
0x26b: {  	v3 =	vor.u32 v3, v4  }
0x26c: {  	v4 =	vperm.xlane v3, v0;
	_ =	sdelay $0x1  }
0x26d: {  	v3 =	vperm.xlane v3, v2;
	v4 =	vadd.s32 v1, v4;
	_ =	sdelay $0x1  }
0x26e: {  	v3 =	vadd.s32 v1, v3;
	_ =	sdelay $0x1  }
0x26f: {  	s7 =	simm.s32 $0xFF00  }
0x270: {  	[tilespmem:s7], [sflag:$0x2] =	stream.indirect_vreg.gather [hbm4b:s4+s2], $0x80, v4, vm0, $0xb8;
	[tilespmem:$0x1CF00] =	vst v63  }
0x271: {  	s15 =	simm.s32 $0x10700  }
0x272: {  	[tilespmem:s15], [sflag:$0x2] =	stream.indirect_vreg.gather [hbm4b:s4+s2], $0x80, v3, vm0, $0xb8;
	[tilespmem:$0x1CF00] =	vst v63  }
0x273: {  	_ =	swait.ge [sflag:s26], $0x6000  }
0x274: {  	[sflag:s26] =	ssyncset.done $0x0  }
0x275: {  	[sflag:s26] =	ssyncadd.s32 $0xFFFFA000  }
0x276: {  	v3 =	vld [tilespmem:s31+$0x60];
	_ =	sdelay $0x4  }
0x277: {  	v52 =	vshll.u32 v3, $0x1  }
0x278: {  	v3 =	vand.u32 $0x7, v3;
	v4 =	vand.u32 $0xFFFFFFF0, v52  }
0x279: {  	v3 =	vor.u32 v3, v4  }
0x27a: {  	v4 =	vperm.xlane v3, v0;
	_ =	sdelay $0x1  }
0x27b: {  	v3 =	vperm.xlane v3, v2;
	v4 =	vadd.s32 v1, v4;
	_ =	sdelay $0x1  }
0x27c: {  	v3 =	vadd.s32 v1, v3;
	_ =	sdelay $0x2  }
0x27d: {  	[tilespmem:s14], [sflag:$0x3] =	stream.indirect_vreg.gather [hbm4b:s3+s2], $0x80, v4, vm0, $0xb8;
	[tilespmem:$0x1CF00] =	vst v63  }
0x27e: {  	s1 =	simm.s32 $0x11700  }
0x27f: {  	[tilespmem:s1], [sflag:$0x3] =	stream.indirect_vreg.gather [hbm4b:s3+s2], $0x80, v3, vm0, $0xb8;
	[tilespmem:$0x1CF00] =	vst v63  }
0x280: {  	v3 =	vld [tilespmem:s31+$0x70];
	_ =	sdelay $0x4  }
0x281: {  	v53 =	vshll.u32 v3, $0x1  }
0x282: {  	v3 =	vand.u32 $0x7, v3;
	v4 =	vand.u32 $0xFFFFFFF0, v53  }
0x283: {  	v3 =	vor.u32 v3, v4  }
0x284: {  	v4 =	vperm.xlane v3, v0;
	_ =	sdelay $0x1  }
0x285: {  	v3 =	vperm.xlane v3, v2;
	v4 =	vadd.s32 v1, v4;
	_ =	sdelay $0x1  }
0x286: {  	v3 =	vadd.s32 v1, v3;
	_ =	sdelay $0x1  }
0x287: {  	s6 =	simm.s32 $0x11F00  }
0x288: {  	[tilespmem:s6], [sflag:$0x3] =	stream.indirect_vreg.gather [hbm4b:s3+s2], $0x80, v4, vm0, $0xb8;
	[tilespmem:$0x1CF00] =	vst v63  }
0x289: {  	s7 =	simm.s32 $0x12700  }
0x28a: {  	[tilespmem:s7], [sflag:$0x3] =	stream.indirect_vreg.gather [hbm4b:s3+s2], $0x80, v3, vm0, $0xb8;
	[tilespmem:$0x1CF00] =	vst v63  }
0x28b: {  	v3 =	vld [tilespmem:s31+$0x80];
	_ =	sdelay $0x4  }
0x28c: {  	v54 =	vshll.u32 v3, $0x1  }
0x28d: {  	v3 =	vand.u32 $0x7, v3;
	v4 =	vand.u32 $0xFFFFFFF0, v54  }
0x28e: {  	v3 =	vor.u32 v3, v4  }
0x28f: {  	v4 =	vperm.xlane v3, v0;
	_ =	sdelay $0x1  }
0x290: {  	v3 =	vperm.xlane v3, v2;
	v4 =	vadd.s32 v1, v4;
	_ =	sdelay $0x1  }
0x291: {  	v3 =	vadd.s32 v1, v3;
	_ =	sdelay $0x1  }
0x292: {  	s15 =	simm.s32 $0x12F00  }
0x293: {  	[tilespmem:s15], [sflag:$0x3] =	stream.indirect_vreg.gather [hbm4b:s3+s2], $0x80, v4, vm0, $0xb8;
	[tilespmem:$0x1CF00] =	vst v63  }
0x294: {  	s1 =	simm.s32 $0x13700  }
0x295: {  	[tilespmem:s1], [sflag:$0x3] =	stream.indirect_vreg.gather [hbm4b:s3+s2], $0x80, v3, vm0, $0xb8;
	[tilespmem:$0x1CF00] =	vst v63  }
0x296: {  	v3 =	vld [tilespmem:s31+$0x90];
	_ =	sdelay $0x4  }
0x297: {  	v55 =	vshll.u32 v3, $0x1  }
0x298: {  	v3 =	vand.u32 $0x7, v3;
	v4 =	vand.u32 $0xFFFFFFF0, v55  }
0x299: {  	v3 =	vor.u32 v3, v4  }
0x29a: {  	v4 =	vperm.xlane v3, v0;
	_ =	sdelay $0x1  }
0x29b: {  	v3 =	vperm.xlane v3, v2;
	v4 =	vadd.s32 v1, v4;
	_ =	sdelay $0x1  }
0x29c: {  	v3 =	vadd.s32 v1, v3;
	_ =	sdelay $0x1  }
0x29d: {  	s6 =	simm.s32 $0x13F00  }
0x29e: {  	[tilespmem:s6], [sflag:$0x3] =	stream.indirect_vreg.gather [hbm4b:s3+s2], $0x80, v4, vm0, $0xb8;
	[tilespmem:$0x1CF00] =	vst v63  }
0x29f: {  	s7 =	simm.s32 $0x14700  }
0x2a0: {  	[tilespmem:s7], [sflag:$0x3] =	stream.indirect_vreg.gather [hbm4b:s3+s2], $0x80, v3, vm0, $0xb8;
	[tilespmem:$0x1CF00] =	vst v63  }
0x2a1: {  	v3 =	vld [tilespmem:s31+$0xA0];
	_ =	sdelay $0x4  }
0x2a2: {  	v56 =	vshll.u32 v3, $0x1  }
0x2a3: {  	v3 =	vand.u32 $0x7, v3;
	v4 =	vand.u32 $0xFFFFFFF0, v56  }
0x2a4: {  	v3 =	vor.u32 v3, v4  }
0x2a5: {  	v4 =	vperm.xlane v3, v0;
	_ =	sdelay $0x1  }
0x2a6: {  	v3 =	vperm.xlane v3, v2;
	v4 =	vadd.s32 v1, v4;
	_ =	sdelay $0x1  }
0x2a7: {  	v3 =	vadd.s32 v1, v3;
	_ =	sdelay $0x1  }
0x2a8: {  	s15 =	simm.s32 $0x14F00  }
0x2a9: {  	[tilespmem:s15], [sflag:$0x3] =	stream.indirect_vreg.gather [hbm4b:s3+s2], $0x80, v4, vm0, $0xb8;
	[tilespmem:$0x1CF00] =	vst v63  }
0x2aa: {  	s1 =	simm.s32 $0x15700  }
0x2ab: {  	[tilespmem:s1], [sflag:$0x3] =	stream.indirect_vreg.gather [hbm4b:s3+s2], $0x80, v3, vm0, $0xb8;
	[tilespmem:$0x1CF00] =	vst v63  }
0x2ac: {  	v3 =	vld [tilespmem:s31+$0xB0];
	_ =	sdelay $0x4  }
0x2ad: {  	v57 =	vshll.u32 v3, $0x1  }
0x2ae: {  	v3 =	vand.u32 $0x7, v3;
	v4 =	vand.u32 $0xFFFFFFF0, v57  }
0x2af: {  	v3 =	vor.u32 v3, v4  }
0x2b0: {  	v4 =	vperm.xlane v3, v0;
	_ =	sdelay $0x1  }
0x2b1: {  	v3 =	vperm.xlane v3, v2;
	v4 =	vadd.s32 v1, v4;
	_ =	sdelay $0x1  }
0x2b2: {  	v3 =	vadd.s32 v1, v3;
	_ =	sdelay $0x1  }
0x2b3: {  	s6 =	simm.s32 $0x15F00  }
0x2b4: {  	[tilespmem:s6], [sflag:$0x3] =	stream.indirect_vreg.gather [hbm4b:s3+s2], $0x80, v4, vm0, $0xb8;
	[tilespmem:$0x1CF00] =	vst v63  }
0x2b5: {  	s7 =	simm.s32 $0x16700  }
0x2b6: {  	[tilespmem:s7], [sflag:$0x3] =	stream.indirect_vreg.gather [hbm4b:s3+s2], $0x80, v3, vm0, $0xb8;
	[tilespmem:$0x1CF00] =	vst v63  }
0x2b7: {  	v3 =	vld [tilespmem:s31+$0x27E0];
	_ =	sdelay $0x4  }
0x2b8: {  	v58 =	vshll.u32 v3, $0x1  }
0x2b9: {  	v3 =	vand.u32 $0x7, v3;
	v4 =	vand.u32 $0xFFFFFFF0, v58  }
0x2ba: {  	v3 =	vor.u32 v3, v4  }
0x2bb: {  	v4 =	vperm.xlane v3, v0;
	_ =	sdelay $0x1  }
0x2bc: {  	v3 =	vperm.xlane v3, v2;
	v4 =	vadd.s32 v1, v4;
	_ =	sdelay $0x1  }
0x2bd: {  	v3 =	vadd.s32 v1, v3;
	_ =	sdelay $0x1  }
0x2be: {  	s15 =	simm.s32 $0x16F00  }
0x2bf: {  	[tilespmem:s15], [sflag:$0x4] =	stream.indirect_vreg.gather [hbm4b:s4+s2], $0x80, v4, vm0, $0xb8;
	[tilespmem:$0x1CF00] =	vst v63  }
0x2c0: {  	s1 =	simm.s32 $0x17700  }
0x2c1: {  	[tilespmem:s1], [sflag:$0x4] =	stream.indirect_vreg.gather [hbm4b:s4+s2], $0x80, v3, vm0, $0xb8;
	[tilespmem:$0x1CF00] =	vst v63  }
0x2c2: {  	v3 =	vld [tilespmem:s31+$0x27F0];
	_ =	sdelay $0x4  }
0x2c3: {  	v59 =	vshll.u32 v3, $0x1  }
0x2c4: {  	v3 =	vand.u32 $0x7, v3;
	v4 =	vand.u32 $0xFFFFFFF0, v59  }
0x2c5: {  	v3 =	vor.u32 v3, v4  }
0x2c6: {  	v4 =	vperm.xlane v3, v0;
	_ =	sdelay $0x1  }
0x2c7: {  	v3 =	vperm.xlane v3, v2;
	v4 =	vadd.s32 v1, v4;
	_ =	sdelay $0x1  }
0x2c8: {  	v3 =	vadd.s32 v1, v3;
	_ =	sdelay $0x1  }
0x2c9: {  	s6 =	simm.s32 $0x17F00  }
0x2ca: {  	[tilespmem:s6], [sflag:$0x4] =	stream.indirect_vreg.gather [hbm4b:s4+s2], $0x80, v4, vm0, $0xb8;
	[tilespmem:$0x1CF00] =	vst v63  }
0x2cb: {  	s7 =	simm.s32 $0x18700  }
0x2cc: {  	[tilespmem:s7], [sflag:$0x4] =	stream.indirect_vreg.gather [hbm4b:s4+s2], $0x80, v3, vm0, $0xb8;
	[tilespmem:$0x1CF00] =	vst v63  }
0x2cd: {  	v3 =	vld [tilespmem:s31+$0x2800];
	_ =	sdelay $0x4  }
0x2ce: {  	v60 =	vshll.u32 v3, $0x1  }
0x2cf: {  	v3 =	vand.u32 $0x7, v3;
	v4 =	vand.u32 $0xFFFFFFF0, v60  }
0x2d0: {  	v3 =	vor.u32 v3, v4  }
0x2d1: {  	v4 =	vperm.xlane v3, v0;
	_ =	sdelay $0x1  }
0x2d2: {  	v3 =	vperm.xlane v3, v2;
	v4 =	vadd.s32 v1, v4;
	_ =	sdelay $0x1  }
0x2d3: {  	v3 =	vadd.s32 v1, v3;
	_ =	sdelay $0x1  }
0x2d4: {  	s15 =	simm.s32 $0x18F00  }
0x2d5: {  	[tilespmem:s15], [sflag:$0x4] =	stream.indirect_vreg.gather [hbm4b:s4+s2], $0x80, v4, vm0, $0xb8;
	[tilespmem:$0x1CF00] =	vst v63  }
0x2d6: {  	_ = 	snop  }
0x2d7: {  	[tilespmem:s10], [sflag:$0x4] =	stream.indirect_vreg.gather [hbm4b:s4+s2], $0x80, v3, vm0, $0xb8;
	[tilespmem:$0x1CF00] =	vst v63  }
0x2d8: {  	v3 =	vld [tilespmem:s31+$0x2810];
	_ =	sdelay $0x4  }
0x2d9: {  	v61 =	vshll.u32 v3, $0x1  }
0x2da: {  	v3 =	vand.u32 $0x7, v3;
	v4 =	vand.u32 $0xFFFFFFF0, v61  }
0x2db: {  	v3 =	vor.u32 v3, v4  }
0x2dc: {  	v4 =	vperm.xlane v3, v0;
	_ =	sdelay $0x1  }
0x2dd: {  	v3 =	vperm.xlane v3, v2;
	v4 =	vadd.s32 v1, v4;
	_ =	sdelay $0x1  }
0x2de: {  	v3 =	vadd.s32 v1, v3;
	_ =	sdelay $0x2  }
0x2df: {  	[tilespmem:s11], [sflag:$0x4] =	stream.indirect_vreg.gather [hbm4b:s4+s2], $0x80, v4, vm0, $0xb8;
	[tilespmem:$0x1CF00] =	vst v63  }
0x2e0: {  	_ = 	snop  }
0x2e1: {  	[tilespmem:s12], [sflag:$0x4] =	stream.indirect_vreg.gather [hbm4b:s4+s2], $0x80, v3, vm0, $0xb8;
	[tilespmem:$0x1CF00] =	vst v63  }
0x2e2: {  	v3 =	vld [tilespmem:s31+$0x2820];
	_ =	sdelay $0x4  }
0x2e3: {  	v62 =	vshll.u32 v3, $0x1  }
0x2e4: {  	v3 =	vand.u32 $0x7, v3;
	v4 =	vand.u32 $0xFFFFFFF0, v62  }
0x2e5: {  	v3 =	vor.u32 v3, v4  }
0x2e6: {  	v4 =	vperm.xlane v3, v0;
	_ =	sdelay $0x1  }
0x2e7: {  	v3 =	vperm.xlane v3, v2;
	v4 =	vadd.s32 v1, v4;
	_ =	sdelay $0x1  }
0x2e8: {  	v3 =	vadd.s32 v1, v3;
	_ =	sdelay $0x2  }
0x2e9: {  	[tilespmem:s13], [sflag:$0x4] =	stream.indirect_vreg.gather [hbm4b:s4+s2], $0x80, v4, vm0, $0xb8;
	[tilespmem:$0x1CF00] =	vst v63  }
0x2ea: {  	_ = 	snop  }
0x2eb: {  	[tilespmem:s18], [sflag:$0x4] =	stream.indirect_vreg.gather [hbm4b:s4+s2], $0x80, v3, vm0, $0xb8;
	[tilespmem:$0x1CF00] =	vst v63  }
0x2ec: {  	v3 =	vld [tilespmem:s31+$0x2830];
	_ =	sdelay $0x4  }
0x2ed: {  	v63 =	vshll.u32 v3, $0x1  }
0x2ee: {  	v3 =	vand.u32 $0x7, v3;
	v4 =	vand.u32 $0xFFFFFFF0, v63  }
0x2ef: {  	v3 =	vor.u32 v3, v4  }
0x2f0: {  	v4 =	vperm.xlane v3, v0;
	_ =	sdelay $0x1  }
0x2f1: {  	v3 =	vperm.xlane v3, v2;
	v4 =	vadd.s32 v1, v4  }
0x2f2: {  	s28 =	sadd.s32 $0x1, s28  }
0x2f3: {  	p0 =	sne.s32 s28, $0x34;
	v3 =	vadd.s32 v1, v3  }
.Ltmp2:
0x2f4: {  	_ = 	snop;
	(pc) =	sbr.rel @p0 .LBB2_2-.Ltmp2, $4  }
0x2f5: {  	_ = 	snop  }
0x2f6: {  	[tilespmem:s19], [sflag:$0x4] =	stream.indirect_vreg.gather [hbm4b:s4+s2], $0x80, v4, vm0, $0xb8;
	[tilespmem:$0x1CF00] =	vst v63  }
0x2f7: {  	_ = 	snop  }
0x2f8: {  	[tilespmem:s20], [sflag:$0x4] =	stream.indirect_vreg.gather [hbm4b:s4+s2], $0x80, v3, vm0, $0xb8;
	[tilespmem:$0x1CF00] =	vst v63  }
0x2f9: {  	_ =	swait.ge [sflag:s21], $0x6000  }
0x2fa: {  	[sflag:s21] =	ssyncset.done $0x0  }
0x2fb: {  	[sflag:s21] =	ssyncadd.s32 $0xFFFFA000  }
0x2fc: {  	s0 =	simm.s32 $0x0;
	_ =	swait.ge [sflag:s22], $0x6000  }
0x2fd: {  	s1 =	sand.u32 $0x7800, s0;
	s0 =	sand.u32 $0x380, s0;
	[sflag:s22] =	ssyncset.done $0x0  }
0x2fe: {  	s1 =	sor.u32 s0, s1;
	[sflag:s22] =	ssyncadd.s32 $0xFFFFA000  }
0x2ff: {  	v3 =	vld [tilespmem:s1+$0xB370]  }
0x300: {  	v4 =	vld [tilespmem:s1+$0xAF00]  }
0x301: {  	v5 =	vld [tilespmem:s1+$0xAF10]  }
0x302: {  	v6 =	vld [tilespmem:s1+$0xAF20]  }
0x303: {  	v7 =	vld [tilespmem:s1+$0xAF30]  }
0x304: {  	v8 =	vld [tilespmem:s1+$0xAF40]  }
0x305: {  	v9 =	vld [tilespmem:s1+$0xAF50]  }
0x306: {  	v10 =	vld [tilespmem:s1+$0xAF60]  }
0x307: {  	v11 =	vld [tilespmem:s1+$0xAF70]  }
0x308: {  	v12 =	vld [tilespmem:s1+$0xB300]  }
0x309: {  	v13 =	vld [tilespmem:s1+$0xB310]  }
0x30a: {  	v14 =	vld [tilespmem:s1+$0xB320]  }
0x30b: {  	v15 =	vld [tilespmem:s1+$0xB330]  }
0x30c: {  	v16 =	vld [tilespmem:s1+$0xB340]  }
0x30d: {  	v17 =	vld [tilespmem:s1+$0xB350]  }
0x30e: {  	[tilespmem:s1+$0x5370] =	vst.add.f32.msk $0xffff, v3  }
0x30f: {  	v3 =	vld [tilespmem:s1+$0xB360]  }
0x310: {  	[tilespmem:s1+$0x4F00] =	vst.add.f32.msk $0xffff, v4  }
0x311: {  	[tilespmem:s1+$0x4F10] =	vst.add.f32.msk $0xffff, v5  }
0x312: {  	[tilespmem:s1+$0x4F20] =	vst.add.f32.msk $0xffff, v6  }
0x313: {  	[tilespmem:s1+$0x4F30] =	vst.add.f32.msk $0xffff, v7  }
0x314: {  	[tilespmem:s1+$0x4F40] =	vst.add.f32.msk $0xffff, v8  }
0x315: {  	[tilespmem:s1+$0x4F50] =	vst.add.f32.msk $0xffff, v9  }
0x316: {  	[tilespmem:s1+$0x4F60] =	vst.add.f32.msk $0xffff, v10  }
0x317: {  	[tilespmem:s1+$0x4F70] =	vst.add.f32.msk $0xffff, v11  }
0x318: {  	[tilespmem:s1+$0x5300] =	vst.add.f32.msk $0xffff, v12  }
0x319: {  	[tilespmem:s1+$0x5310] =	vst.add.f32.msk $0xffff, v13  }
0x31a: {  	[tilespmem:s1+$0x5320] =	vst.add.f32.msk $0xffff, v14  }
0x31b: {  	[tilespmem:s1+$0x5330] =	vst.add.f32.msk $0xffff, v15  }
0x31c: {  	s6 =	simm.s32 $0x100;
	s0 =	simm.s32 $0x80;
	[tilespmem:s1+$0x5340] =	vst.add.f32.msk $0xffff, v16  }
0x31d: {  	s15 =	simm.s32 $0x200;
	s6 =	sand.u32 $0x7800, s6;
	s7 =	sand.u32 $0x380, s0;
	[tilespmem:s1+$0x5350] =	vst.add.f32.msk $0xffff, v17  }
.LBB2_8:
0x31e: {  	p0 =	sne.s32 s15, $0x5F00;
	[tilespmem:s1+$0x5360] =	vst.add.f32.msk $0xffff, v3;
	s1 =	sor.u32 s7, s6  }
0x31f: {  	v3 =	vld [tilespmem:s1+$0xB370]  }
0x320: {  	v4 =	vld [tilespmem:s1+$0xAF00]  }
0x321: {  	v5 =	vld [tilespmem:s1+$0xAF10]  }
0x322: {  	v6 =	vld [tilespmem:s1+$0xAF20]  }
0x323: {  	v7 =	vld [tilespmem:s1+$0xAF30]  }
0x324: {  	[tilespmem:s1+$0x5370] =	vst.add.f32.msk $0xffff, v3  }
0x325: {  	v8 =	vld [tilespmem:s1+$0xAF40]  }
0x326: {  	v9 =	vld [tilespmem:s1+$0xAF50]  }
0x327: {  	v10 =	vld [tilespmem:s1+$0xAF60]  }
0x328: {  	v11 =	vld [tilespmem:s1+$0xAF70]  }
0x329: {  	v12 =	vld [tilespmem:s1+$0xB300]  }
0x32a: {  	v13 =	vld [tilespmem:s1+$0xB310]  }
0x32b: {  	v14 =	vld [tilespmem:s1+$0xB320]  }
0x32c: {  	v15 =	vld [tilespmem:s1+$0xB330]  }
0x32d: {  	v16 =	vld [tilespmem:s1+$0xB340]  }
0x32e: {  	v17 =	vld [tilespmem:s1+$0xB350]  }
0x32f: {  	v3 =	vld [tilespmem:s1+$0xB360]  }
0x330: {  	[tilespmem:s1+$0x4F00] =	vst.add.f32.msk $0xffff, v4  }
0x331: {  	[tilespmem:s1+$0x4F10] =	vst.add.f32.msk $0xffff, v5  }
0x332: {  	[tilespmem:s1+$0x4F20] =	vst.add.f32.msk $0xffff, v6  }
0x333: {  	[tilespmem:s1+$0x4F30] =	vst.add.f32.msk $0xffff, v7  }
0x334: {  	[tilespmem:s1+$0x4F40] =	vst.add.f32.msk $0xffff, v8  }
0x335: {  	[tilespmem:s1+$0x4F50] =	vst.add.f32.msk $0xffff, v9  }
0x336: {  	[tilespmem:s1+$0x4F60] =	vst.add.f32.msk $0xffff, v10  }
0x337: {  	[tilespmem:s1+$0x4F70] =	vst.add.f32.msk $0xffff, v11  }
0x338: {  	[tilespmem:s1+$0x5300] =	vst.add.f32.msk $0xffff, v12  }
.Ltmp3:
0x339: {  	[tilespmem:s1+$0x5310] =	vst.add.f32.msk $0xffff, v13;
	(pc) =	sbr.rel @p0 .LBB2_8-.Ltmp3, $4  }
0x33a: {  	[tilespmem:s1+$0x5320] =	vst.add.f32.msk $0xffff, v14  }
0x33b: {  	[tilespmem:s1+$0x5330] =	vst.add.f32.msk $0xffff, v15  }
0x33c: {  	s0 =	sadd.s32 $0x80, s0;
	[tilespmem:s1+$0x5340] =	vst.add.f32.msk $0xffff, v16  }
0x33d: {  	s6 =	sand.u32 $0x7800, s15;
	s15 =	sadd.s32 $0x100, s15;
	s7 =	sand.u32 $0x380, s0;
	[tilespmem:s1+$0x5350] =	vst.add.f32.msk $0xffff, v17  }
0x33e: {  	s0 =	sor.u32 s7, s6;
	[tilespmem:s1+$0x5360] =	vst.add.f32.msk $0xffff, v3  }
0x33f: {  	v3 =	vld [tilespmem:s0+$0xB370]  }
0x340: {  	v4 =	vld [tilespmem:s0+$0xAF00]  }
0x341: {  	v5 =	vld [tilespmem:s0+$0xAF10]  }
0x342: {  	v6 =	vld [tilespmem:s0+$0xAF20]  }
0x343: {  	v7 =	vld [tilespmem:s0+$0xAF30]  }
0x344: {  	v8 =	vld [tilespmem:s0+$0xAF50]  }
0x345: {  	v9 =	vld [tilespmem:s0+$0xAF60]  }
0x346: {  	v10 =	vld [tilespmem:s0+$0xAF70]  }
0x347: {  	v11 =	vld [tilespmem:s0+$0xB300]  }
0x348: {  	v12 =	vld [tilespmem:s0+$0xB310]  }
0x349: {  	v13 =	vld [tilespmem:s0+$0xB320]  }
0x34a: {  	v14 =	vld [tilespmem:s0+$0xB330]  }
0x34b: {  	v15 =	vld [tilespmem:s0+$0xB340]  }
0x34c: {  	v16 =	vld [tilespmem:s0+$0xB350]  }
0x34d: {  	v17 =	vld [tilespmem:s0+$0xB360]  }
0x34e: {  	[tilespmem:s0+$0x5370] =	vst.add.f32.msk $0xffff, v3  }
0x34f: {  	v3 =	vld [tilespmem:s0+$0xAF40]  }
0x350: {  	[tilespmem:s0+$0x4F00] =	vst.add.f32.msk $0xffff, v4  }
0x351: {  	[tilespmem:s0+$0x4F10] =	vst.add.f32.msk $0xffff, v5  }
0x352: {  	[tilespmem:s0+$0x4F20] =	vst.add.f32.msk $0xffff, v6  }
0x353: {  	[tilespmem:s0+$0x4F30] =	vst.add.f32.msk $0xffff, v7  }
0x354: {  	[tilespmem:s0+$0x4F50] =	vst.add.f32.msk $0xffff, v8  }
0x355: {  	[tilespmem:s0+$0x4F60] =	vst.add.f32.msk $0xffff, v9  }
0x356: {  	[tilespmem:s0+$0x4F70] =	vst.add.f32.msk $0xffff, v10  }
0x357: {  	[tilespmem:s0+$0x5300] =	vst.add.f32.msk $0xffff, v11  }
0x358: {  	[tilespmem:s0+$0x5310] =	vst.add.f32.msk $0xffff, v12  }
0x359: {  	[tilespmem:s0+$0x5320] =	vst.add.f32.msk $0xffff, v13  }
0x35a: {  	[tilespmem:s0+$0x5330] =	vst.add.f32.msk $0xffff, v14  }
0x35b: {  	[tilespmem:s0+$0x5340] =	vst.add.f32.msk $0xffff, v15  }
0x35c: {  	[tilespmem:s0+$0x5350] =	vst.add.f32.msk $0xffff, v16  }
0x35d: {  	[tilespmem:s0+$0x5360] =	vst.add.f32.msk $0xffff, v17  }
0x35e: {  	s7 =	simm.s32 $0x0;
	s15 =	rddreg [dreg:$0x4];
	[tilespmem:s0+$0x4F40] =	vst.add.f32.msk $0xffff, v3  }
0x35f: {  	[hbm4b:s15+s7] =	stream.linear.scatter [tilespmem:s16], [sflag:$0x5], $0x6000, $0x38;
	[tilespmem:$0x1CF00] =	vst v63  }
0x360: {  	_ =	swait.ge [sflag:s23], $0x6000  }
0x361: {  	[sflag:s23] =	ssyncset.done $0x0  }
0x362: {  	[sflag:s23] =	ssyncadd.s32 $0xFFFFA000  }
0x363: {  	_ =	swait.ge [sflag:s24], $0x6000  }
0x364: {  	s28 =	sand.u32 $0x7800, s7;
	s0 =	sand.u32 $0x380, s7;
	[sflag:s24] =	ssyncset.done $0x0  }
0x365: {  	s1 =	sor.u32 s0, s28;
	[sflag:s24] =	ssyncadd.s32 $0xFFFFA000  }
0x366: {  	v3 =	vld [tilespmem:s1+$0x17370]  }
0x367: {  	v4 =	vld [tilespmem:s1+$0x16F00]  }
0x368: {  	v5 =	vld [tilespmem:s1+$0x16F10]  }
0x369: {  	v52 =	vld [tilespmem:s1+$0x16F20]  }
0x36a: {  	v53 =	vld [tilespmem:s1+$0x16F30]  }
0x36b: {  	v54 =	vld [tilespmem:s1+$0x16F40]  }
0x36c: {  	v55 =	vld [tilespmem:s1+$0x16F50]  }
0x36d: {  	v56 =	vld [tilespmem:s1+$0x16F60]  }
0x36e: {  	v57 =	vld [tilespmem:s1+$0x16F70]  }
0x36f: {  	v58 =	vld [tilespmem:s1+$0x17300]  }
0x370: {  	v59 =	vld [tilespmem:s1+$0x17310]  }
0x371: {  	v60 =	vld [tilespmem:s1+$0x17320]  }
0x372: {  	v61 =	vld [tilespmem:s1+$0x17330]  }
0x373: {  	v62 =	vld [tilespmem:s1+$0x17340]  }
0x374: {  	v63 =	vld [tilespmem:s1+$0x17350]  }
0x375: {  	[tilespmem:s1+$0x11370] =	vst.add.f32.msk $0xffff, v3  }
0x376: {  	v3 =	vld [tilespmem:s1+$0x17360]  }
0x377: {  	[tilespmem:s1+$0x10F00] =	vst.add.f32.msk $0xffff, v4  }
0x378: {  	[tilespmem:s1+$0x10F10] =	vst.add.f32.msk $0xffff, v5  }
0x379: {  	[tilespmem:s1+$0x10F20] =	vst.add.f32.msk $0xffff, v52  }
0x37a: {  	[tilespmem:s1+$0x10F30] =	vst.add.f32.msk $0xffff, v53  }
0x37b: {  	[tilespmem:s1+$0x10F40] =	vst.add.f32.msk $0xffff, v54  }
0x37c: {  	[tilespmem:s1+$0x10F50] =	vst.add.f32.msk $0xffff, v55  }
0x37d: {  	[tilespmem:s1+$0x10F60] =	vst.add.f32.msk $0xffff, v56  }
0x37e: {  	[tilespmem:s1+$0x10F70] =	vst.add.f32.msk $0xffff, v57  }
0x37f: {  	[tilespmem:s1+$0x11300] =	vst.add.f32.msk $0xffff, v58  }
0x380: {  	[tilespmem:s1+$0x11310] =	vst.add.f32.msk $0xffff, v59  }
0x381: {  	[tilespmem:s1+$0x11320] =	vst.add.f32.msk $0xffff, v60  }
0x382: {  	[tilespmem:s1+$0x11330] =	vst.add.f32.msk $0xffff, v61  }
0x383: {  	s31 =	simm.s32 $0x100;
	s0 =	simm.s32 $0x80;
	[tilespmem:s1+$0x11340] =	vst.add.f32.msk $0xffff, v62  }
0x384: {  	s6 =	sand.u32 $0x7800, s31;
	s15 =	simm.s32 $0x200;
	s7 =	sand.u32 $0x380, s0;
	[tilespmem:s1+$0x11350] =	vst.add.f32.msk $0xffff, v63  }
.LBB2_10:
0x385: {  	p0 =	sne.s32 s15, $0x5F00;
	[tilespmem:s1+$0x11360] =	vst.add.f32.msk $0xffff, v3;
	s1 =	sor.u32 s7, s6  }
0x386: {  	v3 =	vld [tilespmem:s1+$0x17370]  }
0x387: {  	v4 =	vld [tilespmem:s1+$0x16F00]  }
0x388: {  	v5 =	vld [tilespmem:s1+$0x16F10]  }
0x389: {  	v6 =	vld [tilespmem:s1+$0x16F20]  }
0x38a: {  	v7 =	vld [tilespmem:s1+$0x16F30]  }
0x38b: {  	[tilespmem:s1+$0x11370] =	vst.add.f32.msk $0xffff, v3  }
0x38c: {  	v8 =	vld [tilespmem:s1+$0x16F40]  }
0x38d: {  	v9 =	vld [tilespmem:s1+$0x16F50]  }
0x38e: {  	v10 =	vld [tilespmem:s1+$0x16F60]  }
0x38f: {  	v11 =	vld [tilespmem:s1+$0x16F70]  }
0x390: {  	v12 =	vld [tilespmem:s1+$0x17300]  }
0x391: {  	v13 =	vld [tilespmem:s1+$0x17310]  }
0x392: {  	v14 =	vld [tilespmem:s1+$0x17320]  }
0x393: {  	v15 =	vld [tilespmem:s1+$0x17330]  }
0x394: {  	v16 =	vld [tilespmem:s1+$0x17340]  }
0x395: {  	v17 =	vld [tilespmem:s1+$0x17350]  }
0x396: {  	v3 =	vld [tilespmem:s1+$0x17360]  }
0x397: {  	[tilespmem:s1+$0x10F00] =	vst.add.f32.msk $0xffff, v4  }
0x398: {  	[tilespmem:s1+$0x10F10] =	vst.add.f32.msk $0xffff, v5  }
0x399: {  	[tilespmem:s1+$0x10F20] =	vst.add.f32.msk $0xffff, v6  }
0x39a: {  	[tilespmem:s1+$0x10F30] =	vst.add.f32.msk $0xffff, v7  }
0x39b: {  	[tilespmem:s1+$0x10F40] =	vst.add.f32.msk $0xffff, v8  }
0x39c: {  	[tilespmem:s1+$0x10F50] =	vst.add.f32.msk $0xffff, v9  }
0x39d: {  	[tilespmem:s1+$0x10F60] =	vst.add.f32.msk $0xffff, v10  }
0x39e: {  	[tilespmem:s1+$0x10F70] =	vst.add.f32.msk $0xffff, v11  }
0x39f: {  	[tilespmem:s1+$0x11300] =	vst.add.f32.msk $0xffff, v12  }
.Ltmp4:
0x3a0: {  	[tilespmem:s1+$0x11310] =	vst.add.f32.msk $0xffff, v13;
	(pc) =	sbr.rel @p0 .LBB2_10-.Ltmp4, $4  }
0x3a1: {  	[tilespmem:s1+$0x11320] =	vst.add.f32.msk $0xffff, v14  }
0x3a2: {  	[tilespmem:s1+$0x11330] =	vst.add.f32.msk $0xffff, v15  }
0x3a3: {  	s0 =	sadd.s32 $0x80, s0;
	[tilespmem:s1+$0x11340] =	vst.add.f32.msk $0xffff, v16  }
0x3a4: {  	s6 =	sand.u32 $0x7800, s15;
	s15 =	sadd.s32 $0x100, s15;
	s7 =	sand.u32 $0x380, s0;
	[tilespmem:s1+$0x11350] =	vst.add.f32.msk $0xffff, v17  }
0x3a5: {  	s0 =	sor.u32 s7, s6;
	[tilespmem:s1+$0x11360] =	vst.add.f32.msk $0xffff, v3  }
0x3a6: {  	v3 =	vld [tilespmem:s0+$0x17370]  }
0x3a7: {  	v4 =	vld [tilespmem:s0+$0x16F00]  }
0x3a8: {  	v5 =	vld [tilespmem:s0+$0x16F10]  }
0x3a9: {  	v6 =	vld [tilespmem:s0+$0x16F20]  }
0x3aa: {  	v7 =	vld [tilespmem:s0+$0x16F30]  }
0x3ab: {  	v8 =	vld [tilespmem:s0+$0x16F50]  }
0x3ac: {  	v9 =	vld [tilespmem:s0+$0x16F60]  }
0x3ad: {  	v10 =	vld [tilespmem:s0+$0x16F70]  }
0x3ae: {  	v11 =	vld [tilespmem:s0+$0x17300]  }
0x3af: {  	v12 =	vld [tilespmem:s0+$0x17310]  }
0x3b0: {  	v13 =	vld [tilespmem:s0+$0x17320]  }
0x3b1: {  	v14 =	vld [tilespmem:s0+$0x17330]  }
0x3b2: {  	v15 =	vld [tilespmem:s0+$0x17340]  }
0x3b3: {  	v16 =	vld [tilespmem:s0+$0x17350]  }
0x3b4: {  	v17 =	vld [tilespmem:s0+$0x17360]  }
0x3b5: {  	[tilespmem:s0+$0x11370] =	vst.add.f32.msk $0xffff, v3  }
0x3b6: {  	v3 =	vld [tilespmem:s0+$0x16F40]  }
0x3b7: {  	[tilespmem:s0+$0x10F00] =	vst.add.f32.msk $0xffff, v4  }
0x3b8: {  	[tilespmem:s0+$0x10F10] =	vst.add.f32.msk $0xffff, v5  }
0x3b9: {  	[tilespmem:s0+$0x10F20] =	vst.add.f32.msk $0xffff, v6  }
0x3ba: {  	[tilespmem:s0+$0x10F30] =	vst.add.f32.msk $0xffff, v7  }
0x3bb: {  	[tilespmem:s0+$0x10F50] =	vst.add.f32.msk $0xffff, v8  }
0x3bc: {  	[tilespmem:s0+$0x10F60] =	vst.add.f32.msk $0xffff, v9  }
0x3bd: {  	[tilespmem:s0+$0x10F70] =	vst.add.f32.msk $0xffff, v10  }
0x3be: {  	[tilespmem:s0+$0x11300] =	vst.add.f32.msk $0xffff, v11  }
0x3bf: {  	[tilespmem:s0+$0x11310] =	vst.add.f32.msk $0xffff, v12  }
0x3c0: {  	[tilespmem:s0+$0x11320] =	vst.add.f32.msk $0xffff, v13  }
0x3c1: {  	[tilespmem:s0+$0x11330] =	vst.add.f32.msk $0xffff, v14  }
0x3c2: {  	[tilespmem:s0+$0x11340] =	vst.add.f32.msk $0xffff, v15  }
0x3c3: {  	[tilespmem:s0+$0x11350] =	vst.add.f32.msk $0xffff, v16  }
0x3c4: {  	[tilespmem:s0+$0x11360] =	vst.add.f32.msk $0xffff, v17  }
0x3c5: {  	s7 =	simm.s32 $0x0;
	s15 =	rddreg [dreg:$0x5];
	[tilespmem:s0+$0x10F40] =	vst.add.f32.msk $0xffff, v3  }
0x3c6: {  	[hbm4b:s15+s7] =	stream.linear.scatter [tilespmem:s14], [sflag:$0x6], $0x6000, $0x38;
	[tilespmem:$0x1CF00] =	vst v63  }
0x3c7: {  	_ =	swait.ge [sflag:s25], $0x6000  }
0x3c8: {  	[sflag:s25] =	ssyncset.done $0x0  }
0x3c9: {  	[sflag:s25] =	ssyncadd.s32 $0xFFFFA000  }
0x3ca: {  	v3 =	vld [tilespmem:$0x2700];
	_ =	sdelay $0x4  }
0x3cb: {  	v4 =	vshll.u32 v3, $0x1  }
0x3cc: {  	v3 =	vand.u32 $0x7, v3;
	v4 =	vand.u32 $0xFFFFFFF0, v4  }
0x3cd: {  	v3 =	vor.u32 v3, v4  }
0x3ce: {  	v4 =	vperm.xlane v3, v0;
	_ =	sdelay $0x1  }
0x3cf: {  	v3 =	vperm.xlane v3, v2;
	v4 =	vadd.s32 v1, v4;
	_ =	sdelay $0x1  }
0x3d0: {  	v3 =	vadd.s32 v1, v3;
	_ =	sdelay $0x2  }
0x3d1: {  	[tilespmem:s16], [sflag:$0x1] =	stream.indirect_vreg.gather [hbm4b:s3+s7], $0x80, v4, vm0, $0xb8;
	[tilespmem:$0x1CF00] =	vst v63  }
0x3d2: {  	_ = 	snop  }
0x3d3: {  	[tilespmem:s17], [sflag:$0x1] =	stream.indirect_vreg.gather [hbm4b:s3+s7], $0x80, v3, vm0, $0xb8;
	[tilespmem:$0x1CF00] =	vst v63  }
0x3d4: {  	v3 =	vld [tilespmem:$0x4E80];
	_ =	sdelay $0x4  }
0x3d5: {  	v4 =	vshll.u32 v3, $0x1  }
0x3d6: {  	v3 =	vand.u32 $0x7, v3;
	v4 =	vand.u32 $0xFFFFFFF0, v4  }
0x3d7: {  	v3 =	vor.u32 v3, v4  }
0x3d8: {  	v4 =	vperm.xlane v3, v0;
	_ =	sdelay $0x1  }
0x3d9: {  	v3 =	vperm.xlane v3, v2;
	v4 =	vadd.s32 v1, v4;
	_ =	sdelay $0x1  }
0x3da: {  	v3 =	vadd.s32 v1, v3;
	_ =	sdelay $0x2  }
0x3db: {  	[tilespmem:s29], [sflag:$0x2] =	stream.indirect_vreg.gather [hbm4b:s4+s7], $0x80, v4, vm0, $0xb8;
	[tilespmem:$0x1CF00] =	vst v63  }
0x3dc: {  	_ = 	snop  }
0x3dd: {  	[tilespmem:s30], [sflag:$0x2] =	stream.indirect_vreg.gather [hbm4b:s4+s7], $0x80, v3, vm0, $0xb8;
	[tilespmem:$0x1CF00] =	vst v63  }
0x3de: {  	_ =	swait.ge [sflag:s21], $0x1000  }
0x3df: {  	[sflag:s21] =	ssyncset.done $0x0  }
0x3e0: {  	[sflag:s21] =	ssyncadd.s32 $0xFFFFF000  }
0x3e1: {  	_ =	swait.ge [sflag:s22], $0x1000  }
0x3e2: {  	s28 =	sand.u32 $0x800, s7;
	s0 =	sand.u32 $0x380, s7;
	[sflag:s22] =	ssyncset.done $0x0  }
0x3e3: {  	s1 =	sor.u32 s0, s28;
	[sflag:s22] =	ssyncadd.s32 $0xFFFFF000  }
0x3e4: {  	v3 =	vld [tilespmem:s1+$0xB370]  }
0x3e5: {  	v4 =	vld [tilespmem:s1+$0xAF00]  }
0x3e6: {  	v5 =	vld [tilespmem:s1+$0xAF10]  }
0x3e7: {  	v52 =	vld [tilespmem:s1+$0xAF20]  }
0x3e8: {  	v53 =	vld [tilespmem:s1+$0xAF30]  }
0x3e9: {  	v54 =	vld [tilespmem:s1+$0xAF40]  }
0x3ea: {  	v55 =	vld [tilespmem:s1+$0xAF50]  }
0x3eb: {  	v56 =	vld [tilespmem:s1+$0xAF60]  }
0x3ec: {  	v57 =	vld [tilespmem:s1+$0xAF70]  }
0x3ed: {  	v58 =	vld [tilespmem:s1+$0xB300]  }
0x3ee: {  	v59 =	vld [tilespmem:s1+$0xB310]  }
0x3ef: {  	v60 =	vld [tilespmem:s1+$0xB320]  }
0x3f0: {  	v61 =	vld [tilespmem:s1+$0xB330]  }
0x3f1: {  	v62 =	vld [tilespmem:s1+$0xB340]  }
0x3f2: {  	v63 =	vld [tilespmem:s1+$0xB350]  }
0x3f3: {  	[tilespmem:s1+$0x5370] =	vst.add.f32.msk $0xffff, v3  }
0x3f4: {  	v3 =	vld [tilespmem:s1+$0xB360]  }
0x3f5: {  	[tilespmem:s1+$0x4F00] =	vst.add.f32.msk $0xffff, v4  }
0x3f6: {  	[tilespmem:s1+$0x4F10] =	vst.add.f32.msk $0xffff, v5  }
0x3f7: {  	[tilespmem:s1+$0x4F20] =	vst.add.f32.msk $0xffff, v52  }
0x3f8: {  	[tilespmem:s1+$0x4F30] =	vst.add.f32.msk $0xffff, v53  }
0x3f9: {  	[tilespmem:s1+$0x4F40] =	vst.add.f32.msk $0xffff, v54  }
0x3fa: {  	[tilespmem:s1+$0x4F50] =	vst.add.f32.msk $0xffff, v55  }
0x3fb: {  	[tilespmem:s1+$0x4F60] =	vst.add.f32.msk $0xffff, v56  }
0x3fc: {  	[tilespmem:s1+$0x4F70] =	vst.add.f32.msk $0xffff, v57  }
0x3fd: {  	[tilespmem:s1+$0x5300] =	vst.add.f32.msk $0xffff, v58  }
0x3fe: {  	[tilespmem:s1+$0x5310] =	vst.add.f32.msk $0xffff, v59  }
0x3ff: {  	[tilespmem:s1+$0x5320] =	vst.add.f32.msk $0xffff, v60  }
0x400: {  	[tilespmem:s1+$0x5330] =	vst.add.f32.msk $0xffff, v61  }
0x401: {  	s31 =	simm.s32 $0x100;
	s0 =	simm.s32 $0x80;
	[tilespmem:s1+$0x5340] =	vst.add.f32.msk $0xffff, v62  }
0x402: {  	s6 =	sand.u32 $0x800, s31;
	s15 =	simm.s32 $0x200;
	s7 =	sand.u32 $0x380, s0;
	[tilespmem:s1+$0x5350] =	vst.add.f32.msk $0xffff, v63  }
.LBB2_12:
0x403: {  	p0 =	sne.s32 s15, $0xF00;
	[tilespmem:s1+$0x5360] =	vst.add.f32.msk $0xffff, v3;
	s1 =	sor.u32 s7, s6  }
0x404: {  	v3 =	vld [tilespmem:s1+$0xB370]  }
0x405: {  	v4 =	vld [tilespmem:s1+$0xAF00]  }
0x406: {  	v5 =	vld [tilespmem:s1+$0xAF10]  }
0x407: {  	v6 =	vld [tilespmem:s1+$0xAF20]  }
0x408: {  	v7 =	vld [tilespmem:s1+$0xAF30]  }
0x409: {  	[tilespmem:s1+$0x5370] =	vst.add.f32.msk $0xffff, v3  }
0x40a: {  	v8 =	vld [tilespmem:s1+$0xAF40]  }
0x40b: {  	v9 =	vld [tilespmem:s1+$0xAF50]  }
0x40c: {  	v10 =	vld [tilespmem:s1+$0xAF60]  }
0x40d: {  	v11 =	vld [tilespmem:s1+$0xAF70]  }
0x40e: {  	v12 =	vld [tilespmem:s1+$0xB300]  }
0x40f: {  	v13 =	vld [tilespmem:s1+$0xB310]  }
0x410: {  	v14 =	vld [tilespmem:s1+$0xB320]  }
0x411: {  	v15 =	vld [tilespmem:s1+$0xB330]  }
0x412: {  	v16 =	vld [tilespmem:s1+$0xB340]  }
0x413: {  	v17 =	vld [tilespmem:s1+$0xB350]  }
0x414: {  	v3 =	vld [tilespmem:s1+$0xB360]  }
0x415: {  	[tilespmem:s1+$0x4F00] =	vst.add.f32.msk $0xffff, v4  }
0x416: {  	[tilespmem:s1+$0x4F10] =	vst.add.f32.msk $0xffff, v5  }
0x417: {  	[tilespmem:s1+$0x4F20] =	vst.add.f32.msk $0xffff, v6  }
0x418: {  	[tilespmem:s1+$0x4F30] =	vst.add.f32.msk $0xffff, v7  }
0x419: {  	[tilespmem:s1+$0x4F40] =	vst.add.f32.msk $0xffff, v8  }
0x41a: {  	[tilespmem:s1+$0x4F50] =	vst.add.f32.msk $0xffff, v9  }
0x41b: {  	[tilespmem:s1+$0x4F60] =	vst.add.f32.msk $0xffff, v10  }
0x41c: {  	[tilespmem:s1+$0x4F70] =	vst.add.f32.msk $0xffff, v11  }
0x41d: {  	[tilespmem:s1+$0x5300] =	vst.add.f32.msk $0xffff, v12  }
.Ltmp5:
0x41e: {  	[tilespmem:s1+$0x5310] =	vst.add.f32.msk $0xffff, v13;
	(pc) =	sbr.rel @p0 .LBB2_12-.Ltmp5, $4  }
0x41f: {  	[tilespmem:s1+$0x5320] =	vst.add.f32.msk $0xffff, v14  }
0x420: {  	[tilespmem:s1+$0x5330] =	vst.add.f32.msk $0xffff, v15  }
0x421: {  	s0 =	sadd.s32 $0x80, s0;
	[tilespmem:s1+$0x5340] =	vst.add.f32.msk $0xffff, v16  }
0x422: {  	s6 =	sand.u32 $0x800, s15;
	s15 =	sadd.s32 $0x100, s15;
	s7 =	sand.u32 $0x380, s0;
	[tilespmem:s1+$0x5350] =	vst.add.f32.msk $0xffff, v17  }
0x423: {  	s0 =	sor.u32 s7, s6;
	[tilespmem:s1+$0x5360] =	vst.add.f32.msk $0xffff, v3  }
0x424: {  	v3 =	vld [tilespmem:s0+$0xB370]  }
0x425: {  	v4 =	vld [tilespmem:s0+$0xAF00]  }
0x426: {  	v5 =	vld [tilespmem:s0+$0xAF10]  }
0x427: {  	v6 =	vld [tilespmem:s0+$0xAF20]  }
0x428: {  	v7 =	vld [tilespmem:s0+$0xAF30]  }
0x429: {  	v8 =	vld [tilespmem:s0+$0xAF50]  }
0x42a: {  	v9 =	vld [tilespmem:s0+$0xAF60]  }
0x42b: {  	v10 =	vld [tilespmem:s0+$0xAF70]  }
0x42c: {  	v11 =	vld [tilespmem:s0+$0xB300]  }
0x42d: {  	v12 =	vld [tilespmem:s0+$0xB310]  }
0x42e: {  	v13 =	vld [tilespmem:s0+$0xB320]  }
0x42f: {  	v14 =	vld [tilespmem:s0+$0xB330]  }
0x430: {  	v15 =	vld [tilespmem:s0+$0xB340]  }
0x431: {  	v16 =	vld [tilespmem:s0+$0xB350]  }
0x432: {  	v17 =	vld [tilespmem:s0+$0xB360]  }
0x433: {  	[tilespmem:s0+$0x5370] =	vst.add.f32.msk $0xffff, v3  }
0x434: {  	v3 =	vld [tilespmem:s0+$0xAF40]  }
0x435: {  	[tilespmem:s0+$0x4F00] =	vst.add.f32.msk $0xffff, v4  }
0x436: {  	[tilespmem:s0+$0x4F10] =	vst.add.f32.msk $0xffff, v5  }
0x437: {  	[tilespmem:s0+$0x4F20] =	vst.add.f32.msk $0xffff, v6  }
0x438: {  	[tilespmem:s0+$0x4F30] =	vst.add.f32.msk $0xffff, v7  }
0x439: {  	[tilespmem:s0+$0x4F50] =	vst.add.f32.msk $0xffff, v8  }
0x43a: {  	[tilespmem:s0+$0x4F60] =	vst.add.f32.msk $0xffff, v9  }
0x43b: {  	[tilespmem:s0+$0x4F70] =	vst.add.f32.msk $0xffff, v10  }
0x43c: {  	[tilespmem:s0+$0x5300] =	vst.add.f32.msk $0xffff, v11  }
0x43d: {  	[tilespmem:s0+$0x5310] =	vst.add.f32.msk $0xffff, v12  }
0x43e: {  	[tilespmem:s0+$0x5320] =	vst.add.f32.msk $0xffff, v13  }
0x43f: {  	[tilespmem:s0+$0x5330] =	vst.add.f32.msk $0xffff, v14  }
0x440: {  	[tilespmem:s0+$0x5340] =	vst.add.f32.msk $0xffff, v15  }
0x441: {  	[tilespmem:s0+$0x5350] =	vst.add.f32.msk $0xffff, v16  }
0x442: {  	[tilespmem:s0+$0x5360] =	vst.add.f32.msk $0xffff, v17  }
0x443: {  	s15 =	rddreg [dreg:$0x6];
	[tilespmem:s0+$0x4F40] =	vst.add.f32.msk $0xffff, v3  }
0x444: {  	[hbm4b:s15+s2] =	stream.linear.scatter [tilespmem:s16], [sflag:$0x5], $0x1000, $0x38;
	[tilespmem:$0x1CF00] =	vst v63  }
0x445: {  	_ =	swait.ge [sflag:s25], $0x1000  }
0x446: {  	[sflag:s25] =	ssyncset.done $0x0  }
0x447: {  	[sflag:s25] =	ssyncadd.s32 $0xFFFFF000  }
0x448: {  	_ =	swait.ge [sflag:s26], $0x6000  }
0x449: {  	s28 =	rddreg [dreg:$0x8]  }
0x44a: {  	s31 =	rddreg [dreg:$0x7];
	s1 =	sadd.s32 $0x1, s28  }
0x44b: {  	p0 =	sne.s32 s1, s31  }
.Ltmp6:
0x44c: {  	_ = 	snop;
	(pc) =	sbr.rel @p0 .LBB2_1-.Ltmp6, $3  }
0x44d: {  	_ =	sdelay $0x1  }
0x44e: {  	[sflag:s26] =	ssyncset.done $0x0  }
0x44f: {  	[sflag:s26] =	ssyncadd.s32 $0xFFFFA000  }
0x450: {  	_ =	sfence.sel $0x180000  }
0x451: {  	[bflag:$0x0] =	sbarrier.arrive $0xFFFF  }
0x452: {  	_ =	strace $0x90000047  }
0x453: {  	s0 =	stileid.u32;
	[bflag:$0x2] =	sbarrier.arrive $0xFFFF  }
0x454: {  	p0 =	sne.s32 s0, $0x0;
	s0 =	rddreg [dreg:$0x1]  }
0x455: {  	s0 =	sadd.s32 @!p0 $0x100000, s0  }
0x456: {  	[sflag:s0] =	ssyncadd.tile.s32 @!p0 $0x1;
	_ =	shalt  }
.Lfunc_end2:
_tile_overlayer_lowered:
.L_overlay_start_2:
0x457: {  	(tag) =	ssettag $0x2  }
0x458: {  	s0 =	rddreg [dreg:$0x0];
	s2 =	stileid.u32  }
0x459: {  	s1 =	rddreg [dreg:$0x1];
	p0 =	sne.s32 s2, $0x0  }
0x45a: {  	s3 =	rddreg [dreg:$0x2];
	[bflag:$0x3] =	sbarrier.arrive $0xFFFF;
	s2 =	simm.s32 @!p0 $0x1C07  }
0x45b: {  	[timem:s3], [sflag:s2] =	dma.local @!p0 [hbm:s0], s1  }
0x45c: {  	s0 =	simm.s32 @!p0 $0x7  }
0x45d: {  	_ =	swait.ge @!p0 [sflag:s0], s1  }
0x45e: {  	s1 =	ssub.s32 @!p0 $0x0, s1;
	[sflag:s0] =	ssyncset.done @!p0 $0x0  }
0x45f: {  	[sflag:s0] =	ssyncadd.s32 @!p0 s1  }
0x460: {  	[bflag:$0x3] =	sbarrier.arrive $0xFFFF  }
0x461: {  	_ =	shalt  }

</sc_bundles>
